<compile_context>
chip_gen: v7x
topology: tpu7x:2x2x1
jax: 0.10.2.dev20260603
libtpu: 0.0.44.dev20260713+nightly
codegen_flags: <defaults>
</compile_context>

<pallas_src>
import functools

import jax
import jax.numpy as jnp
from jax import lax
from jax.experimental import pallas as pl
from jax.experimental.pallas import tpu as pltpu
from jax.experimental.pallas import tpu_sc as plsc

N = 10000
NP = 10112
E = 320000
F = 128
NC = 2
NS = 16
NW = NC * NS
CHUNK = 128
CPW = 80
GCH = 8
GROUPS = CPW // GCH
CPW0 = 160
CPW1 = 0
NCH0 = NS * CPW0
EP = NW * CPW * CHUNK
ROWS_PER_SUB = NP // NS

def _degrees_body(src_hbm, dst_hbm, ones_hbm, zeros_hbm, deg_hbm,
                  src_t, dst_t, ones_t, deg_s):
    cid = lax.axis_index("c")
    sid = lax.axis_index("s")
    wid = sid * NC + cid
    r0 = sid * ROWS_PER_SUB
    pltpu.sync_copy(zeros_hbm.at[pl.ds(r0, ROWS_PER_SUB)],
                    deg_s.at[pl.ds(r0, ROWS_PER_SUB)])
    pltpu.sync_copy(ones_hbm, ones_t)
    plsc.subcore_barrier()

    @pl.loop(0, GROUPS)
    def _(g):
        base = wid * CPW + g * GCH
        pltpu.sync_copy(src_hbm.at[pl.ds(base, GCH)], src_t)
        pltpu.sync_copy(dst_hbm.at[pl.ds(base, GCH)], dst_t)

        @pl.loop(0, GCH)
        def _(j):
            pltpu.sync_copy(ones_t.at[pl.ds(0, CHUNK)], deg_s.at[src_t.at[j]],
                            add=True)
            pltpu.sync_copy(ones_t.at[pl.ds(CHUNK, CHUNK)],
                            deg_s.at[dst_t.at[j]], add=True)

    plsc.subcore_barrier()
    pltpu.sync_copy(deg_s.at[pl.ds(r0, ROWS_PER_SUB)],
                    deg_hbm.at[cid].at[pl.ds(r0, ROWS_PER_SUB)])


def _edge_agg_body(h_hbm, src_hbm, dst_hbm, zeros_hbm, out_hbm,
                   src_t, dst_t, rows0, rows1, acc_s, sem0, sem1):
    cid = lax.axis_index("c")
    sid = lax.axis_index("s")
    r0 = sid * ROWS_PER_SUB

    def run(base_chunk, n_groups):
        @pl.loop(0, n_groups)
        def _(g):
            base = base_chunk + g * GCH
            pltpu.sync_copy(src_hbm.at[pl.ds(base, GCH)], src_t)
            pltpu.sync_copy(dst_hbm.at[pl.ds(base, GCH)], dst_t)
            pltpu.make_async_copy(h_hbm.at[src_t.at[0]], rows0, sem0).start()

            @pl.loop(0, GCH, step=2)
            def _(j):
                pltpu.make_async_copy(h_hbm.at[src_t.at[j + 1]], rows1,
                                      sem1).start()
                pltpu.make_async_copy(h_hbm.at[src_t.at[j]], rows0,
                                      sem0).wait()
                pltpu.sync_copy(rows0, acc_s.at[dst_t.at[j]], add=True)

                @pl.when(j + 2 < GCH)
                def _():
                    pltpu.make_async_copy(h_hbm.at[src_t.at[j + 2]], rows0,
                                          sem0).start()

                pltpu.make_async_copy(h_hbm.at[src_t.at[j + 1]], rows1,
                                      sem1).wait()
                pltpu.sync_copy(rows1, acc_s.at[dst_t.at[j + 1]], add=True)

    pltpu.sync_copy(zeros_hbm.at[pl.ds(r0, ROWS_PER_SUB)],
                    acc_s.at[pl.ds(r0, ROWS_PER_SUB)])
    plsc.subcore_barrier()

    @pl.when(cid == 0)
    def _():
        run(sid * CPW0, CPW0 // GCH)

    @pl.when(cid == 1)
    def _():
        run(NCH0 + sid * CPW1, CPW1 // GCH)

    plsc.subcore_barrier()
    pltpu.sync_copy(acc_s.at[pl.ds(r0, ROWS_PER_SUB)],
                    out_hbm.at[cid].at[pl.ds(r0, ROWS_PER_SUB)])


def _norms_body(deg_ref, no_ref, ni_ref):
    dego = deg_ref[0, :, 0:1] + deg_ref[1, :, 0:1]
    degi = deg_ref[0, :, 64:65] + deg_ref[1, :, 64:65]
    zeros = jnp.zeros((NP, F), jnp.float32)
    no_ref[...] = zeros + jnp.where(
        dego > 0, lax.rsqrt(jnp.maximum(dego, 1.0)), 0.0)
    ni_ref[...] = zeros + jnp.where(
        degi > 0, lax.rsqrt(jnp.maximum(degi, 1.0)), 0.0)


def _stage_in_body(x_ref, w_ref, no_ref, h_ref):
    h = jnp.dot(x_ref[...], w_ref[...], preferred_element_type=jnp.float32)
    h_ref[...] = h * no_ref[...]


def _stage_mid_body(p_ref, ni_ref, no_ref, b_ref, w_ref, h_ref):
    agg = p_ref[0] + p_ref[1]
    y = jnp.maximum(agg * ni_ref[...] + b_ref[...], 0.0)
    h = jnp.dot(y, w_ref[...], preferred_element_type=jnp.float32)
    h_ref[...] = h * no_ref[...]


def _stage_out_body(p_ref, ni_ref, b_ref, o_ref):
    o_ref[...] = (p_ref[0] + p_ref[1]) * ni_ref[...] + b_ref[...]


_norms = pl.pallas_call(
    _norms_body,
    out_shape=(jax.ShapeDtypeStruct((NP, F), jnp.float32),
               jax.ShapeDtypeStruct((NP, F), jnp.float32)),
)
_stage_in = pl.pallas_call(
    _stage_in_body,
    out_shape=jax.ShapeDtypeStruct((NP, F), jnp.float32),
)
_stage_mid = pl.pallas_call(
    _stage_mid_body,
    out_shape=jax.ShapeDtypeStruct((NP, F), jnp.float32),
)
_stage_out = pl.pallas_call(
    _stage_out_body,
    out_shape=jax.ShapeDtypeStruct((NP, F), jnp.float32),
)


@functools.cache
def _sc_kernels():
    mesh = plsc.VectorSubcoreMesh(core_axis_name="c", subcore_axis_name="s",
                                  num_cores=NC, num_subcores=NS)
    degrees = pl.kernel(
        _degrees_body,
        out_type=jax.ShapeDtypeStruct((NC, NP, F), jnp.float32),
        mesh=mesh,
        scratch_types=[
            pltpu.VMEM((GCH, CHUNK), jnp.int32),
            pltpu.VMEM((GCH, CHUNK), jnp.int32),
            pltpu.VMEM((2 * CHUNK, F), jnp.float32),
            pltpu.VMEM_SHARED((NP, F), jnp.float32),
        ],
    )
    edge_agg = pl.kernel(
        _edge_agg_body,
        out_type=jax.ShapeDtypeStruct((NC, NP, F), jnp.float32),
        mesh=mesh,
        scratch_types=[
            pltpu.VMEM((GCH, CHUNK), jnp.int32),
            pltpu.VMEM((GCH, CHUNK), jnp.int32),
            pltpu.VMEM((CHUNK, F), jnp.float32),
            pltpu.VMEM((CHUNK, F), jnp.float32),
            pltpu.VMEM_SHARED((NP, F), jnp.float32),
            pltpu.SemaphoreType.DMA,
            pltpu.SemaphoreType.DMA,
        ],
    )
    return degrees, edge_agg


def kernel(inputs, edge_index, W1, b1, W2, b2, W3, b3):
    _degrees, _edge_agg = _sc_kernels()
    src = edge_index[0].astype(jnp.int32)
    dst = edge_index[1].astype(jnp.int32)
    pad_e = EP - E
    src_p = jnp.concatenate(
        [src, jnp.full((pad_e,), N, jnp.int32)]).reshape(NW * CPW, CHUNK)
    dst_p = jnp.concatenate(
        [dst, jnp.full((pad_e,), N, jnp.int32)]).reshape(NW * CPW, CHUNK)
    x_p = jnp.pad(inputs, ((0, NP - N), (0, 0)))
    zeros_f = jnp.zeros((NP, F), jnp.float32)
    ones_f = jnp.concatenate([
        jnp.tile(jnp.eye(1, F, 0, dtype=jnp.float32), (CHUNK, 1)),
        jnp.tile(jnp.eye(1, F, 64, dtype=jnp.float32), (CHUNK, 1)),
    ])

    deg = _degrees(src_p, dst_p, ones_f, zeros_f)
    norm_o, norm_i = _norms(deg)

    h1 = _stage_in(x_p, W1, norm_o)
    p1 = _edge_agg(h1, src_p, dst_p, zeros_f)
    h2 = _stage_mid(p1, norm_i, norm_o, b1.reshape(1, F), W2)
    p2 = _edge_agg(h2, src_p, dst_p, zeros_f)
    h3 = _stage_mid(p2, norm_i, norm_o, b2.reshape(1, F), W3)
    p3 = _edge_agg(h3, src_p, dst_p, zeros_f)
    out = _stage_out(p3, norm_i, b3.reshape(1, F))
    return out[:N]

# --- scband reference (transcript-rebuilt; emitter-appended) ---
"""Pipeline reference for scband-gcn-32272384263005 (READ-ONLY COPY).

The authoritative reference and input builder live on the scoring server;
editing this copy changes nothing except your own understanding.
"""

import jax, jax.numpy as jnp
import numpy as np

N_NODES = 10000
N_EDGES = 320000
IN_FEATS = 128
H1 = 128
H2 = 128


def setup_inputs(seed: int = 0) -> dict:
    key = jax.random.key(seed)
    ks = jax.random.split(key, 9)
    inputs = jax.random.normal(ks[0], (N_NODES, IN_FEATS), dtype=jnp.float32)
    edge_index = jax.random.randint(ks[1], (2, N_EDGES), 0, N_NODES, dtype=jnp.int64)
    s1 = 1.0 / np.sqrt(IN_FEATS)
    s2 = 1.0 / np.sqrt(H1)
    W1 = jax.random.uniform(ks[2], (IN_FEATS, H1), dtype=jnp.float32, minval=-s1, maxval=s1)
    b1 = jnp.zeros((H1,), dtype=jnp.float32)
    W2 = jax.random.uniform(ks[3], (H1, H2), dtype=jnp.float32, minval=-s2, maxval=s2)
    b2 = jnp.zeros((H2,), dtype=jnp.float32)
    W3 = jax.random.uniform(ks[4], (H1, H2), dtype=jnp.float32, minval=-s2, maxval=s2)
    b3 = jnp.zeros((H2,), dtype=jnp.float32)
    return {"inputs": inputs, "edge_index": edge_index, "W1": W1, "b1": b1,
            "W2": W2, "b2": b2, "W3": W3, "b3": b3}


def _graph_conv(x, W, b, src, dst, n_nodes):
    # DGL GraphConv with norm='both': out = D_in^{-1/2} A (D_out^{-1/2} X W) + b
    ones = jnp.ones((src.shape[0],), dtype=jnp.float32)
    deg_out = jax.ops.segment_sum(ones, src, num_segments=n_nodes)
    deg_in = jax.ops.segment_sum(ones, dst, num_segments=n_nodes)
    norm_out = jnp.where(deg_out > 0, jax.lax.rsqrt(jnp.maximum(deg_out, 1.0)), 0.0)
    norm_in = jnp.where(deg_in > 0, jax.lax.rsqrt(jnp.maximum(deg_in, 1.0)), 0.0)
    h = x @ W
    h = h * norm_out[:, None]
    msgs = jnp.take(h, src, axis=0)
    agg = jax.ops.segment_sum(msgs, dst, num_segments=n_nodes)
    out = agg * norm_in[:, None] + b
    return out


def reference(inputs, edge_index, W1, b1, W2, b2, W3, b3):
    src = edge_index[0]
    dst = edge_index[1]
    n = inputs.shape[0]
    h = _graph_conv(inputs, W1, b1, src, dst, n)
    h = jax.nn.relu(h)
    h = _graph_conv(h, W2, b2, src, dst, n)
    h = jax.nn.relu(h)
    h = _graph_conv(h, W3, b3, src, dst, n)
    return h

if __name__ == "__main__":
    import jax
    _d = setup_inputs()
    print(jax.jit(kernel)(*tuple(_d.values())))

</pallas_src>

<mosaic_0001>
#map = affine_map<(d0, d1) -> (0, 0)>
#map1 = affine_map<(d0, d1) -> (0, 0, 0)>
module attributes {stable_mosaic.version = 14 : i64} {
  func.func @_edge_agg_body(%arg0: i32, %arg1: i32, %arg2: memref<10112x128xf32, #tpu.memory_space<hbm>>, %arg3: memref<2560x128xi32, #tpu.memory_space<hbm>>, %arg4: memref<2560x128xi32, #tpu.memory_space<hbm>>, %arg5: memref<10112x128xf32, #tpu.memory_space<hbm>>, %arg6: memref<2x10112x128xf32, #tpu.memory_space<hbm>>, %arg7: memref<8x128xi32, #tpu.memory_space<vmem>>, %arg8: memref<8x128xi32, #tpu.memory_space<vmem>>, %arg9: memref<128x128xf32, #tpu.memory_space<vmem>>, %arg10: memref<128x128xf32, #tpu.memory_space<vmem>>, %arg11: memref<10112x128xf32, #tpu.memory_space<vmem_shared>>, %arg12: memref<!tpu.dma_semaphore, #tpu.memory_space<semaphore_mem>>, %arg13: memref<!tpu.dma_semaphore, #tpu.memory_space<semaphore_mem>>) attributes {dimension_semantics = [#tpu.dimension_semantics<core_parallel>, #tpu.dimension_semantics<subcore_parallel>], iteration_bounds = array<i64: 2, 16>, scalar_prefetch = 0 : i64, scratch_operands = 7 : i64, tpu.core_type = #tpu.core_type<sc_vector_subcore>, window_params = [{transform_indices = #map}, {transform_indices = #map}, {transform_indices = #map}, {transform_indices = #map}, {transform_indices = #map1}]} {
    %mul3A = arith.constant 632 : i32
    %mul3A_0 = arith.muli %arg1, %mul3A : i32
    "tpu.region"() ({
      %run_scoped3A = tpu.sem_alloc : memref<!tpu.dma_semaphore, #tpu.memory_space<semaphore_mem>>
      %dma_start3A = arith.constant 0 : i32
      %dma_start3A_9 = tpu.memref_slice %arg11[%mul3A_0, %dma_start3A] : memref<10112x128xf32, #tpu.memory_space<vmem_shared>> -> memref<632x128xf32, #tpu.memory_space<vmem_shared>>
      %dma_start3A_10 = arith.constant 0 : i32
      %dma_start3A_11 = tpu.memref_slice %arg5[%mul3A_0, %dma_start3A_10] : memref<10112x128xf32, #tpu.memory_space<hbm>> -> memref<632x128xf32, #tpu.memory_space<hbm>>
      tpu.enqueue_dma source(%dma_start3A_11 : memref<632x128xf32, #tpu.memory_space<hbm>>) target(%dma_start3A_9 : memref<632x128xf32, #tpu.memory_space<vmem_shared>>) target_semaphore(%run_scoped3A : memref<!tpu.dma_semaphore, #tpu.memory_space<semaphore_mem>>)
      %dma_wait3A = arith.constant 0 : i32
      %dma_wait3A_12 = tpu.memref_slice %arg11[%mul3A_0, %dma_wait3A] : memref<10112x128xf32, #tpu.memory_space<vmem_shared>> -> memref<632x128xf32, #tpu.memory_space<vmem_shared>>
      %dma_wait3A_13 = arith.constant 0 : i32
      %dma_wait3A_14 = tpu.memref_slice %arg5[%mul3A_0, %dma_wait3A_13] : memref<10112x128xf32, #tpu.memory_space<hbm>> -> memref<632x128xf32, #tpu.memory_space<hbm>>
      tpu.wait_dma2 semaphore(%run_scoped3A : memref<!tpu.dma_semaphore, #tpu.memory_space<semaphore_mem>>) src(%dma_wait3A_14 : memref<632x128xf32, #tpu.memory_space<hbm>>) dst(%dma_wait3A_12 : memref<632x128xf32, #tpu.memory_space<vmem_shared>>)
      tpu.yield
    }) : () -> ()
    %barrier3A = arith.constant 0 : index
    tpu.barrier barrier_id(%barrier3A)
    %eq3A = arith.constant 0 : i32
    %eq3A_1 = arith.cmpi eq, %arg0, %eq3A : i32
    %convert_element_type3A = arith.extui %eq3A_1 : i1 to i32
    %cond3A = arith.constant 0 : i32
    %cond3A_2 = arith.cmpi ne, %convert_element_type3A, %cond3A : i32
    scf.if %cond3A_2 {
      %mul3A_9 = arith.constant 160 : i32
      %mul3A_10 = arith.muli %arg1, %mul3A_9 : i32
      %scan3A = arith.constant 0 : i32
      %scan3A_11 = arith.constant 20 : i32
      %scan3A_12 = arith.addi %scan3A, %scan3A_11 : i32
      %scan3A_13 = arith.constant 1 : i32
      scf.for %scan3A_15 = %scan3A to %scan3A_12 step %scan3A_13  : i32 {
        %mul3A_16 = arith.constant 1 : i32
        %mul3A_17 = arith.muli %scan3A_15, %mul3A_16 : i32
        %add3A = arith.constant 0 : i32
        %add3A_18 = arith.addi %add3A, %mul3A_17 : i32
        %mul3A_19 = arith.constant 8 : i32
        %mul3A_20 = arith.muli %add3A_18, %mul3A_19 : i32
        %add3A_21 = arith.addi %mul3A_10, %mul3A_20 : i32
        "tpu.region"() ({
          %run_scoped3A = tpu.sem_alloc : memref<!tpu.dma_semaphore, #tpu.memory_space<semaphore_mem>>
          %dma_start3A_33 = arith.constant 0 : i32
          %dma_start3A_34 = tpu.memref_slice %arg3[%add3A_21, %dma_start3A_33] : memref<2560x128xi32, #tpu.memory_space<hbm>> -> memref<8x128xi32, #tpu.memory_space<hbm>>
          %dma_start3A_35 = arith.constant 0 : i32
          %dma_start3A_36 = tpu.memref_slice %arg3[%add3A_21, %dma_start3A_35] : memref<2560x128xi32, #tpu.memory_space<hbm>> -> memref<8x128xi32, #tpu.memory_space<hbm>>
          tpu.enqueue_dma source(%dma_start3A_36 : memref<8x128xi32, #tpu.memory_space<hbm>>) target(%arg7 : memref<8x128xi32, #tpu.memory_space<vmem>>) target_semaphore(%run_scoped3A : memref<!tpu.dma_semaphore, #tpu.memory_space<semaphore_mem>>)
          %dma_wait3A = arith.constant 0 : i32
          %dma_wait3A_37 = tpu.memref_slice %arg3[%add3A_21, %dma_wait3A] : memref<2560x128xi32, #tpu.memory_space<hbm>> -> memref<8x128xi32, #tpu.memory_space<hbm>>
          %dma_wait3A_38 = arith.constant 0 : i32
          %dma_wait3A_39 = tpu.memref_slice %arg3[%add3A_21, %dma_wait3A_38] : memref<2560x128xi32, #tpu.memory_space<hbm>> -> memref<8x128xi32, #tpu.memory_space<hbm>>
          tpu.wait_dma2 semaphore(%run_scoped3A : memref<!tpu.dma_semaphore, #tpu.memory_space<semaphore_mem>>) src(%dma_wait3A_39 : memref<8x128xi32, #tpu.memory_space<hbm>>) dst(%arg7 : memref<8x128xi32, #tpu.memory_space<vmem>>)
          tpu.yield
        }) : () -> ()
        "tpu.region"() ({
          %run_scoped3A = tpu.sem_alloc : memref<!tpu.dma_semaphore, #tpu.memory_space<semaphore_mem>>
          %dma_start3A_33 = arith.constant 0 : i32
          %dma_start3A_34 = tpu.memref_slice %arg4[%add3A_21, %dma_start3A_33] : memref<2560x128xi32, #tpu.memory_space<hbm>> -> memref<8x128xi32, #tpu.memory_space<hbm>>
          %dma_start3A_35 = arith.constant 0 : i32
          %dma_start3A_36 = tpu.memref_slice %arg4[%add3A_21, %dma_start3A_35] : memref<2560x128xi32, #tpu.memory_space<hbm>> -> memref<8x128xi32, #tpu.memory_space<hbm>>
          tpu.enqueue_dma source(%dma_start3A_36 : memref<8x128xi32, #tpu.memory_space<hbm>>) target(%arg8 : memref<8x128xi32, #tpu.memory_space<vmem>>) target_semaphore(%run_scoped3A : memref<!tpu.dma_semaphore, #tpu.memory_space<semaphore_mem>>)
          %dma_wait3A = arith.constant 0 : i32
          %dma_wait3A_37 = tpu.memref_slice %arg4[%add3A_21, %dma_wait3A] : memref<2560x128xi32, #tpu.memory_space<hbm>> -> memref<8x128xi32, #tpu.memory_space<hbm>>
          %dma_wait3A_38 = arith.constant 0 : i32
          %dma_wait3A_39 = tpu.memref_slice %arg4[%add3A_21, %dma_wait3A_38] : memref<2560x128xi32, #tpu.memory_space<hbm>> -> memref<8x128xi32, #tpu.memory_space<hbm>>
          tpu.wait_dma2 semaphore(%run_scoped3A : memref<!tpu.dma_semaphore, #tpu.memory_space<semaphore_mem>>) src(%dma_wait3A_39 : memref<8x128xi32, #tpu.memory_space<hbm>>) dst(%arg8 : memref<8x128xi32, #tpu.memory_space<vmem>>)
          tpu.yield
        }) : () -> ()
        %dma_start3A = arith.constant 0 : i32
        %dma_start3A_22 = arith.constant 0 : i32
        %dma_start3A_23 = tpu.memref_slice %arg7[%dma_start3A, %dma_start3A_22] : memref<8x128xi32, #tpu.memory_space<vmem>> -> memref<1x128xi32, #tpu.memory_space<vmem>>
        %dma_start3A_24 = tpu.memref_squeeze %dma_start3A_23 : memref<1x128xi32, #tpu.memory_space<vmem>> -> memref<128xi32, #tpu.memory_space<vmem>>
        %dma_start3A_25 = arith.constant 0 : i32
        %dma_start3A_26 = arith.constant 0 : i32
        %dma_start3A_27 = tpu.memref_slice %arg2[%dma_start3A_25, %dma_start3A_26] : memref<10112x128xf32, #tpu.memory_space<hbm>> -> memref<10112x128xf32, #tpu.memory_space<hbm>>
        tpu.enqueue_indirect_dma source(%dma_start3A_27 : memref<10112x128xf32, #tpu.memory_space<hbm>>) target(%arg9 : memref<128x128xf32, #tpu.memory_space<vmem>>) offsets(%dma_start3A_24 : memref<128xi32, #tpu.memory_space<vmem>>) semaphore(%arg12 : memref<!tpu.dma_semaphore, #tpu.memory_space<semaphore_mem>>)
        %scan3A_28 = arith.constant 0 : i32
        %scan3A_29 = arith.constant 4 : i32
        %scan3A_30 = arith.addi %scan3A_28, %scan3A_29 : i32
        %scan3A_31 = arith.constant 1 : i32
        scf.for %scan3A_33 = %scan3A_28 to %scan3A_30 step %scan3A_31  : i32 {
          %mul3A_34 = arith.constant 2 : i32
          %mul3A_35 = arith.muli %scan3A_33, %mul3A_34 : i32
          %add3A_36 = arith.constant 0 : i32
          %add3A_37 = arith.addi %add3A_36, %mul3A_35 : i32
          %add3A_38 = arith.constant 1 : i32
          %add3A_39 = arith.addi %add3A_37, %add3A_38 : i32
          %dma_start3A_40 = arith.constant 0 : i32
          %dma_start3A_41 = tpu.memref_slice %arg7[%add3A_39, %dma_start3A_40] : memref<8x128xi32, #tpu.memory_space<vmem>> -> memref<1x128xi32, #tpu.memory_space<vmem>>
          %dma_start3A_42 = tpu.memref_squeeze %dma_start3A_41 : memref<1x128xi32, #tpu.memory_space<vmem>> -> memref<128xi32, #tpu.memory_space<vmem>>
          %dma_start3A_43 = arith.constant 0 : i32
          %dma_start3A_44 = arith.constant 0 : i32
          %dma_start3A_45 = tpu.memref_slice %arg2[%dma_start3A_43, %dma_start3A_44] : memref<10112x128xf32, #tpu.memory_space<hbm>> -> memref<10112x128xf32, #tpu.memory_space<hbm>>
          tpu.enqueue_indirect_dma source(%dma_start3A_45 : memref<10112x128xf32, #tpu.memory_space<hbm>>) target(%arg10 : memref<128x128xf32, #tpu.memory_space<vmem>>) offsets(%dma_start3A_42 : memref<128xi32, #tpu.memory_space<vmem>>) semaphore(%arg13 : memref<!tpu.dma_semaphore, #tpu.memory_space<semaphore_mem>>)
          %dma_wait3A = arith.constant 0 : i32
          %dma_wait3A_46 = tpu.memref_slice %arg7[%add3A_37, %dma_wait3A] : memref<8x128xi32, #tpu.memory_space<vmem>> -> memref<1x128xi32, #tpu.memory_space<vmem>>
          %dma_wait3A_47 = tpu.memref_squeeze %dma_wait3A_46 : memref<1x128xi32, #tpu.memory_space<vmem>> -> memref<128xi32, #tpu.memory_space<vmem>>
          %dma_wait3A_48 = arith.constant 0 : i32
          %dma_wait3A_49 = arith.constant 0 : i32
          %dma_wait3A_50 = tpu.memref_slice %arg2[%dma_wait3A_48, %dma_wait3A_49] : memref<10112x128xf32, #tpu.memory_space<hbm>> -> memref<10112x128xf32, #tpu.memory_space<hbm>>
          tpu.wait_indirect_dma semaphore(%arg12 : memref<!tpu.dma_semaphore, #tpu.memory_space<semaphore_mem>>) src(%dma_wait3A_50 : memref<10112x128xf32, #tpu.memory_space<hbm>>) dst(%arg9 : memref<128x128xf32, #tpu.memory_space<vmem>>)
          "tpu.region"() ({
            %run_scoped3A = tpu.sem_alloc : memref<!tpu.dma_semaphore, #tpu.memory_space<semaphore_mem>>
            %dma_start3A_67 = arith.constant 0 : i32
            %dma_start3A_68 = tpu.memref_slice %arg8[%add3A_37, %dma_start3A_67] : memref<8x128xi32, #tpu.memory_space<vmem>> -> memref<1x128xi32, #tpu.memory_space<vmem>>
            %dma_start3A_69 = tpu.memref_squeeze %dma_start3A_68 : memref<1x128xi32, #tpu.memory_space<vmem>> -> memref<128xi32, #tpu.memory_space<vmem>>
            %dma_start3A_70 = arith.constant 0 : i32
            %dma_start3A_71 = arith.constant 0 : i32
            %dma_start3A_72 = tpu.memref_slice %arg11[%dma_start3A_70, %dma_start3A_71] : memref<10112x128xf32, #tpu.memory_space<vmem_shared>> -> memref<10112x128xf32, #tpu.memory_space<vmem_shared>>
            tpu.enqueue_indirect_dma source(%arg9 : memref<128x128xf32, #tpu.memory_space<vmem>>) target(%dma_start3A_72 : memref<10112x128xf32, #tpu.memory_space<vmem_shared>>) offsets(%dma_start3A_69 : memref<128xi32, #tpu.memory_space<vmem>>) semaphore(%run_scoped3A : memref<!tpu.dma_semaphore, #tpu.memory_space<semaphore_mem>>) {add = true}
            %dma_wait3A_73 = arith.constant 0 : i32
            %dma_wait3A_74 = tpu.memref_slice %arg8[%add3A_37, %dma_wait3A_73] : memref<8x128xi32, #tpu.memory_space<vmem>> -> memref<1x128xi32, #tpu.memory_space<vmem>>
            %dma_wait3A_75 = tpu.memref_squeeze %dma_wait3A_74 : memref<1x128xi32, #tpu.memory_space<vmem>> -> memref<128xi32, #tpu.memory_space<vmem>>
            %dma_wait3A_76 = arith.constant 0 : i32
            %dma_wait3A_77 = arith.constant 0 : i32
            %dma_wait3A_78 = tpu.memref_slice %arg11[%dma_wait3A_76, %dma_wait3A_77] : memref<10112x128xf32, #tpu.memory_space<vmem_shared>> -> memref<10112x128xf32, #tpu.memory_space<vmem_shared>>
            tpu.wait_indirect_dma semaphore(%run_scoped3A : memref<!tpu.dma_semaphore, #tpu.memory_space<semaphore_mem>>) src(%arg9 : memref<128x128xf32, #tpu.memory_space<vmem>>) dst(%dma_wait3A_78 : memref<10112x128xf32, #tpu.memory_space<vmem_shared>>)
            tpu.yield
          }) : () -> ()
          %add3A_51 = arith.constant 2 : i32
          %add3A_52 = arith.addi %add3A_37, %add3A_51 : i32
          %lt3A = arith.constant 8 : i32
          %lt3A_53 = arith.cmpi slt, %add3A_52, %lt3A : i32
          %convert_element_type3A_54 = arith.extui %lt3A_53 : i1 to i32
          %cond3A_55 = arith.constant 0 : i32
          %cond3A_56 = arith.cmpi ne, %convert_element_type3A_54, %cond3A_55 : i32
          scf.if %cond3A_56 {
            %add3A_67 = arith.constant 2 : i32
            %add3A_68 = arith.addi %add3A_37, %add3A_67 : i32
            %dma_start3A_69 = arith.constant 0 : i32
            %dma_start3A_70 = tpu.memref_slice %arg7[%add3A_68, %dma_start3A_69] : memref<8x128xi32, #tpu.memory_space<vmem>> -> memref<1x128xi32, #tpu.memory_space<vmem>>
            %dma_start3A_71 = tpu.memref_squeeze %dma_start3A_70 : memref<1x128xi32, #tpu.memory_space<vmem>> -> memref<128xi32, #tpu.memory_space<vmem>>
            %dma_start3A_72 = arith.constant 0 : i32
            %dma_start3A_73 = arith.constant 0 : i32
            %dma_start3A_74 = tpu.memref_slice %arg2[%dma_start3A_72, %dma_start3A_73] : memref<10112x128xf32, #tpu.memory_space<hbm>> -> memref<10112x128xf32, #tpu.memory_space<hbm>>
            tpu.enqueue_indirect_dma source(%dma_start3A_74 : memref<10112x128xf32, #tpu.memory_space<hbm>>) target(%arg9 : memref<128x128xf32, #tpu.memory_space<vmem>>) offsets(%dma_start3A_71 : memref<128xi32, #tpu.memory_space<vmem>>) semaphore(%arg12 : memref<!tpu.dma_semaphore, #tpu.memory_space<semaphore_mem>>)
          } else {
          }
          %add3A_57 = arith.constant 1 : i32
          %add3A_58 = arith.addi %add3A_37, %add3A_57 : i32
          %dma_wait3A_59 = arith.constant 0 : i32
          %dma_wait3A_60 = tpu.memref_slice %arg7[%add3A_58, %dma_wait3A_59] : memref<8x128xi32, #tpu.memory_space<vmem>> -> memref<1x128xi32, #tpu.memory_space<vmem>>
          %dma_wait3A_61 = tpu.memref_squeeze %dma_wait3A_60 : memref<1x128xi32, #tpu.memory_space<vmem>> -> memref<128xi32, #tpu.memory_space<vmem>>
          %dma_wait3A_62 = arith.constant 0 : i32
          %dma_wait3A_63 = arith.constant 0 : i32
          %dma_wait3A_64 = tpu.memref_slice %arg2[%dma_wait3A_62, %dma_wait3A_63] : memref<10112x128xf32, #tpu.memory_space<hbm>> -> memref<10112x128xf32, #tpu.memory_space<hbm>>
          tpu.wait_indirect_dma semaphore(%arg13 : memref<!tpu.dma_semaphore, #tpu.memory_space<semaphore_mem>>) src(%dma_wait3A_64 : memref<10112x128xf32, #tpu.memory_space<hbm>>) dst(%arg10 : memref<128x128xf32, #tpu.memory_space<vmem>>)
          %add3A_65 = arith.constant 1 : i32
          %add3A_66 = arith.addi %add3A_37, %add3A_65 : i32
          "tpu.region"() ({
            %run_scoped3A = tpu.sem_alloc : memref<!tpu.dma_semaphore, #tpu.memory_space<semaphore_mem>>
            %dma_start3A_67 = arith.constant 0 : i32
            %dma_start3A_68 = tpu.memref_slice %arg8[%add3A_66, %dma_start3A_67] : memref<8x128xi32, #tpu.memory_space<vmem>> -> memref<1x128xi32, #tpu.memory_space<vmem>>
            %dma_start3A_69 = tpu.memref_squeeze %dma_start3A_68 : memref<1x128xi32, #tpu.memory_space<vmem>> -> memref<128xi32, #tpu.memory_space<vmem>>
            %dma_start3A_70 = arith.constant 0 : i32
            %dma_start3A_71 = arith.constant 0 : i32
            %dma_start3A_72 = tpu.memref_slice %arg11[%dma_start3A_70, %dma_start3A_71] : memref<10112x128xf32, #tpu.memory_space<vmem_shared>> -> memref<10112x128xf32, #tpu.memory_space<vmem_shared>>
            tpu.enqueue_indirect_dma source(%arg10 : memref<128x128xf32, #tpu.memory_space<vmem>>) target(%dma_start3A_72 : memref<10112x128xf32, #tpu.memory_space<vmem_shared>>) offsets(%dma_start3A_69 : memref<128xi32, #tpu.memory_space<vmem>>) semaphore(%run_scoped3A : memref<!tpu.dma_semaphore, #tpu.memory_space<semaphore_mem>>) {add = true}
            %dma_wait3A_73 = arith.constant 0 : i32
            %dma_wait3A_74 = tpu.memref_slice %arg8[%add3A_66, %dma_wait3A_73] : memref<8x128xi32, #tpu.memory_space<vmem>> -> memref<1x128xi32, #tpu.memory_space<vmem>>
            %dma_wait3A_75 = tpu.memref_squeeze %dma_wait3A_74 : memref<1x128xi32, #tpu.memory_space<vmem>> -> memref<128xi32, #tpu.memory_space<vmem>>
            %dma_wait3A_76 = arith.constant 0 : i32
            %dma_wait3A_77 = arith.constant 0 : i32
            %dma_wait3A_78 = tpu.memref_slice %arg11[%dma_wait3A_76, %dma_wait3A_77] : memref<10112x128xf32, #tpu.memory_space<vmem_shared>> -> memref<10112x128xf32, #tpu.memory_space<vmem_shared>>
            tpu.wait_indirect_dma semaphore(%run_scoped3A : memref<!tpu.dma_semaphore, #tpu.memory_space<semaphore_mem>>) src(%arg10 : memref<128x128xf32, #tpu.memory_space<vmem>>) dst(%dma_wait3A_78 : memref<10112x128xf32, #tpu.memory_space<vmem_shared>>)
            tpu.yield
          }) : () -> ()
        }
        %scan3A_32 = arith.constant 4 : i32
      }
      %scan3A_14 = arith.constant 20 : i32
    } else {
    }
    %eq3A_3 = arith.constant 1 : i32
    %eq3A_4 = arith.cmpi eq, %arg0, %eq3A_3 : i32
    %convert_element_type3A_5 = arith.extui %eq3A_4 : i1 to i32
    %cond3A_6 = arith.constant 0 : i32
    %cond3A_7 = arith.cmpi ne, %convert_element_type3A_5, %cond3A_6 : i32
    scf.if %cond3A_7 {
      %mul3A_9 = arith.constant 0 : i32
      %mul3A_10 = arith.muli %arg1, %mul3A_9 : i32
      %add3A = arith.constant 2560 : i32
      %add3A_11 = arith.addi %add3A, %mul3A_10 : i32
      %scan3A = arith.constant 0 : i32
      %scan3A_12 = arith.constant 0 : i32
      %scan3A_13 = arith.addi %scan3A, %scan3A_12 : i32
      %scan3A_14 = arith.constant 0 : i32
    } else {
    }
    %barrier3A_8 = arith.constant 0 : index
    tpu.barrier barrier_id(%barrier3A_8)
    "tpu.region"() ({
      %run_scoped3A = tpu.sem_alloc : memref<!tpu.dma_semaphore, #tpu.memory_space<semaphore_mem>>
      %dma_start3A = arith.constant 0 : i32
      %dma_start3A_9 = arith.constant 0 : i32
      %dma_start3A_10 = tpu.memref_slice %arg6[%arg0, %dma_start3A, %dma_start3A_9] : memref<2x10112x128xf32, #tpu.memory_space<hbm>> -> memref<1x10112x128xf32, #tpu.memory_space<hbm>>
      %dma_start3A_11 = tpu.memref_squeeze %dma_start3A_10 : memref<1x10112x128xf32, #tpu.memory_space<hbm>> -> memref<10112x128xf32, #tpu.memory_space<hbm>>
      %dma_start3A_12 = arith.constant 0 : i32
      %dma_start3A_13 = tpu.memref_slice %dma_start3A_11[%mul3A_0, %dma_start3A_12] : memref<10112x128xf32, #tpu.memory_space<hbm>> -> memref<632x128xf32, #tpu.memory_space<hbm>>
      %dma_start3A_14 = arith.constant 0 : i32
      %dma_start3A_15 = tpu.memref_slice %arg11[%mul3A_0, %dma_start3A_14] : memref<10112x128xf32, #tpu.memory_space<vmem_shared>> -> memref<632x128xf32, #tpu.memory_space<vmem_shared>>
      tpu.enqueue_dma source(%dma_start3A_15 : memref<632x128xf32, #tpu.memory_space<vmem_shared>>) target(%dma_start3A_13 : memref<632x128xf32, #tpu.memory_space<hbm>>) target_semaphore(%run_scoped3A : memref<!tpu.dma_semaphore, #tpu.memory_space<semaphore_mem>>)
      %dma_wait3A = arith.constant 0 : i32
      %dma_wait3A_16 = arith.constant 0 : i32
      %dma_wait3A_17 = tpu.memref_slice %arg6[%arg0, %dma_wait3A, %dma_wait3A_16] : memref<2x10112x128xf32, #tpu.memory_space<hbm>> -> memref<1x10112x128xf32, #tpu.memory_space<hbm>>
      %dma_wait3A_18 = tpu.memref_squeeze %dma_wait3A_17 : memref<1x10112x128xf32, #tpu.memory_space<hbm>> -> memref<10112x128xf32, #tpu.memory_space<hbm>>
      %dma_wait3A_19 = arith.constant 0 : i32
      %dma_wait3A_20 = tpu.memref_slice %dma_wait3A_18[%mul3A_0, %dma_wait3A_19] : memref<10112x128xf32, #tpu.memory_space<hbm>> -> memref<632x128xf32, #tpu.memory_space<hbm>>
      %dma_wait3A_21 = arith.constant 0 : i32
      %dma_wait3A_22 = tpu.memref_slice %arg11[%mul3A_0, %dma_wait3A_21] : memref<10112x128xf32, #tpu.memory_space<vmem_shared>> -> memref<632x128xf32, #tpu.memory_space<vmem_shared>>
      tpu.wait_dma2 semaphore(%run_scoped3A : memref<!tpu.dma_semaphore, #tpu.memory_space<semaphore_mem>>) src(%dma_wait3A_22 : memref<632x128xf32, #tpu.memory_space<vmem_shared>>) dst(%dma_wait3A_20 : memref<632x128xf32, #tpu.memory_space<hbm>>)
      tpu.yield
    }) : () -> ()
    return
  }
}

#map = affine_map<(d0, d1) -> (0, 0)>
#map1 = affine_map<(d0, d1) -> (0, 0, 0)>
module attributes {stable_mosaic.version = 14 : i64} {
  func.func @_degrees_body(%arg0: i32, %arg1: i32, %arg2: memref<2560x128xi32, #tpu.memory_space<hbm>>, %arg3: memref<2560x128xi32, #tpu.memory_space<hbm>>, %arg4: memref<256x128xf32, #tpu.memory_space<hbm>>, %arg5: memref<10112x128xf32, #tpu.memory_space<hbm>>, %arg6: memref<2x10112x128xf32, #tpu.memory_space<hbm>>, %arg7: memref<8x128xi32, #tpu.memory_space<vmem>>, %arg8: memref<8x128xi32, #tpu.memory_space<vmem>>, %arg9: memref<256x128xf32, #tpu.memory_space<vmem>>, %arg10: memref<10112x128xf32, #tpu.memory_space<vmem_shared>>) attributes {dimension_semantics = [#tpu.dimension_semantics<core_parallel>, #tpu.dimension_semantics<subcore_parallel>], iteration_bounds = array<i64: 2, 16>, scalar_prefetch = 0 : i64, scratch_operands = 4 : i64, tpu.core_type = #tpu.core_type<sc_vector_subcore>, window_params = [{transform_indices = #map}, {transform_indices = #map}, {transform_indices = #map}, {transform_indices = #map}, {transform_indices = #map1}]} {
    %mul3A = arith.constant 2 : i32
    %mul3A_0 = arith.muli %arg1, %mul3A : i32
    %add3A = arith.addi %mul3A_0, %arg0 : i32
    %mul3A_1 = arith.constant 632 : i32
    %mul3A_2 = arith.muli %arg1, %mul3A_1 : i32
    "tpu.region"() ({
      %run_scoped3A = tpu.sem_alloc : memref<!tpu.dma_semaphore, #tpu.memory_space<semaphore_mem>>
      %dma_start3A = arith.constant 0 : i32
      %dma_start3A_8 = tpu.memref_slice %arg10[%mul3A_2, %dma_start3A] : memref<10112x128xf32, #tpu.memory_space<vmem_shared>> -> memref<632x128xf32, #tpu.memory_space<vmem_shared>>
      %dma_start3A_9 = arith.constant 0 : i32
      %dma_start3A_10 = tpu.memref_slice %arg5[%mul3A_2, %dma_start3A_9] : memref<10112x128xf32, #tpu.memory_space<hbm>> -> memref<632x128xf32, #tpu.memory_space<hbm>>
      tpu.enqueue_dma source(%dma_start3A_10 : memref<632x128xf32, #tpu.memory_space<hbm>>) target(%dma_start3A_8 : memref<632x128xf32, #tpu.memory_space<vmem_shared>>) target_semaphore(%run_scoped3A : memref<!tpu.dma_semaphore, #tpu.memory_space<semaphore_mem>>)
      %dma_wait3A = arith.constant 0 : i32
      %dma_wait3A_11 = tpu.memref_slice %arg10[%mul3A_2, %dma_wait3A] : memref<10112x128xf32, #tpu.memory_space<vmem_shared>> -> memref<632x128xf32, #tpu.memory_space<vmem_shared>>
      %dma_wait3A_12 = arith.constant 0 : i32
      %dma_wait3A_13 = tpu.memref_slice %arg5[%mul3A_2, %dma_wait3A_12] : memref<10112x128xf32, #tpu.memory_space<hbm>> -> memref<632x128xf32, #tpu.memory_space<hbm>>
      tpu.wait_dma2 semaphore(%run_scoped3A : memref<!tpu.dma_semaphore, #tpu.memory_space<semaphore_mem>>) src(%dma_wait3A_13 : memref<632x128xf32, #tpu.memory_space<hbm>>) dst(%dma_wait3A_11 : memref<632x128xf32, #tpu.memory_space<vmem_shared>>)
      tpu.yield
    }) : () -> ()
    "tpu.region"() ({
      %run_scoped3A = tpu.sem_alloc : memref<!tpu.dma_semaphore, #tpu.memory_space<semaphore_mem>>
      tpu.enqueue_dma source(%arg4 : memref<256x128xf32, #tpu.memory_space<hbm>>) target(%arg9 : memref<256x128xf32, #tpu.memory_space<vmem>>) target_semaphore(%run_scoped3A : memref<!tpu.dma_semaphore, #tpu.memory_space<semaphore_mem>>)
      tpu.wait_dma2 semaphore(%run_scoped3A : memref<!tpu.dma_semaphore, #tpu.memory_space<semaphore_mem>>) src(%arg4 : memref<256x128xf32, #tpu.memory_space<hbm>>) dst(%arg9 : memref<256x128xf32, #tpu.memory_space<vmem>>)
      tpu.yield
    }) : () -> ()
    %barrier3A = arith.constant 0 : index
    tpu.barrier barrier_id(%barrier3A)
    %scan3A = arith.constant 0 : i32
    %scan3A_3 = arith.constant 10 : i32
    %scan3A_4 = arith.addi %scan3A, %scan3A_3 : i32
    %scan3A_5 = arith.constant 1 : i32
    scf.for %scan3A_8 = %scan3A to %scan3A_4 step %scan3A_5  : i32 {
      %mul3A_9 = arith.constant 1 : i32
      %mul3A_10 = arith.muli %scan3A_8, %mul3A_9 : i32
      %add3A_11 = arith.constant 0 : i32
      %add3A_12 = arith.addi %add3A_11, %mul3A_10 : i32
      %mul3A_13 = arith.constant 80 : i32
      %mul3A_14 = arith.muli %add3A, %mul3A_13 : i32
      %mul3A_15 = arith.constant 8 : i32
      %mul3A_16 = arith.muli %add3A_12, %mul3A_15 : i32
      %add3A_17 = arith.addi %mul3A_14, %mul3A_16 : i32
      "tpu.region"() ({
        %run_scoped3A = tpu.sem_alloc : memref<!tpu.dma_semaphore, #tpu.memory_space<semaphore_mem>>
        %dma_start3A = arith.constant 0 : i32
        %dma_start3A_23 = tpu.memref_slice %arg2[%add3A_17, %dma_start3A] : memref<2560x128xi32, #tpu.memory_space<hbm>> -> memref<8x128xi32, #tpu.memory_space<hbm>>
        %dma_start3A_24 = arith.constant 0 : i32
        %dma_start3A_25 = tpu.memref_slice %arg2[%add3A_17, %dma_start3A_24] : memref<2560x128xi32, #tpu.memory_space<hbm>> -> memref<8x128xi32, #tpu.memory_space<hbm>>
        tpu.enqueue_dma source(%dma_start3A_25 : memref<8x128xi32, #tpu.memory_space<hbm>>) target(%arg7 : memref<8x128xi32, #tpu.memory_space<vmem>>) target_semaphore(%run_scoped3A : memref<!tpu.dma_semaphore, #tpu.memory_space<semaphore_mem>>)
        %dma_wait3A = arith.constant 0 : i32
        %dma_wait3A_26 = tpu.memref_slice %arg2[%add3A_17, %dma_wait3A] : memref<2560x128xi32, #tpu.memory_space<hbm>> -> memref<8x128xi32, #tpu.memory_space<hbm>>
        %dma_wait3A_27 = arith.constant 0 : i32
        %dma_wait3A_28 = tpu.memref_slice %arg2[%add3A_17, %dma_wait3A_27] : memref<2560x128xi32, #tpu.memory_space<hbm>> -> memref<8x128xi32, #tpu.memory_space<hbm>>
        tpu.wait_dma2 semaphore(%run_scoped3A : memref<!tpu.dma_semaphore, #tpu.memory_space<semaphore_mem>>) src(%dma_wait3A_28 : memref<8x128xi32, #tpu.memory_space<hbm>>) dst(%arg7 : memref<8x128xi32, #tpu.memory_space<vmem>>)
        tpu.yield
      }) : () -> ()
      "tpu.region"() ({
        %run_scoped3A = tpu.sem_alloc : memref<!tpu.dma_semaphore, #tpu.memory_space<semaphore_mem>>
        %dma_start3A = arith.constant 0 : i32
        %dma_start3A_23 = tpu.memref_slice %arg3[%add3A_17, %dma_start3A] : memref<2560x128xi32, #tpu.memory_space<hbm>> -> memref<8x128xi32, #tpu.memory_space<hbm>>
        %dma_start3A_24 = arith.constant 0 : i32
        %dma_start3A_25 = tpu.memref_slice %arg3[%add3A_17, %dma_start3A_24] : memref<2560x128xi32, #tpu.memory_space<hbm>> -> memref<8x128xi32, #tpu.memory_space<hbm>>
        tpu.enqueue_dma source(%dma_start3A_25 : memref<8x128xi32, #tpu.memory_space<hbm>>) target(%arg8 : memref<8x128xi32, #tpu.memory_space<vmem>>) target_semaphore(%run_scoped3A : memref<!tpu.dma_semaphore, #tpu.memory_space<semaphore_mem>>)
        %dma_wait3A = arith.constant 0 : i32
        %dma_wait3A_26 = tpu.memref_slice %arg3[%add3A_17, %dma_wait3A] : memref<2560x128xi32, #tpu.memory_space<hbm>> -> memref<8x128xi32, #tpu.memory_space<hbm>>
        %dma_wait3A_27 = arith.constant 0 : i32
        %dma_wait3A_28 = tpu.memref_slice %arg3[%add3A_17, %dma_wait3A_27] : memref<2560x128xi32, #tpu.memory_space<hbm>> -> memref<8x128xi32, #tpu.memory_space<hbm>>
        tpu.wait_dma2 semaphore(%run_scoped3A : memref<!tpu.dma_semaphore, #tpu.memory_space<semaphore_mem>>) src(%dma_wait3A_28 : memref<8x128xi32, #tpu.memory_space<hbm>>) dst(%arg8 : memref<8x128xi32, #tpu.memory_space<vmem>>)
        tpu.yield
      }) : () -> ()
      %scan3A_18 = arith.constant 0 : i32
      %scan3A_19 = arith.constant 8 : i32
      %scan3A_20 = arith.addi %scan3A_18, %scan3A_19 : i32
      %scan3A_21 = arith.constant 1 : i32
      scf.for %scan3A_23 = %scan3A_18 to %scan3A_20 step %scan3A_21  : i32 {
        %mul3A_24 = arith.constant 1 : i32
        %mul3A_25 = arith.muli %scan3A_23, %mul3A_24 : i32
        %add3A_26 = arith.constant 0 : i32
        %add3A_27 = arith.addi %add3A_26, %mul3A_25 : i32
        "tpu.region"() ({
          %run_scoped3A = tpu.sem_alloc : memref<!tpu.dma_semaphore, #tpu.memory_space<semaphore_mem>>
          %dma_start3A = arith.constant 0 : i32
          %dma_start3A_28 = arith.constant 0 : i32
          %dma_start3A_29 = tpu.memref_slice %arg9[%dma_start3A, %dma_start3A_28] : memref<256x128xf32, #tpu.memory_space<vmem>> -> memref<128x128xf32, #tpu.memory_space<vmem>>
          %dma_start3A_30 = arith.constant 0 : i32
          %dma_start3A_31 = tpu.memref_slice %arg7[%add3A_27, %dma_start3A_30] : memref<8x128xi32, #tpu.memory_space<vmem>> -> memref<1x128xi32, #tpu.memory_space<vmem>>
          %dma_start3A_32 = tpu.memref_squeeze %dma_start3A_31 : memref<1x128xi32, #tpu.memory_space<vmem>> -> memref<128xi32, #tpu.memory_space<vmem>>
          %dma_start3A_33 = arith.constant 0 : i32
          %dma_start3A_34 = arith.constant 0 : i32
          %dma_start3A_35 = tpu.memref_slice %arg10[%dma_start3A_33, %dma_start3A_34] : memref<10112x128xf32, #tpu.memory_space<vmem_shared>> -> memref<10112x128xf32, #tpu.memory_space<vmem_shared>>
          tpu.enqueue_indirect_dma source(%dma_start3A_29 : memref<128x128xf32, #tpu.memory_space<vmem>>) target(%dma_start3A_35 : memref<10112x128xf32, #tpu.memory_space<vmem_shared>>) offsets(%dma_start3A_32 : memref<128xi32, #tpu.memory_space<vmem>>) semaphore(%run_scoped3A : memref<!tpu.dma_semaphore, #tpu.memory_space<semaphore_mem>>) {add = true}
          %dma_wait3A = arith.constant 0 : i32
          %dma_wait3A_36 = arith.constant 0 : i32
          %dma_wait3A_37 = tpu.memref_slice %arg9[%dma_wait3A, %dma_wait3A_36] : memref<256x128xf32, #tpu.memory_space<vmem>> -> memref<128x128xf32, #tpu.memory_space<vmem>>
          %dma_wait3A_38 = arith.constant 0 : i32
          %dma_wait3A_39 = tpu.memref_slice %arg7[%add3A_27, %dma_wait3A_38] : memref<8x128xi32, #tpu.memory_space<vmem>> -> memref<1x128xi32, #tpu.memory_space<vmem>>
          %dma_wait3A_40 = tpu.memref_squeeze %dma_wait3A_39 : memref<1x128xi32, #tpu.memory_space<vmem>> -> memref<128xi32, #tpu.memory_space<vmem>>
          %dma_wait3A_41 = arith.constant 0 : i32
          %dma_wait3A_42 = arith.constant 0 : i32
          %dma_wait3A_43 = tpu.memref_slice %arg10[%dma_wait3A_41, %dma_wait3A_42] : memref<10112x128xf32, #tpu.memory_space<vmem_shared>> -> memref<10112x128xf32, #tpu.memory_space<vmem_shared>>
          tpu.wait_indirect_dma semaphore(%run_scoped3A : memref<!tpu.dma_semaphore, #tpu.memory_space<semaphore_mem>>) src(%dma_wait3A_37 : memref<128x128xf32, #tpu.memory_space<vmem>>) dst(%dma_wait3A_43 : memref<10112x128xf32, #tpu.memory_space<vmem_shared>>)
          tpu.yield
        }) : () -> ()
        "tpu.region"() ({
          %run_scoped3A = tpu.sem_alloc : memref<!tpu.dma_semaphore, #tpu.memory_space<semaphore_mem>>
          %dma_start3A = arith.constant 128 : i32
          %dma_start3A_28 = arith.constant 0 : i32
          %dma_start3A_29 = tpu.memref_slice %arg9[%dma_start3A, %dma_start3A_28] : memref<256x128xf32, #tpu.memory_space<vmem>> -> memref<128x128xf32, #tpu.memory_space<vmem>>
          %dma_start3A_30 = arith.constant 0 : i32
          %dma_start3A_31 = tpu.memref_slice %arg8[%add3A_27, %dma_start3A_30] : memref<8x128xi32, #tpu.memory_space<vmem>> -> memref<1x128xi32, #tpu.memory_space<vmem>>
          %dma_start3A_32 = tpu.memref_squeeze %dma_start3A_31 : memref<1x128xi32, #tpu.memory_space<vmem>> -> memref<128xi32, #tpu.memory_space<vmem>>
          %dma_start3A_33 = arith.constant 0 : i32
          %dma_start3A_34 = arith.constant 0 : i32
          %dma_start3A_35 = tpu.memref_slice %arg10[%dma_start3A_33, %dma_start3A_34] : memref<10112x128xf32, #tpu.memory_space<vmem_shared>> -> memref<10112x128xf32, #tpu.memory_space<vmem_shared>>
          tpu.enqueue_indirect_dma source(%dma_start3A_29 : memref<128x128xf32, #tpu.memory_space<vmem>>) target(%dma_start3A_35 : memref<10112x128xf32, #tpu.memory_space<vmem_shared>>) offsets(%dma_start3A_32 : memref<128xi32, #tpu.memory_space<vmem>>) semaphore(%run_scoped3A : memref<!tpu.dma_semaphore, #tpu.memory_space<semaphore_mem>>) {add = true}
          %dma_wait3A = arith.constant 128 : i32
          %dma_wait3A_36 = arith.constant 0 : i32
          %dma_wait3A_37 = tpu.memref_slice %arg9[%dma_wait3A, %dma_wait3A_36] : memref<256x128xf32, #tpu.memory_space<vmem>> -> memref<128x128xf32, #tpu.memory_space<vmem>>
          %dma_wait3A_38 = arith.constant 0 : i32
          %dma_wait3A_39 = tpu.memref_slice %arg8[%add3A_27, %dma_wait3A_38] : memref<8x128xi32, #tpu.memory_space<vmem>> -> memref<1x128xi32, #tpu.memory_space<vmem>>
          %dma_wait3A_40 = tpu.memref_squeeze %dma_wait3A_39 : memref<1x128xi32, #tpu.memory_space<vmem>> -> memref<128xi32, #tpu.memory_space<vmem>>
          %dma_wait3A_41 = arith.constant 0 : i32
          %dma_wait3A_42 = arith.constant 0 : i32
          %dma_wait3A_43 = tpu.memref_slice %arg10[%dma_wait3A_41, %dma_wait3A_42] : memref<10112x128xf32, #tpu.memory_space<vmem_shared>> -> memref<10112x128xf32, #tpu.memory_space<vmem_shared>>
          tpu.wait_indirect_dma semaphore(%run_scoped3A : memref<!tpu.dma_semaphore, #tpu.memory_space<semaphore_mem>>) src(%dma_wait3A_37 : memref<128x128xf32, #tpu.memory_space<vmem>>) dst(%dma_wait3A_43 : memref<10112x128xf32, #tpu.memory_space<vmem_shared>>)
          tpu.yield
        }) : () -> ()
      }
      %scan3A_22 = arith.constant 8 : i32
    }
    %scan3A_6 = arith.constant 10 : i32
    %barrier3A_7 = arith.constant 0 : index
    tpu.barrier barrier_id(%barrier3A_7)
    "tpu.region"() ({
      %run_scoped3A = tpu.sem_alloc : memref<!tpu.dma_semaphore, #tpu.memory_space<semaphore_mem>>
      %dma_start3A = arith.constant 0 : i32
      %dma_start3A_8 = arith.constant 0 : i32
      %dma_start3A_9 = tpu.memref_slice %arg6[%arg0, %dma_start3A, %dma_start3A_8] : memref<2x10112x128xf32, #tpu.memory_space<hbm>> -> memref<1x10112x128xf32, #tpu.memory_space<hbm>>
      %dma_start3A_10 = tpu.memref_squeeze %dma_start3A_9 : memref<1x10112x128xf32, #tpu.memory_space<hbm>> -> memref<10112x128xf32, #tpu.memory_space<hbm>>
      %dma_start3A_11 = arith.constant 0 : i32
      %dma_start3A_12 = tpu.memref_slice %dma_start3A_10[%mul3A_2, %dma_start3A_11] : memref<10112x128xf32, #tpu.memory_space<hbm>> -> memref<632x128xf32, #tpu.memory_space<hbm>>
      %dma_start3A_13 = arith.constant 0 : i32
      %dma_start3A_14 = tpu.memref_slice %arg10[%mul3A_2, %dma_start3A_13] : memref<10112x128xf32, #tpu.memory_space<vmem_shared>> -> memref<632x128xf32, #tpu.memory_space<vmem_shared>>
      tpu.enqueue_dma source(%dma_start3A_14 : memref<632x128xf32, #tpu.memory_space<vmem_shared>>) target(%dma_start3A_12 : memref<632x128xf32, #tpu.memory_space<hbm>>) target_semaphore(%run_scoped3A : memref<!tpu.dma_semaphore, #tpu.memory_space<semaphore_mem>>)
      %dma_wait3A = arith.constant 0 : i32
      %dma_wait3A_15 = arith.constant 0 : i32
      %dma_wait3A_16 = tpu.memref_slice %arg6[%arg0, %dma_wait3A, %dma_wait3A_15] : memref<2x10112x128xf32, #tpu.memory_space<hbm>> -> memref<1x10112x128xf32, #tpu.memory_space<hbm>>
      %dma_wait3A_17 = tpu.memref_squeeze %dma_wait3A_16 : memref<1x10112x128xf32, #tpu.memory_space<hbm>> -> memref<10112x128xf32, #tpu.memory_space<hbm>>
      %dma_wait3A_18 = arith.constant 0 : i32
      %dma_wait3A_19 = tpu.memref_slice %dma_wait3A_17[%mul3A_2, %dma_wait3A_18] : memref<10112x128xf32, #tpu.memory_space<hbm>> -> memref<632x128xf32, #tpu.memory_space<hbm>>
      %dma_wait3A_20 = arith.constant 0 : i32
      %dma_wait3A_21 = tpu.memref_slice %arg10[%mul3A_2, %dma_wait3A_20] : memref<10112x128xf32, #tpu.memory_space<vmem_shared>> -> memref<632x128xf32, #tpu.memory_space<vmem_shared>>
      tpu.wait_dma2 semaphore(%run_scoped3A : memref<!tpu.dma_semaphore, #tpu.memory_space<semaphore_mem>>) src(%dma_wait3A_21 : memref<632x128xf32, #tpu.memory_space<vmem_shared>>) dst(%dma_wait3A_19 : memref<632x128xf32, #tpu.memory_space<hbm>>)
      tpu.yield
    }) : () -> ()
    return
  }
}

#map = affine_map<(d0, d1) -> (0, 0)>
#map1 = affine_map<(d0, d1) -> (0, 0, 0)>
module attributes {stable_mosaic.version = 14 : i64} {
  func.func @_edge_agg_body(%arg0: i32, %arg1: i32, %arg2: memref<10112x128xf32, #tpu.memory_space<hbm>>, %arg3: memref<2560x128xi32, #tpu.memory_space<hbm>>, %arg4: memref<2560x128xi32, #tpu.memory_space<hbm>>, %arg5: memref<10112x128xf32, #tpu.memory_space<hbm>>, %arg6: memref<2x10112x128xf32, #tpu.memory_space<hbm>>, %arg7: memref<8x128xi32, #tpu.memory_space<vmem>>, %arg8: memref<8x128xi32, #tpu.memory_space<vmem>>, %arg9: memref<128x128xf32, #tpu.memory_space<vmem>>, %arg10: memref<128x128xf32, #tpu.memory_space<vmem>>, %arg11: memref<10112x128xf32, #tpu.memory_space<vmem_shared>>, %arg12: memref<!tpu.dma_semaphore, #tpu.memory_space<semaphore_mem>>, %arg13: memref<!tpu.dma_semaphore, #tpu.memory_space<semaphore_mem>>) attributes {dimension_semantics = [#tpu.dimension_semantics<core_parallel>, #tpu.dimension_semantics<subcore_parallel>], iteration_bounds = array<i64: 2, 16>, scalar_prefetch = 0 : i64, scratch_operands = 7 : i64, tpu.core_type = #tpu.core_type<sc_vector_subcore>, window_params = [{transform_indices = #map}, {transform_indices = #map}, {transform_indices = #map}, {transform_indices = #map}, {transform_indices = #map1}]} {
    %mul3A = arith.constant 632 : i32
    %mul3A_0 = arith.muli %arg1, %mul3A : i32
    "tpu.region"() ({
      %run_scoped3A = tpu.sem_alloc : memref<!tpu.dma_semaphore, #tpu.memory_space<semaphore_mem>>
      %dma_start3A = arith.constant 0 : i32
      %dma_start3A_9 = tpu.memref_slice %arg11[%mul3A_0, %dma_start3A] : memref<10112x128xf32, #tpu.memory_space<vmem_shared>> -> memref<632x128xf32, #tpu.memory_space<vmem_shared>>
      %dma_start3A_10 = arith.constant 0 : i32
      %dma_start3A_11 = tpu.memref_slice %arg5[%mul3A_0, %dma_start3A_10] : memref<10112x128xf32, #tpu.memory_space<hbm>> -> memref<632x128xf32, #tpu.memory_space<hbm>>
      tpu.enqueue_dma source(%dma_start3A_11 : memref<632x128xf32, #tpu.memory_space<hbm>>) target(%dma_start3A_9 : memref<632x128xf32, #tpu.memory_space<vmem_shared>>) target_semaphore(%run_scoped3A : memref<!tpu.dma_semaphore, #tpu.memory_space<semaphore_mem>>)
      %dma_wait3A = arith.constant 0 : i32
      %dma_wait3A_12 = tpu.memref_slice %arg11[%mul3A_0, %dma_wait3A] : memref<10112x128xf32, #tpu.memory_space<vmem_shared>> -> memref<632x128xf32, #tpu.memory_space<vmem_shared>>
      %dma_wait3A_13 = arith.constant 0 : i32
      %dma_wait3A_14 = tpu.memref_slice %arg5[%mul3A_0, %dma_wait3A_13] : memref<10112x128xf32, #tpu.memory_space<hbm>> -> memref<632x128xf32, #tpu.memory_space<hbm>>
      tpu.wait_dma2 semaphore(%run_scoped3A : memref<!tpu.dma_semaphore, #tpu.memory_space<semaphore_mem>>) src(%dma_wait3A_14 : memref<632x128xf32, #tpu.memory_space<hbm>>) dst(%dma_wait3A_12 : memref<632x128xf32, #tpu.memory_space<vmem_shared>>)
      tpu.yield
    }) : () -> ()
    %barrier3A = arith.constant 0 : index
    tpu.barrier barrier_id(%barrier3A)
    %eq3A = arith.constant 0 : i32
    %eq3A_1 = arith.cmpi eq, %arg0, %eq3A : i32
    %convert_element_type3A = arith.extui %eq3A_1 : i1 to i32
    %cond3A = arith.constant 0 : i32
    %cond3A_2 = arith.cmpi ne, %convert_element_type3A, %cond3A : i32
    scf.if %cond3A_2 {
      %mul3A_9 = arith.constant 160 : i32
      %mul3A_10 = arith.muli %arg1, %mul3A_9 : i32
      %scan3A = arith.constant 0 : i32
      %scan3A_11 = arith.constant 20 : i32
      %scan3A_12 = arith.addi %scan3A, %scan3A_11 : i32
      %scan3A_13 = arith.constant 1 : i32
      scf.for %scan3A_15 = %scan3A to %scan3A_12 step %scan3A_13  : i32 {
        %mul3A_16 = arith.constant 1 : i32
        %mul3A_17 = arith.muli %scan3A_15, %mul3A_16 : i32
        %add3A = arith.constant 0 : i32
        %add3A_18 = arith.addi %add3A, %mul3A_17 : i32
        %mul3A_19 = arith.constant 8 : i32
        %mul3A_20 = arith.muli %add3A_18, %mul3A_19 : i32
        %add3A_21 = arith.addi %mul3A_10, %mul3A_20 : i32
        "tpu.region"() ({
          %run_scoped3A = tpu.sem_alloc : memref<!tpu.dma_semaphore, #tpu.memory_space<semaphore_mem>>
          %dma_start3A_33 = arith.constant 0 : i32
          %dma_start3A_34 = tpu.memref_slice %arg3[%add3A_21, %dma_start3A_33] : memref<2560x128xi32, #tpu.memory_space<hbm>> -> memref<8x128xi32, #tpu.memory_space<hbm>>
          %dma_start3A_35 = arith.constant 0 : i32
          %dma_start3A_36 = tpu.memref_slice %arg3[%add3A_21, %dma_start3A_35] : memref<2560x128xi32, #tpu.memory_space<hbm>> -> memref<8x128xi32, #tpu.memory_space<hbm>>
          tpu.enqueue_dma source(%dma_start3A_36 : memref<8x128xi32, #tpu.memory_space<hbm>>) target(%arg7 : memref<8x128xi32, #tpu.memory_space<vmem>>) target_semaphore(%run_scoped3A : memref<!tpu.dma_semaphore, #tpu.memory_space<semaphore_mem>>)
          %dma_wait3A = arith.constant 0 : i32
          %dma_wait3A_37 = tpu.memref_slice %arg3[%add3A_21, %dma_wait3A] : memref<2560x128xi32, #tpu.memory_space<hbm>> -> memref<8x128xi32, #tpu.memory_space<hbm>>
          %dma_wait3A_38 = arith.constant 0 : i32
          %dma_wait3A_39 = tpu.memref_slice %arg3[%add3A_21, %dma_wait3A_38] : memref<2560x128xi32, #tpu.memory_space<hbm>> -> memref<8x128xi32, #tpu.memory_space<hbm>>
          tpu.wait_dma2 semaphore(%run_scoped3A : memref<!tpu.dma_semaphore, #tpu.memory_space<semaphore_mem>>) src(%dma_wait3A_39 : memref<8x128xi32, #tpu.memory_space<hbm>>) dst(%arg7 : memref<8x128xi32, #tpu.memory_space<vmem>>)
          tpu.yield
        }) : () -> ()
        "tpu.region"() ({
          %run_scoped3A = tpu.sem_alloc : memref<!tpu.dma_semaphore, #tpu.memory_space<semaphore_mem>>
          %dma_start3A_33 = arith.constant 0 : i32
          %dma_start3A_34 = tpu.memref_slice %arg4[%add3A_21, %dma_start3A_33] : memref<2560x128xi32, #tpu.memory_space<hbm>> -> memref<8x128xi32, #tpu.memory_space<hbm>>
          %dma_start3A_35 = arith.constant 0 : i32
          %dma_start3A_36 = tpu.memref_slice %arg4[%add3A_21, %dma_start3A_35] : memref<2560x128xi32, #tpu.memory_space<hbm>> -> memref<8x128xi32, #tpu.memory_space<hbm>>
          tpu.enqueue_dma source(%dma_start3A_36 : memref<8x128xi32, #tpu.memory_space<hbm>>) target(%arg8 : memref<8x128xi32, #tpu.memory_space<vmem>>) target_semaphore(%run_scoped3A : memref<!tpu.dma_semaphore, #tpu.memory_space<semaphore_mem>>)
          %dma_wait3A = arith.constant 0 : i32
          %dma_wait3A_37 = tpu.memref_slice %arg4[%add3A_21, %dma_wait3A] : memref<2560x128xi32, #tpu.memory_space<hbm>> -> memref<8x128xi32, #tpu.memory_space<hbm>>
          %dma_wait3A_38 = arith.constant 0 : i32
          %dma_wait3A_39 = tpu.memref_slice %arg4[%add3A_21, %dma_wait3A_38] : memref<2560x128xi32, #tpu.memory_space<hbm>> -> memref<8x128xi32, #tpu.memory_space<hbm>>
          tpu.wait_dma2 semaphore(%run_scoped3A : memref<!tpu.dma_semaphore, #tpu.memory_space<semaphore_mem>>) src(%dma_wait3A_39 : memref<8x128xi32, #tpu.memory_space<hbm>>) dst(%arg8 : memref<8x128xi32, #tpu.memory_space<vmem>>)
          tpu.yield
        }) : () -> ()
        %dma_start3A = arith.constant 0 : i32
        %dma_start3A_22 = arith.constant 0 : i32
        %dma_start3A_23 = tpu.memref_slice %arg7[%dma_start3A, %dma_start3A_22] : memref<8x128xi32, #tpu.memory_space<vmem>> -> memref<1x128xi32, #tpu.memory_space<vmem>>
        %dma_start3A_24 = tpu.memref_squeeze %dma_start3A_23 : memref<1x128xi32, #tpu.memory_space<vmem>> -> memref<128xi32, #tpu.memory_space<vmem>>
        %dma_start3A_25 = arith.constant 0 : i32
        %dma_start3A_26 = arith.constant 0 : i32
        %dma_start3A_27 = tpu.memref_slice %arg2[%dma_start3A_25, %dma_start3A_26] : memref<10112x128xf32, #tpu.memory_space<hbm>> -> memref<10112x128xf32, #tpu.memory_space<hbm>>
        tpu.enqueue_indirect_dma source(%dma_start3A_27 : memref<10112x128xf32, #tpu.memory_space<hbm>>) target(%arg9 : memref<128x128xf32, #tpu.memory_space<vmem>>) offsets(%dma_start3A_24 : memref<128xi32, #tpu.memory_space<vmem>>) semaphore(%arg12 : memref<!tpu.dma_semaphore, #tpu.memory_space<semaphore_mem>>)
        %scan3A_28 = arith.constant 0 : i32
        %scan3A_29 = arith.constant 4 : i32
        %scan3A_30 = arith.addi %scan3A_28, %scan3A_29 : i32
        %scan3A_31 = arith.constant 1 : i32
        scf.for %scan3A_33 = %scan3A_28 to %scan3A_30 step %scan3A_31  : i32 {
          %mul3A_34 = arith.constant 2 : i32
          %mul3A_35 = arith.muli %scan3A_33, %mul3A_34 : i32
          %add3A_36 = arith.constant 0 : i32
          %add3A_37 = arith.addi %add3A_36, %mul3A_35 : i32
          %add3A_38 = arith.constant 1 : i32
          %add3A_39 = arith.addi %add3A_37, %add3A_38 : i32
          %dma_start3A_40 = arith.constant 0 : i32
          %dma_start3A_41 = tpu.memref_slice %arg7[%add3A_39, %dma_start3A_40] : memref<8x128xi32, #tpu.memory_space<vmem>> -> memref<1x128xi32, #tpu.memory_space<vmem>>
          %dma_start3A_42 = tpu.memref_squeeze %dma_start3A_41 : memref<1x128xi32, #tpu.memory_space<vmem>> -> memref<128xi32, #tpu.memory_space<vmem>>
          %dma_start3A_43 = arith.constant 0 : i32
          %dma_start3A_44 = arith.constant 0 : i32
          %dma_start3A_45 = tpu.memref_slice %arg2[%dma_start3A_43, %dma_start3A_44] : memref<10112x128xf32, #tpu.memory_space<hbm>> -> memref<10112x128xf32, #tpu.memory_space<hbm>>
          tpu.enqueue_indirect_dma source(%dma_start3A_45 : memref<10112x128xf32, #tpu.memory_space<hbm>>) target(%arg10 : memref<128x128xf32, #tpu.memory_space<vmem>>) offsets(%dma_start3A_42 : memref<128xi32, #tpu.memory_space<vmem>>) semaphore(%arg13 : memref<!tpu.dma_semaphore, #tpu.memory_space<semaphore_mem>>)
          %dma_wait3A = arith.constant 0 : i32
          %dma_wait3A_46 = tpu.memref_slice %arg7[%add3A_37, %dma_wait3A] : memref<8x128xi32, #tpu.memory_space<vmem>> -> memref<1x128xi32, #tpu.memory_space<vmem>>
          %dma_wait3A_47 = tpu.memref_squeeze %dma_wait3A_46 : memref<1x128xi32, #tpu.memory_space<vmem>> -> memref<128xi32, #tpu.memory_space<vmem>>
          %dma_wait3A_48 = arith.constant 0 : i32
          %dma_wait3A_49 = arith.constant 0 : i32
          %dma_wait3A_50 = tpu.memref_slice %arg2[%dma_wait3A_48, %dma_wait3A_49] : memref<10112x128xf32, #tpu.memory_space<hbm>> -> memref<10112x128xf32, #tpu.memory_space<hbm>>
          tpu.wait_indirect_dma semaphore(%arg12 : memref<!tpu.dma_semaphore, #tpu.memory_space<semaphore_mem>>) src(%dma_wait3A_50 : memref<10112x128xf32, #tpu.memory_space<hbm>>) dst(%arg9 : memref<128x128xf32, #tpu.memory_space<vmem>>)
          "tpu.region"() ({
            %run_scoped3A = tpu.sem_alloc : memref<!tpu.dma_semaphore, #tpu.memory_space<semaphore_mem>>
            %dma_start3A_67 = arith.constant 0 : i32
            %dma_start3A_68 = tpu.memref_slice %arg8[%add3A_37, %dma_start3A_67] : memref<8x128xi32, #tpu.memory_space<vmem>> -> memref<1x128xi32, #tpu.memory_space<vmem>>
            %dma_start3A_69 = tpu.memref_squeeze %dma_start3A_68 : memref<1x128xi32, #tpu.memory_space<vmem>> -> memref<128xi32, #tpu.memory_space<vmem>>
            %dma_start3A_70 = arith.constant 0 : i32
            %dma_start3A_71 = arith.constant 0 : i32
            %dma_start3A_72 = tpu.memref_slice %arg11[%dma_start3A_70, %dma_start3A_71] : memref<10112x128xf32, #tpu.memory_space<vmem_shared>> -> memref<10112x128xf32, #tpu.memory_space<vmem_shared>>
            tpu.enqueue_indirect_dma source(%arg9 : memref<128x128xf32, #tpu.memory_space<vmem>>) target(%dma_start3A_72 : memref<10112x128xf32, #tpu.memory_space<vmem_shared>>) offsets(%dma_start3A_69 : memref<128xi32, #tpu.memory_space<vmem>>) semaphore(%run_scoped3A : memref<!tpu.dma_semaphore, #tpu.memory_space<semaphore_mem>>) {add = true}
            %dma_wait3A_73 = arith.constant 0 : i32
            %dma_wait3A_74 = tpu.memref_slice %arg8[%add3A_37, %dma_wait3A_73] : memref<8x128xi32, #tpu.memory_space<vmem>> -> memref<1x128xi32, #tpu.memory_space<vmem>>
            %dma_wait3A_75 = tpu.memref_squeeze %dma_wait3A_74 : memref<1x128xi32, #tpu.memory_space<vmem>> -> memref<128xi32, #tpu.memory_space<vmem>>
            %dma_wait3A_76 = arith.constant 0 : i32
            %dma_wait3A_77 = arith.constant 0 : i32
            %dma_wait3A_78 = tpu.memref_slice %arg11[%dma_wait3A_76, %dma_wait3A_77] : memref<10112x128xf32, #tpu.memory_space<vmem_shared>> -> memref<10112x128xf32, #tpu.memory_space<vmem_shared>>
            tpu.wait_indirect_dma semaphore(%run_scoped3A : memref<!tpu.dma_semaphore, #tpu.memory_space<semaphore_mem>>) src(%arg9 : memref<128x128xf32, #tpu.memory_space<vmem>>) dst(%dma_wait3A_78 : memref<10112x128xf32, #tpu.memory_space<vmem_shared>>)
            tpu.yield
          }) : () -> ()
          %add3A_51 = arith.constant 2 : i32
          %add3A_52 = arith.addi %add3A_37, %add3A_51 : i32
          %lt3A = arith.constant 8 : i32
          %lt3A_53 = arith.cmpi slt, %add3A_52, %lt3A : i32
          %convert_element_type3A_54 = arith.extui %lt3A_53 : i1 to i32
          %cond3A_55 = arith.constant 0 : i32
          %cond3A_56 = arith.cmpi ne, %convert_element_type3A_54, %cond3A_55 : i32
          scf.if %cond3A_56 {
            %add3A_67 = arith.constant 2 : i32
            %add3A_68 = arith.addi %add3A_37, %add3A_67 : i32
            %dma_start3A_69 = arith.constant 0 : i32
            %dma_start3A_70 = tpu.memref_slice %arg7[%add3A_68, %dma_start3A_69] : memref<8x128xi32, #tpu.memory_space<vmem>> -> memref<1x128xi32, #tpu.memory_space<vmem>>
            %dma_start3A_71 = tpu.memref_squeeze %dma_start3A_70 : memref<1x128xi32, #tpu.memory_space<vmem>> -> memref<128xi32, #tpu.memory_space<vmem>>
            %dma_start3A_72 = arith.constant 0 : i32
            %dma_start3A_73 = arith.constant 0 : i32
            %dma_start3A_74 = tpu.memref_slice %arg2[%dma_start3A_72, %dma_start3A_73] : memref<10112x128xf32, #tpu.memory_space<hbm>> -> memref<10112x128xf32, #tpu.memory_space<hbm>>
            tpu.enqueue_indirect_dma source(%dma_start3A_74 : memref<10112x128xf32, #tpu.memory_space<hbm>>) target(%arg9 : memref<128x128xf32, #tpu.memory_space<vmem>>) offsets(%dma_start3A_71 : memref<128xi32, #tpu.memory_space<vmem>>) semaphore(%arg12 : memref<!tpu.dma_semaphore, #tpu.memory_space<semaphore_mem>>)
          } else {
          }
          %add3A_57 = arith.constant 1 : i32
          %add3A_58 = arith.addi %add3A_37, %add3A_57 : i32
          %dma_wait3A_59 = arith.constant 0 : i32
          %dma_wait3A_60 = tpu.memref_slice %arg7[%add3A_58, %dma_wait3A_59] : memref<8x128xi32, #tpu.memory_space<vmem>> -> memref<1x128xi32, #tpu.memory_space<vmem>>
          %dma_wait3A_61 = tpu.memref_squeeze %dma_wait3A_60 : memref<1x128xi32, #tpu.memory_space<vmem>> -> memref<128xi32, #tpu.memory_space<vmem>>
          %dma_wait3A_62 = arith.constant 0 : i32
          %dma_wait3A_63 = arith.constant 0 : i32
          %dma_wait3A_64 = tpu.memref_slice %arg2[%dma_wait3A_62, %dma_wait3A_63] : memref<10112x128xf32, #tpu.memory_space<hbm>> -> memref<10112x128xf32, #tpu.memory_space<hbm>>
          tpu.wait_indirect_dma semaphore(%arg13 : memref<!tpu.dma_semaphore, #tpu.memory_space<semaphore_mem>>) src(%dma_wait3A_64 : memref<10112x128xf32, #tpu.memory_space<hbm>>) dst(%arg10 : memref<128x128xf32, #tpu.memory_space<vmem>>)
          %add3A_65 = arith.constant 1 : i32
          %add3A_66 = arith.addi %add3A_37, %add3A_65 : i32
          "tpu.region"() ({
            %run_scoped3A = tpu.sem_alloc : memref<!tpu.dma_semaphore, #tpu.memory_space<semaphore_mem>>
            %dma_start3A_67 = arith.constant 0 : i32
            %dma_start3A_68 = tpu.memref_slice %arg8[%add3A_66, %dma_start3A_67] : memref<8x128xi32, #tpu.memory_space<vmem>> -> memref<1x128xi32, #tpu.memory_space<vmem>>
            %dma_start3A_69 = tpu.memref_squeeze %dma_start3A_68 : memref<1x128xi32, #tpu.memory_space<vmem>> -> memref<128xi32, #tpu.memory_space<vmem>>
            %dma_start3A_70 = arith.constant 0 : i32
            %dma_start3A_71 = arith.constant 0 : i32
            %dma_start3A_72 = tpu.memref_slice %arg11[%dma_start3A_70, %dma_start3A_71] : memref<10112x128xf32, #tpu.memory_space<vmem_shared>> -> memref<10112x128xf32, #tpu.memory_space<vmem_shared>>
            tpu.enqueue_indirect_dma source(%arg10 : memref<128x128xf32, #tpu.memory_space<vmem>>) target(%dma_start3A_72 : memref<10112x128xf32, #tpu.memory_space<vmem_shared>>) offsets(%dma_start3A_69 : memref<128xi32, #tpu.memory_space<vmem>>) semaphore(%run_scoped3A : memref<!tpu.dma_semaphore, #tpu.memory_space<semaphore_mem>>) {add = true}
            %dma_wait3A_73 = arith.constant 0 : i32
            %dma_wait3A_74 = tpu.memref_slice %arg8[%add3A_66, %dma_wait3A_73] : memref<8x128xi32, #tpu.memory_space<vmem>> -> memref<1x128xi32, #tpu.memory_space<vmem>>
            %dma_wait3A_75 = tpu.memref_squeeze %dma_wait3A_74 : memref<1x128xi32, #tpu.memory_space<vmem>> -> memref<128xi32, #tpu.memory_space<vmem>>
            %dma_wait3A_76 = arith.constant 0 : i32
            %dma_wait3A_77 = arith.constant 0 : i32
            %dma_wait3A_78 = tpu.memref_slice %arg11[%dma_wait3A_76, %dma_wait3A_77] : memref<10112x128xf32, #tpu.memory_space<vmem_shared>> -> memref<10112x128xf32, #tpu.memory_space<vmem_shared>>
            tpu.wait_indirect_dma semaphore(%run_scoped3A : memref<!tpu.dma_semaphore, #tpu.memory_space<semaphore_mem>>) src(%arg10 : memref<128x128xf32, #tpu.memory_space<vmem>>) dst(%dma_wait3A_78 : memref<10112x128xf32, #tpu.memory_space<vmem_shared>>)
            tpu.yield
          }) : () -> ()
        }
        %scan3A_32 = arith.constant 4 : i32
      }
      %scan3A_14 = arith.constant 20 : i32
    } else {
    }
    %eq3A_3 = arith.constant 1 : i32
    %eq3A_4 = arith.cmpi eq, %arg0, %eq3A_3 : i32
    %convert_element_type3A_5 = arith.extui %eq3A_4 : i1 to i32
    %cond3A_6 = arith.constant 0 : i32
    %cond3A_7 = arith.cmpi ne, %convert_element_type3A_5, %cond3A_6 : i32
    scf.if %cond3A_7 {
      %mul3A_9 = arith.constant 0 : i32
      %mul3A_10 = arith.muli %arg1, %mul3A_9 : i32
      %add3A = arith.constant 2560 : i32
      %add3A_11 = arith.addi %add3A, %mul3A_10 : i32
      %scan3A = arith.constant 0 : i32
      %scan3A_12 = arith.constant 0 : i32
      %scan3A_13 = arith.addi %scan3A, %scan3A_12 : i32
      %scan3A_14 = arith.constant 0 : i32
    } else {
    }
    %barrier3A_8 = arith.constant 0 : index
    tpu.barrier barrier_id(%barrier3A_8)
    "tpu.region"() ({
      %run_scoped3A = tpu.sem_alloc : memref<!tpu.dma_semaphore, #tpu.memory_space<semaphore_mem>>
      %dma_start3A = arith.constant 0 : i32
      %dma_start3A_9 = arith.constant 0 : i32
      %dma_start3A_10 = tpu.memref_slice %arg6[%arg0, %dma_start3A, %dma_start3A_9] : memref<2x10112x128xf32, #tpu.memory_space<hbm>> -> memref<1x10112x128xf32, #tpu.memory_space<hbm>>
      %dma_start3A_11 = tpu.memref_squeeze %dma_start3A_10 : memref<1x10112x128xf32, #tpu.memory_space<hbm>> -> memref<10112x128xf32, #tpu.memory_space<hbm>>
      %dma_start3A_12 = arith.constant 0 : i32
      %dma_start3A_13 = tpu.memref_slice %dma_start3A_11[%mul3A_0, %dma_start3A_12] : memref<10112x128xf32, #tpu.memory_space<hbm>> -> memref<632x128xf32, #tpu.memory_space<hbm>>
      %dma_start3A_14 = arith.constant 0 : i32
      %dma_start3A_15 = tpu.memref_slice %arg11[%mul3A_0, %dma_start3A_14] : memref<10112x128xf32, #tpu.memory_space<vmem_shared>> -> memref<632x128xf32, #tpu.memory_space<vmem_shared>>
      tpu.enqueue_dma source(%dma_start3A_15 : memref<632x128xf32, #tpu.memory_space<vmem_shared>>) target(%dma_start3A_13 : memref<632x128xf32, #tpu.memory_space<hbm>>) target_semaphore(%run_scoped3A : memref<!tpu.dma_semaphore, #tpu.memory_space<semaphore_mem>>)
      %dma_wait3A = arith.constant 0 : i32
      %dma_wait3A_16 = arith.constant 0 : i32
      %dma_wait3A_17 = tpu.memref_slice %arg6[%arg0, %dma_wait3A, %dma_wait3A_16] : memref<2x10112x128xf32, #tpu.memory_space<hbm>> -> memref<1x10112x128xf32, #tpu.memory_space<hbm>>
      %dma_wait3A_18 = tpu.memref_squeeze %dma_wait3A_17 : memref<1x10112x128xf32, #tpu.memory_space<hbm>> -> memref<10112x128xf32, #tpu.memory_space<hbm>>
      %dma_wait3A_19 = arith.constant 0 : i32
      %dma_wait3A_20 = tpu.memref_slice %dma_wait3A_18[%mul3A_0, %dma_wait3A_19] : memref<10112x128xf32, #tpu.memory_space<hbm>> -> memref<632x128xf32, #tpu.memory_space<hbm>>
      %dma_wait3A_21 = arith.constant 0 : i32
      %dma_wait3A_22 = tpu.memref_slice %arg11[%mul3A_0, %dma_wait3A_21] : memref<10112x128xf32, #tpu.memory_space<vmem_shared>> -> memref<632x128xf32, #tpu.memory_space<vmem_shared>>
      tpu.wait_dma2 semaphore(%run_scoped3A : memref<!tpu.dma_semaphore, #tpu.memory_space<semaphore_mem>>) src(%dma_wait3A_22 : memref<632x128xf32, #tpu.memory_space<vmem_shared>>) dst(%dma_wait3A_20 : memref<632x128xf32, #tpu.memory_space<hbm>>)
      tpu.yield
    }) : () -> ()
    return
  }
}

#map = affine_map<(d0, d1) -> (0, 0)>
#map1 = affine_map<(d0, d1) -> (0, 0, 0)>
module attributes {stable_mosaic.version = 14 : i64} {
  func.func @_edge_agg_body(%arg0: i32, %arg1: i32, %arg2: memref<10112x128xf32, #tpu.memory_space<hbm>>, %arg3: memref<2560x128xi32, #tpu.memory_space<hbm>>, %arg4: memref<2560x128xi32, #tpu.memory_space<hbm>>, %arg5: memref<10112x128xf32, #tpu.memory_space<hbm>>, %arg6: memref<2x10112x128xf32, #tpu.memory_space<hbm>>, %arg7: memref<8x128xi32, #tpu.memory_space<vmem>>, %arg8: memref<8x128xi32, #tpu.memory_space<vmem>>, %arg9: memref<128x128xf32, #tpu.memory_space<vmem>>, %arg10: memref<128x128xf32, #tpu.memory_space<vmem>>, %arg11: memref<10112x128xf32, #tpu.memory_space<vmem_shared>>, %arg12: memref<!tpu.dma_semaphore, #tpu.memory_space<semaphore_mem>>, %arg13: memref<!tpu.dma_semaphore, #tpu.memory_space<semaphore_mem>>) attributes {dimension_semantics = [#tpu.dimension_semantics<core_parallel>, #tpu.dimension_semantics<subcore_parallel>], iteration_bounds = array<i64: 2, 16>, scalar_prefetch = 0 : i64, scratch_operands = 7 : i64, tpu.core_type = #tpu.core_type<sc_vector_subcore>, window_params = [{transform_indices = #map}, {transform_indices = #map}, {transform_indices = #map}, {transform_indices = #map}, {transform_indices = #map1}]} {
    %mul3A = arith.constant 632 : i32
    %mul3A_0 = arith.muli %arg1, %mul3A : i32
    "tpu.region"() ({
      %run_scoped3A = tpu.sem_alloc : memref<!tpu.dma_semaphore, #tpu.memory_space<semaphore_mem>>
      %dma_start3A = arith.constant 0 : i32
      %dma_start3A_9 = tpu.memref_slice %arg11[%mul3A_0, %dma_start3A] : memref<10112x128xf32, #tpu.memory_space<vmem_shared>> -> memref<632x128xf32, #tpu.memory_space<vmem_shared>>
      %dma_start3A_10 = arith.constant 0 : i32
      %dma_start3A_11 = tpu.memref_slice %arg5[%mul3A_0, %dma_start3A_10] : memref<10112x128xf32, #tpu.memory_space<hbm>> -> memref<632x128xf32, #tpu.memory_space<hbm>>
      tpu.enqueue_dma source(%dma_start3A_11 : memref<632x128xf32, #tpu.memory_space<hbm>>) target(%dma_start3A_9 : memref<632x128xf32, #tpu.memory_space<vmem_shared>>) target_semaphore(%run_scoped3A : memref<!tpu.dma_semaphore, #tpu.memory_space<semaphore_mem>>)
      %dma_wait3A = arith.constant 0 : i32
      %dma_wait3A_12 = tpu.memref_slice %arg11[%mul3A_0, %dma_wait3A] : memref<10112x128xf32, #tpu.memory_space<vmem_shared>> -> memref<632x128xf32, #tpu.memory_space<vmem_shared>>
      %dma_wait3A_13 = arith.constant 0 : i32
      %dma_wait3A_14 = tpu.memref_slice %arg5[%mul3A_0, %dma_wait3A_13] : memref<10112x128xf32, #tpu.memory_space<hbm>> -> memref<632x128xf32, #tpu.memory_space<hbm>>
      tpu.wait_dma2 semaphore(%run_scoped3A : memref<!tpu.dma_semaphore, #tpu.memory_space<semaphore_mem>>) src(%dma_wait3A_14 : memref<632x128xf32, #tpu.memory_space<hbm>>) dst(%dma_wait3A_12 : memref<632x128xf32, #tpu.memory_space<vmem_shared>>)
      tpu.yield
    }) : () -> ()
    %barrier3A = arith.constant 0 : index
    tpu.barrier barrier_id(%barrier3A)
    %eq3A = arith.constant 0 : i32
    %eq3A_1 = arith.cmpi eq, %arg0, %eq3A : i32
    %convert_element_type3A = arith.extui %eq3A_1 : i1 to i32
    %cond3A = arith.constant 0 : i32
    %cond3A_2 = arith.cmpi ne, %convert_element_type3A, %cond3A : i32
    scf.if %cond3A_2 {
      %mul3A_9 = arith.constant 160 : i32
      %mul3A_10 = arith.muli %arg1, %mul3A_9 : i32
      %scan3A = arith.constant 0 : i32
      %scan3A_11 = arith.constant 20 : i32
      %scan3A_12 = arith.addi %scan3A, %scan3A_11 : i32
      %scan3A_13 = arith.constant 1 : i32
      scf.for %scan3A_15 = %scan3A to %scan3A_12 step %scan3A_13  : i32 {
        %mul3A_16 = arith.constant 1 : i32
        %mul3A_17 = arith.muli %scan3A_15, %mul3A_16 : i32
        %add3A = arith.constant 0 : i32
        %add3A_18 = arith.addi %add3A, %mul3A_17 : i32
        %mul3A_19 = arith.constant 8 : i32
        %mul3A_20 = arith.muli %add3A_18, %mul3A_19 : i32
        %add3A_21 = arith.addi %mul3A_10, %mul3A_20 : i32
        "tpu.region"() ({
          %run_scoped3A = tpu.sem_alloc : memref<!tpu.dma_semaphore, #tpu.memory_space<semaphore_mem>>
          %dma_start3A_33 = arith.constant 0 : i32
          %dma_start3A_34 = tpu.memref_slice %arg3[%add3A_21, %dma_start3A_33] : memref<2560x128xi32, #tpu.memory_space<hbm>> -> memref<8x128xi32, #tpu.memory_space<hbm>>
          %dma_start3A_35 = arith.constant 0 : i32
          %dma_start3A_36 = tpu.memref_slice %arg3[%add3A_21, %dma_start3A_35] : memref<2560x128xi32, #tpu.memory_space<hbm>> -> memref<8x128xi32, #tpu.memory_space<hbm>>
          tpu.enqueue_dma source(%dma_start3A_36 : memref<8x128xi32, #tpu.memory_space<hbm>>) target(%arg7 : memref<8x128xi32, #tpu.memory_space<vmem>>) target_semaphore(%run_scoped3A : memref<!tpu.dma_semaphore, #tpu.memory_space<semaphore_mem>>)
          %dma_wait3A = arith.constant 0 : i32
          %dma_wait3A_37 = tpu.memref_slice %arg3[%add3A_21, %dma_wait3A] : memref<2560x128xi32, #tpu.memory_space<hbm>> -> memref<8x128xi32, #tpu.memory_space<hbm>>
          %dma_wait3A_38 = arith.constant 0 : i32
          %dma_wait3A_39 = tpu.memref_slice %arg3[%add3A_21, %dma_wait3A_38] : memref<2560x128xi32, #tpu.memory_space<hbm>> -> memref<8x128xi32, #tpu.memory_space<hbm>>
          tpu.wait_dma2 semaphore(%run_scoped3A : memref<!tpu.dma_semaphore, #tpu.memory_space<semaphore_mem>>) src(%dma_wait3A_39 : memref<8x128xi32, #tpu.memory_space<hbm>>) dst(%arg7 : memref<8x128xi32, #tpu.memory_space<vmem>>)
          tpu.yield
        }) : () -> ()
        "tpu.region"() ({
          %run_scoped3A = tpu.sem_alloc : memref<!tpu.dma_semaphore, #tpu.memory_space<semaphore_mem>>
          %dma_start3A_33 = arith.constant 0 : i32
          %dma_start3A_34 = tpu.memref_slice %arg4[%add3A_21, %dma_start3A_33] : memref<2560x128xi32, #tpu.memory_space<hbm>> -> memref<8x128xi32, #tpu.memory_space<hbm>>
          %dma_start3A_35 = arith.constant 0 : i32
          %dma_start3A_36 = tpu.memref_slice %arg4[%add3A_21, %dma_start3A_35] : memref<2560x128xi32, #tpu.memory_space<hbm>> -> memref<8x128xi32, #tpu.memory_space<hbm>>
          tpu.enqueue_dma source(%dma_start3A_36 : memref<8x128xi32, #tpu.memory_space<hbm>>) target(%arg8 : memref<8x128xi32, #tpu.memory_space<vmem>>) target_semaphore(%run_scoped3A : memref<!tpu.dma_semaphore, #tpu.memory_space<semaphore_mem>>)
          %dma_wait3A = arith.constant 0 : i32
          %dma_wait3A_37 = tpu.memref_slice %arg4[%add3A_21, %dma_wait3A] : memref<2560x128xi32, #tpu.memory_space<hbm>> -> memref<8x128xi32, #tpu.memory_space<hbm>>
          %dma_wait3A_38 = arith.constant 0 : i32
          %dma_wait3A_39 = tpu.memref_slice %arg4[%add3A_21, %dma_wait3A_38] : memref<2560x128xi32, #tpu.memory_space<hbm>> -> memref<8x128xi32, #tpu.memory_space<hbm>>
          tpu.wait_dma2 semaphore(%run_scoped3A : memref<!tpu.dma_semaphore, #tpu.memory_space<semaphore_mem>>) src(%dma_wait3A_39 : memref<8x128xi32, #tpu.memory_space<hbm>>) dst(%arg8 : memref<8x128xi32, #tpu.memory_space<vmem>>)
          tpu.yield
        }) : () -> ()
        %dma_start3A = arith.constant 0 : i32
        %dma_start3A_22 = arith.constant 0 : i32
        %dma_start3A_23 = tpu.memref_slice %arg7[%dma_start3A, %dma_start3A_22] : memref<8x128xi32, #tpu.memory_space<vmem>> -> memref<1x128xi32, #tpu.memory_space<vmem>>
        %dma_start3A_24 = tpu.memref_squeeze %dma_start3A_23 : memref<1x128xi32, #tpu.memory_space<vmem>> -> memref<128xi32, #tpu.memory_space<vmem>>
        %dma_start3A_25 = arith.constant 0 : i32
        %dma_start3A_26 = arith.constant 0 : i32
        %dma_start3A_27 = tpu.memref_slice %arg2[%dma_start3A_25, %dma_start3A_26] : memref<10112x128xf32, #tpu.memory_space<hbm>> -> memref<10112x128xf32, #tpu.memory_space<hbm>>
        tpu.enqueue_indirect_dma source(%dma_start3A_27 : memref<10112x128xf32, #tpu.memory_space<hbm>>) target(%arg9 : memref<128x128xf32, #tpu.memory_space<vmem>>) offsets(%dma_start3A_24 : memref<128xi32, #tpu.memory_space<vmem>>) semaphore(%arg12 : memref<!tpu.dma_semaphore, #tpu.memory_space<semaphore_mem>>)
        %scan3A_28 = arith.constant 0 : i32
        %scan3A_29 = arith.constant 4 : i32
        %scan3A_30 = arith.addi %scan3A_28, %scan3A_29 : i32
        %scan3A_31 = arith.constant 1 : i32
        scf.for %scan3A_33 = %scan3A_28 to %scan3A_30 step %scan3A_31  : i32 {
          %mul3A_34 = arith.constant 2 : i32
          %mul3A_35 = arith.muli %scan3A_33, %mul3A_34 : i32
          %add3A_36 = arith.constant 0 : i32
          %add3A_37 = arith.addi %add3A_36, %mul3A_35 : i32
          %add3A_38 = arith.constant 1 : i32
          %add3A_39 = arith.addi %add3A_37, %add3A_38 : i32
          %dma_start3A_40 = arith.constant 0 : i32
          %dma_start3A_41 = tpu.memref_slice %arg7[%add3A_39, %dma_start3A_40] : memref<8x128xi32, #tpu.memory_space<vmem>> -> memref<1x128xi32, #tpu.memory_space<vmem>>
          %dma_start3A_42 = tpu.memref_squeeze %dma_start3A_41 : memref<1x128xi32, #tpu.memory_space<vmem>> -> memref<128xi32, #tpu.memory_space<vmem>>
          %dma_start3A_43 = arith.constant 0 : i32
          %dma_start3A_44 = arith.constant 0 : i32
          %dma_start3A_45 = tpu.memref_slice %arg2[%dma_start3A_43, %dma_start3A_44] : memref<10112x128xf32, #tpu.memory_space<hbm>> -> memref<10112x128xf32, #tpu.memory_space<hbm>>
          tpu.enqueue_indirect_dma source(%dma_start3A_45 : memref<10112x128xf32, #tpu.memory_space<hbm>>) target(%arg10 : memref<128x128xf32, #tpu.memory_space<vmem>>) offsets(%dma_start3A_42 : memref<128xi32, #tpu.memory_space<vmem>>) semaphore(%arg13 : memref<!tpu.dma_semaphore, #tpu.memory_space<semaphore_mem>>)
          %dma_wait3A = arith.constant 0 : i32
          %dma_wait3A_46 = tpu.memref_slice %arg7[%add3A_37, %dma_wait3A] : memref<8x128xi32, #tpu.memory_space<vmem>> -> memref<1x128xi32, #tpu.memory_space<vmem>>
          %dma_wait3A_47 = tpu.memref_squeeze %dma_wait3A_46 : memref<1x128xi32, #tpu.memory_space<vmem>> -> memref<128xi32, #tpu.memory_space<vmem>>
          %dma_wait3A_48 = arith.constant 0 : i32
          %dma_wait3A_49 = arith.constant 0 : i32
          %dma_wait3A_50 = tpu.memref_slice %arg2[%dma_wait3A_48, %dma_wait3A_49] : memref<10112x128xf32, #tpu.memory_space<hbm>> -> memref<10112x128xf32, #tpu.memory_space<hbm>>
          tpu.wait_indirect_dma semaphore(%arg12 : memref<!tpu.dma_semaphore, #tpu.memory_space<semaphore_mem>>) src(%dma_wait3A_50 : memref<10112x128xf32, #tpu.memory_space<hbm>>) dst(%arg9 : memref<128x128xf32, #tpu.memory_space<vmem>>)
          "tpu.region"() ({
            %run_scoped3A = tpu.sem_alloc : memref<!tpu.dma_semaphore, #tpu.memory_space<semaphore_mem>>
            %dma_start3A_67 = arith.constant 0 : i32
            %dma_start3A_68 = tpu.memref_slice %arg8[%add3A_37, %dma_start3A_67] : memref<8x128xi32, #tpu.memory_space<vmem>> -> memref<1x128xi32, #tpu.memory_space<vmem>>
            %dma_start3A_69 = tpu.memref_squeeze %dma_start3A_68 : memref<1x128xi32, #tpu.memory_space<vmem>> -> memref<128xi32, #tpu.memory_space<vmem>>
            %dma_start3A_70 = arith.constant 0 : i32
            %dma_start3A_71 = arith.constant 0 : i32
            %dma_start3A_72 = tpu.memref_slice %arg11[%dma_start3A_70, %dma_start3A_71] : memref<10112x128xf32, #tpu.memory_space<vmem_shared>> -> memref<10112x128xf32, #tpu.memory_space<vmem_shared>>
            tpu.enqueue_indirect_dma source(%arg9 : memref<128x128xf32, #tpu.memory_space<vmem>>) target(%dma_start3A_72 : memref<10112x128xf32, #tpu.memory_space<vmem_shared>>) offsets(%dma_start3A_69 : memref<128xi32, #tpu.memory_space<vmem>>) semaphore(%run_scoped3A : memref<!tpu.dma_semaphore, #tpu.memory_space<semaphore_mem>>) {add = true}
            %dma_wait3A_73 = arith.constant 0 : i32
            %dma_wait3A_74 = tpu.memref_slice %arg8[%add3A_37, %dma_wait3A_73] : memref<8x128xi32, #tpu.memory_space<vmem>> -> memref<1x128xi32, #tpu.memory_space<vmem>>
            %dma_wait3A_75 = tpu.memref_squeeze %dma_wait3A_74 : memref<1x128xi32, #tpu.memory_space<vmem>> -> memref<128xi32, #tpu.memory_space<vmem>>
            %dma_wait3A_76 = arith.constant 0 : i32
            %dma_wait3A_77 = arith.constant 0 : i32
            %dma_wait3A_78 = tpu.memref_slice %arg11[%dma_wait3A_76, %dma_wait3A_77] : memref<10112x128xf32, #tpu.memory_space<vmem_shared>> -> memref<10112x128xf32, #tpu.memory_space<vmem_shared>>
            tpu.wait_indirect_dma semaphore(%run_scoped3A : memref<!tpu.dma_semaphore, #tpu.memory_space<semaphore_mem>>) src(%arg9 : memref<128x128xf32, #tpu.memory_space<vmem>>) dst(%dma_wait3A_78 : memref<10112x128xf32, #tpu.memory_space<vmem_shared>>)
            tpu.yield
          }) : () -> ()
          %add3A_51 = arith.constant 2 : i32
          %add3A_52 = arith.addi %add3A_37, %add3A_51 : i32
          %lt3A = arith.constant 8 : i32
          %lt3A_53 = arith.cmpi slt, %add3A_52, %lt3A : i32
          %convert_element_type3A_54 = arith.extui %lt3A_53 : i1 to i32
          %cond3A_55 = arith.constant 0 : i32
          %cond3A_56 = arith.cmpi ne, %convert_element_type3A_54, %cond3A_55 : i32
          scf.if %cond3A_56 {
            %add3A_67 = arith.constant 2 : i32
            %add3A_68 = arith.addi %add3A_37, %add3A_67 : i32
            %dma_start3A_69 = arith.constant 0 : i32
            %dma_start3A_70 = tpu.memref_slice %arg7[%add3A_68, %dma_start3A_69] : memref<8x128xi32, #tpu.memory_space<vmem>> -> memref<1x128xi32, #tpu.memory_space<vmem>>
            %dma_start3A_71 = tpu.memref_squeeze %dma_start3A_70 : memref<1x128xi32, #tpu.memory_space<vmem>> -> memref<128xi32, #tpu.memory_space<vmem>>
            %dma_start3A_72 = arith.constant 0 : i32
            %dma_start3A_73 = arith.constant 0 : i32
            %dma_start3A_74 = tpu.memref_slice %arg2[%dma_start3A_72, %dma_start3A_73] : memref<10112x128xf32, #tpu.memory_space<hbm>> -> memref<10112x128xf32, #tpu.memory_space<hbm>>
            tpu.enqueue_indirect_dma source(%dma_start3A_74 : memref<10112x128xf32, #tpu.memory_space<hbm>>) target(%arg9 : memref<128x128xf32, #tpu.memory_space<vmem>>) offsets(%dma_start3A_71 : memref<128xi32, #tpu.memory_space<vmem>>) semaphore(%arg12 : memref<!tpu.dma_semaphore, #tpu.memory_space<semaphore_mem>>)
          } else {
          }
          %add3A_57 = arith.constant 1 : i32
          %add3A_58 = arith.addi %add3A_37, %add3A_57 : i32
          %dma_wait3A_59 = arith.constant 0 : i32
          %dma_wait3A_60 = tpu.memref_slice %arg7[%add3A_58, %dma_wait3A_59] : memref<8x128xi32, #tpu.memory_space<vmem>> -> memref<1x128xi32, #tpu.memory_space<vmem>>
          %dma_wait3A_61 = tpu.memref_squeeze %dma_wait3A_60 : memref<1x128xi32, #tpu.memory_space<vmem>> -> memref<128xi32, #tpu.memory_space<vmem>>
          %dma_wait3A_62 = arith.constant 0 : i32
          %dma_wait3A_63 = arith.constant 0 : i32
          %dma_wait3A_64 = tpu.memref_slice %arg2[%dma_wait3A_62, %dma_wait3A_63] : memref<10112x128xf32, #tpu.memory_space<hbm>> -> memref<10112x128xf32, #tpu.memory_space<hbm>>
          tpu.wait_indirect_dma semaphore(%arg13 : memref<!tpu.dma_semaphore, #tpu.memory_space<semaphore_mem>>) src(%dma_wait3A_64 : memref<10112x128xf32, #tpu.memory_space<hbm>>) dst(%arg10 : memref<128x128xf32, #tpu.memory_space<vmem>>)
          %add3A_65 = arith.constant 1 : i32
          %add3A_66 = arith.addi %add3A_37, %add3A_65 : i32
          "tpu.region"() ({
            %run_scoped3A = tpu.sem_alloc : memref<!tpu.dma_semaphore, #tpu.memory_space<semaphore_mem>>
            %dma_start3A_67 = arith.constant 0 : i32
            %dma_start3A_68 = tpu.memref_slice %arg8[%add3A_66, %dma_start3A_67] : memref<8x128xi32, #tpu.memory_space<vmem>> -> memref<1x128xi32, #tpu.memory_space<vmem>>
            %dma_start3A_69 = tpu.memref_squeeze %dma_start3A_68 : memref<1x128xi32, #tpu.memory_space<vmem>> -> memref<128xi32, #tpu.memory_space<vmem>>
            %dma_start3A_70 = arith.constant 0 : i32
            %dma_start3A_71 = arith.constant 0 : i32
            %dma_start3A_72 = tpu.memref_slice %arg11[%dma_start3A_70, %dma_start3A_71] : memref<10112x128xf32, #tpu.memory_space<vmem_shared>> -> memref<10112x128xf32, #tpu.memory_space<vmem_shared>>
            tpu.enqueue_indirect_dma source(%arg10 : memref<128x128xf32, #tpu.memory_space<vmem>>) target(%dma_start3A_72 : memref<10112x128xf32, #tpu.memory_space<vmem_shared>>) offsets(%dma_start3A_69 : memref<128xi32, #tpu.memory_space<vmem>>) semaphore(%run_scoped3A : memref<!tpu.dma_semaphore, #tpu.memory_space<semaphore_mem>>) {add = true}
            %dma_wait3A_73 = arith.constant 0 : i32
            %dma_wait3A_74 = tpu.memref_slice %arg8[%add3A_66, %dma_wait3A_73] : memref<8x128xi32, #tpu.memory_space<vmem>> -> memref<1x128xi32, #tpu.memory_space<vmem>>
            %dma_wait3A_75 = tpu.memref_squeeze %dma_wait3A_74 : memref<1x128xi32, #tpu.memory_space<vmem>> -> memref<128xi32, #tpu.memory_space<vmem>>
            %dma_wait3A_76 = arith.constant 0 : i32
            %dma_wait3A_77 = arith.constant 0 : i32
            %dma_wait3A_78 = tpu.memref_slice %arg11[%dma_wait3A_76, %dma_wait3A_77] : memref<10112x128xf32, #tpu.memory_space<vmem_shared>> -> memref<10112x128xf32, #tpu.memory_space<vmem_shared>>
            tpu.wait_indirect_dma semaphore(%run_scoped3A : memref<!tpu.dma_semaphore, #tpu.memory_space<semaphore_mem>>) src(%arg10 : memref<128x128xf32, #tpu.memory_space<vmem>>) dst(%dma_wait3A_78 : memref<10112x128xf32, #tpu.memory_space<vmem_shared>>)
            tpu.yield
          }) : () -> ()
        }
        %scan3A_32 = arith.constant 4 : i32
      }
      %scan3A_14 = arith.constant 20 : i32
    } else {
    }
    %eq3A_3 = arith.constant 1 : i32
    %eq3A_4 = arith.cmpi eq, %arg0, %eq3A_3 : i32
    %convert_element_type3A_5 = arith.extui %eq3A_4 : i1 to i32
    %cond3A_6 = arith.constant 0 : i32
    %cond3A_7 = arith.cmpi ne, %convert_element_type3A_5, %cond3A_6 : i32
    scf.if %cond3A_7 {
      %mul3A_9 = arith.constant 0 : i32
      %mul3A_10 = arith.muli %arg1, %mul3A_9 : i32
      %add3A = arith.constant 2560 : i32
      %add3A_11 = arith.addi %add3A, %mul3A_10 : i32
      %scan3A = arith.constant 0 : i32
      %scan3A_12 = arith.constant 0 : i32
      %scan3A_13 = arith.addi %scan3A, %scan3A_12 : i32
      %scan3A_14 = arith.constant 0 : i32
    } else {
    }
    %barrier3A_8 = arith.constant 0 : index
    tpu.barrier barrier_id(%barrier3A_8)
    "tpu.region"() ({
      %run_scoped3A = tpu.sem_alloc : memref<!tpu.dma_semaphore, #tpu.memory_space<semaphore_mem>>
      %dma_start3A = arith.constant 0 : i32
      %dma_start3A_9 = arith.constant 0 : i32
      %dma_start3A_10 = tpu.memref_slice %arg6[%arg0, %dma_start3A, %dma_start3A_9] : memref<2x10112x128xf32, #tpu.memory_space<hbm>> -> memref<1x10112x128xf32, #tpu.memory_space<hbm>>
      %dma_start3A_11 = tpu.memref_squeeze %dma_start3A_10 : memref<1x10112x128xf32, #tpu.memory_space<hbm>> -> memref<10112x128xf32, #tpu.memory_space<hbm>>
      %dma_start3A_12 = arith.constant 0 : i32
      %dma_start3A_13 = tpu.memref_slice %dma_start3A_11[%mul3A_0, %dma_start3A_12] : memref<10112x128xf32, #tpu.memory_space<hbm>> -> memref<632x128xf32, #tpu.memory_space<hbm>>
      %dma_start3A_14 = arith.constant 0 : i32
      %dma_start3A_15 = tpu.memref_slice %arg11[%mul3A_0, %dma_start3A_14] : memref<10112x128xf32, #tpu.memory_space<vmem_shared>> -> memref<632x128xf32, #tpu.memory_space<vmem_shared>>
      tpu.enqueue_dma source(%dma_start3A_15 : memref<632x128xf32, #tpu.memory_space<vmem_shared>>) target(%dma_start3A_13 : memref<632x128xf32, #tpu.memory_space<hbm>>) target_semaphore(%run_scoped3A : memref<!tpu.dma_semaphore, #tpu.memory_space<semaphore_mem>>)
      %dma_wait3A = arith.constant 0 : i32
      %dma_wait3A_16 = arith.constant 0 : i32
      %dma_wait3A_17 = tpu.memref_slice %arg6[%arg0, %dma_wait3A, %dma_wait3A_16] : memref<2x10112x128xf32, #tpu.memory_space<hbm>> -> memref<1x10112x128xf32, #tpu.memory_space<hbm>>
      %dma_wait3A_18 = tpu.memref_squeeze %dma_wait3A_17 : memref<1x10112x128xf32, #tpu.memory_space<hbm>> -> memref<10112x128xf32, #tpu.memory_space<hbm>>
      %dma_wait3A_19 = arith.constant 0 : i32
      %dma_wait3A_20 = tpu.memref_slice %dma_wait3A_18[%mul3A_0, %dma_wait3A_19] : memref<10112x128xf32, #tpu.memory_space<hbm>> -> memref<632x128xf32, #tpu.memory_space<hbm>>
      %dma_wait3A_21 = arith.constant 0 : i32
      %dma_wait3A_22 = tpu.memref_slice %arg11[%mul3A_0, %dma_wait3A_21] : memref<10112x128xf32, #tpu.memory_space<vmem_shared>> -> memref<632x128xf32, #tpu.memory_space<vmem_shared>>
      tpu.wait_dma2 semaphore(%run_scoped3A : memref<!tpu.dma_semaphore, #tpu.memory_space<semaphore_mem>>) src(%dma_wait3A_22 : memref<632x128xf32, #tpu.memory_space<vmem_shared>>) dst(%dma_wait3A_20 : memref<632x128xf32, #tpu.memory_space<hbm>>)
      tpu.yield
    }) : () -> ()
    return
  }
}

module attributes {stable_mosaic.version = 14 : i64} {
  func.func @_norms_body(%arg0: memref<2x10112x128xf32, #tpu.memory_space<vmem>>, %arg1: memref<10112x128xf32, #tpu.memory_space<vmem>>, %arg2: memref<10112x128xf32, #tpu.memory_space<vmem>>) attributes {dimension_semantics = [], scalar_prefetch = 0 : i64, scratch_operands = 0 : i64, tpu.core_type = #tpu.core_type<tc>} {
    %get3A = arith.constant 0 : index
    %get3A_0 = arith.constant 0 : index
    %get3A_1 = arith.constant 0 : index
    %get3A_2 = vector.load %arg0[%get3A, %get3A_0, %get3A_1] : memref<2x10112x128xf32, #tpu.memory_space<vmem>>, vector<1x10112x1xf32>
    %get3A_3 = vector.shape_cast %get3A_2 : vector<1x10112x1xf32> to vector<10112x1xf32>
    %get3A_4 = arith.constant 1 : index
    %get3A_5 = arith.constant 0 : index
    %get3A_6 = arith.constant 0 : index
    %get3A_7 = vector.load %arg0[%get3A_4, %get3A_5, %get3A_6] : memref<2x10112x128xf32, #tpu.memory_space<vmem>>, vector<1x10112x1xf32>
    %get3A_8 = vector.shape_cast %get3A_7 : vector<1x10112x1xf32> to vector<10112x1xf32>
    %add3A = arith.addf %get3A_3, %get3A_8 : vector<10112x1xf32>
    %get3A_9 = arith.constant 0 : index
    %get3A_10 = arith.constant 0 : index
    %get3A_11 = arith.constant 64 : index
    %get3A_12 = vector.load %arg0[%get3A_9, %get3A_10, %get3A_11] : memref<2x10112x128xf32, #tpu.memory_space<vmem>>, vector<1x10112x1xf32>
    %get3A_13 = vector.shape_cast %get3A_12 : vector<1x10112x1xf32> to vector<10112x1xf32>
    %get3A_14 = arith.constant 1 : index
    %get3A_15 = arith.constant 0 : index
    %get3A_16 = arith.constant 64 : index
    %get3A_17 = vector.load %arg0[%get3A_14, %get3A_15, %get3A_16] : memref<2x10112x128xf32, #tpu.memory_space<vmem>>, vector<1x10112x1xf32>
    %get3A_18 = vector.shape_cast %get3A_17 : vector<1x10112x1xf32> to vector<10112x1xf32>
    %add3A_19 = arith.addf %get3A_13, %get3A_18 : vector<10112x1xf32>
    %broadcast_in_dim3A = arith.constant 0.000000e+00 : f32
    %broadcast_in_dim3A_20 = vector.broadcast %broadcast_in_dim3A : f32 to vector<10112x128xf32>
    %gt3A = arith.constant 0.000000e+00 : f32
    %gt3A_21 = vector.broadcast %gt3A : f32 to vector<10112x1xf32>
    %gt3A_22 = arith.cmpf ogt, %add3A, %gt3A_21 : vector<10112x1xf32>
    %max3A = arith.constant 1.000000e+00 : f32
    %max3A_23 = vector.broadcast %max3A : f32 to vector<10112x1xf32>
    %max3A_24 = arith.maximumf %add3A, %max3A_23 : vector<10112x1xf32>
    %rsqrt3A = math.rsqrt %max3A_24 : vector<10112x1xf32>
    %jit3A = arith.constant 0.000000e+00 : f32
    %broadcast_in_dim3A_25 = vector.broadcast %jit3A : f32 to vector<10112x1xf32>
    %select_n3A = arith.select %gt3A_22, %rsqrt3A, %broadcast_in_dim3A_25 : vector<10112x1xi1>, vector<10112x1xf32>
    %add3A_26 = vector.broadcast %select_n3A : vector<10112x1xf32> to vector<10112x128xf32>
    %add3A_27 = arith.addf %broadcast_in_dim3A_20, %add3A_26 : vector<10112x128xf32>
    %swap3A = arith.constant 0 : index
    %swap3A_28 = arith.constant 0 : index
    %swap3A_29 = vector.load %arg1[%swap3A, %swap3A_28] : memref<10112x128xf32, #tpu.memory_space<vmem>>, vector<10112x128xf32>
    tpu.vector_store %arg1[%swap3A, %swap3A_28], %add3A_27 {strides = array<i32>} : memref<10112x128xf32, #tpu.memory_space<vmem>>, vector<10112x128xf32>,
    %gt3A_30 = arith.constant 0.000000e+00 : f32
    %gt3A_31 = vector.broadcast %gt3A_30 : f32 to vector<10112x1xf32>
    %gt3A_32 = arith.cmpf ogt, %add3A_19, %gt3A_31 : vector<10112x1xf32>
    %max3A_33 = arith.constant 1.000000e+00 : f32
    %max3A_34 = vector.broadcast %max3A_33 : f32 to vector<10112x1xf32>
    %max3A_35 = arith.maximumf %add3A_19, %max3A_34 : vector<10112x1xf32>
    %rsqrt3A_36 = math.rsqrt %max3A_35 : vector<10112x1xf32>
    %jit3A_37 = arith.constant 0.000000e+00 : f32
    %broadcast_in_dim3A_38 = vector.broadcast %jit3A_37 : f32 to vector<10112x1xf32>
    %select_n3A_39 = arith.select %gt3A_32, %rsqrt3A_36, %broadcast_in_dim3A_38 : vector<10112x1xi1>, vector<10112x1xf32>
    %add3A_40 = vector.broadcast %select_n3A_39 : vector<10112x1xf32> to vector<10112x128xf32>
    %add3A_41 = arith.addf %broadcast_in_dim3A_20, %add3A_40 : vector<10112x128xf32>
    %swap3A_42 = arith.constant 0 : index
    %swap3A_43 = arith.constant 0 : index
    %swap3A_44 = vector.load %arg2[%swap3A_42, %swap3A_43] : memref<10112x128xf32, #tpu.memory_space<vmem>>, vector<10112x128xf32>
    tpu.vector_store %arg2[%swap3A_42, %swap3A_43], %add3A_41 {strides = array<i32>} : memref<10112x128xf32, #tpu.memory_space<vmem>>, vector<10112x128xf32>,
    return
  }
}

module attributes {stable_mosaic.version = 14 : i64} {
  func.func @_stage_in_body(%arg0: memref<10112x128xf32, #tpu.memory_space<vmem>>, %arg1: memref<128x128xf32, #tpu.memory_space<vmem>>, %arg2: memref<10112x128xf32, #tpu.memory_space<vmem>>, %arg3: memref<10112x128xf32, #tpu.memory_space<vmem>>) attributes {dimension_semantics = [], scalar_prefetch = 0 : i64, scratch_operands = 0 : i64, tpu.core_type = #tpu.core_type<tc>} {
    %get3A = arith.constant 0 : index
    %get3A_0 = arith.constant 0 : index
    %get3A_1 = vector.load %arg0[%get3A, %get3A_0] : memref<10112x128xf32, #tpu.memory_space<vmem>>, vector<10112x128xf32>
    %get3A_2 = arith.constant 0 : index
    %get3A_3 = arith.constant 0 : index
    %get3A_4 = vector.load %arg1[%get3A_2, %get3A_3] : memref<128x128xf32, #tpu.memory_space<vmem>>, vector<128x128xf32>
    %dot_general3A = arith.constant dense<0.000000e+00> : vector<10112x128xf32>
    %dot_general3A_5 = tpu.matmul %get3A_1, %get3A_4, %dot_general3A {dimension_numbers = #tpu.dot_dimension_numbers<[1], [0], [0], [1], [0, 0, 1, 1], [], []>, transpose_lhs_hint = false} : vector<10112x128xf32>, vector<128x128xf32>, vector<10112x128xf32> -> vector<10112x128xf32>
    %get3A_6 = arith.constant 0 : index
    %get3A_7 = arith.constant 0 : index
    %get3A_8 = vector.load %arg2[%get3A_6, %get3A_7] : memref<10112x128xf32, #tpu.memory_space<vmem>>, vector<10112x128xf32>
    %mul3A = arith.mulf %dot_general3A_5, %get3A_8 : vector<10112x128xf32>
    %swap3A = arith.constant 0 : index
    %swap3A_9 = arith.constant 0 : index
    %swap3A_10 = vector.load %arg3[%swap3A, %swap3A_9] : memref<10112x128xf32, #tpu.memory_space<vmem>>, vector<10112x128xf32>
    tpu.vector_store %arg3[%swap3A, %swap3A_9], %mul3A {strides = array<i32>} : memref<10112x128xf32, #tpu.memory_space<vmem>>, vector<10112x128xf32>,
    return
  }
}

module attributes {stable_mosaic.version = 14 : i64} {
  func.func @_stage_mid_body(%arg0: memref<2x10112x128xf32, #tpu.memory_space<vmem>>, %arg1: memref<10112x128xf32, #tpu.memory_space<vmem>>, %arg2: memref<10112x128xf32, #tpu.memory_space<vmem>>, %arg3: memref<1x128xf32, #tpu.memory_space<vmem>>, %arg4: memref<128x128xf32, #tpu.memory_space<vmem>>, %arg5: memref<10112x128xf32, #tpu.memory_space<vmem>>) attributes {dimension_semantics = [], scalar_prefetch = 0 : i64, scratch_operands = 0 : i64, tpu.core_type = #tpu.core_type<tc>} {
    %get3A = arith.constant 0 : index
    %get3A_0 = arith.constant 0 : index
    %get3A_1 = arith.constant 0 : index
    %get3A_2 = vector.load %arg0[%get3A, %get3A_0, %get3A_1] : memref<2x10112x128xf32, #tpu.memory_space<vmem>>, vector<1x10112x128xf32>
    %get3A_3 = vector.shape_cast %get3A_2 : vector<1x10112x128xf32> to vector<10112x128xf32>
    %get3A_4 = arith.constant 1 : index
    %get3A_5 = arith.constant 0 : index
    %get3A_6 = arith.constant 0 : index
    %get3A_7 = vector.load %arg0[%get3A_4, %get3A_5, %get3A_6] : memref<2x10112x128xf32, #tpu.memory_space<vmem>>, vector<1x10112x128xf32>
    %get3A_8 = vector.shape_cast %get3A_7 : vector<1x10112x128xf32> to vector<10112x128xf32>
    %add3A = arith.addf %get3A_3, %get3A_8 : vector<10112x128xf32>
    %get3A_9 = arith.constant 0 : index
    %get3A_10 = arith.constant 0 : index
    %get3A_11 = vector.load %arg1[%get3A_9, %get3A_10] : memref<10112x128xf32, #tpu.memory_space<vmem>>, vector<10112x128xf32>
    %mul3A = arith.mulf %add3A, %get3A_11 : vector<10112x128xf32>
    %get3A_12 = arith.constant 0 : index
    %get3A_13 = arith.constant 0 : index
    %get3A_14 = vector.load %arg3[%get3A_12, %get3A_13] : memref<1x128xf32, #tpu.memory_space<vmem>>, vector<1x128xf32>
    %add3A_15 = vector.broadcast %get3A_14 : vector<1x128xf32> to vector<10112x128xf32>
    %add3A_16 = arith.addf %mul3A, %add3A_15 : vector<10112x128xf32>
    %max3A = arith.constant 0.000000e+00 : f32
    %max3A_17 = vector.broadcast %max3A : f32 to vector<10112x128xf32>
    %max3A_18 = arith.maximumf %add3A_16, %max3A_17 : vector<10112x128xf32>
    %get3A_19 = arith.constant 0 : index
    %get3A_20 = arith.constant 0 : index
    %get3A_21 = vector.load %arg4[%get3A_19, %get3A_20] : memref<128x128xf32, #tpu.memory_space<vmem>>, vector<128x128xf32>
    %dot_general3A = arith.constant dense<0.000000e+00> : vector<10112x128xf32>
    %dot_general3A_22 = tpu.matmul %max3A_18, %get3A_21, %dot_general3A {dimension_numbers = #tpu.dot_dimension_numbers<[1], [0], [0], [1], [0, 0, 1, 1], [], []>, transpose_lhs_hint = false} : vector<10112x128xf32>, vector<128x128xf32>, vector<10112x128xf32> -> vector<10112x128xf32>
    %get3A_23 = arith.constant 0 : index
    %get3A_24 = arith.constant 0 : index
    %get3A_25 = vector.load %arg2[%get3A_23, %get3A_24] : memref<10112x128xf32, #tpu.memory_space<vmem>>, vector<10112x128xf32>
    %mul3A_26 = arith.mulf %dot_general3A_22, %get3A_25 : vector<10112x128xf32>
    %swap3A = arith.constant 0 : index
    %swap3A_27 = arith.constant 0 : index
    %swap3A_28 = vector.load %arg5[%swap3A, %swap3A_27] : memref<10112x128xf32, #tpu.memory_space<vmem>>, vector<10112x128xf32>
    tpu.vector_store %arg5[%swap3A, %swap3A_27], %mul3A_26 {strides = array<i32>} : memref<10112x128xf32, #tpu.memory_space<vmem>>, vector<10112x128xf32>,
    return
  }
}

module attributes {stable_mosaic.version = 14 : i64} {
  func.func @_stage_out_body(%arg0: memref<2x10112x128xf32, #tpu.memory_space<vmem>>, %arg1: memref<10112x128xf32, #tpu.memory_space<vmem>>, %arg2: memref<1x128xf32, #tpu.memory_space<vmem>>, %arg3: memref<10112x128xf32, #tpu.memory_space<vmem>>) attributes {dimension_semantics = [], scalar_prefetch = 0 : i64, scratch_operands = 0 : i64, tpu.core_type = #tpu.core_type<tc>} {
    %get3A = arith.constant 0 : index
    %get3A_0 = arith.constant 0 : index
    %get3A_1 = arith.constant 0 : index
    %get3A_2 = vector.load %arg0[%get3A, %get3A_0, %get3A_1] : memref<2x10112x128xf32, #tpu.memory_space<vmem>>, vector<1x10112x128xf32>
    %get3A_3 = vector.shape_cast %get3A_2 : vector<1x10112x128xf32> to vector<10112x128xf32>
    %get3A_4 = arith.constant 1 : index
    %get3A_5 = arith.constant 0 : index
    %get3A_6 = arith.constant 0 : index
    %get3A_7 = vector.load %arg0[%get3A_4, %get3A_5, %get3A_6] : memref<2x10112x128xf32, #tpu.memory_space<vmem>>, vector<1x10112x128xf32>
    %get3A_8 = vector.shape_cast %get3A_7 : vector<1x10112x128xf32> to vector<10112x128xf32>
    %add3A = arith.addf %get3A_3, %get3A_8 : vector<10112x128xf32>
    %get3A_9 = arith.constant 0 : index
    %get3A_10 = arith.constant 0 : index
    %get3A_11 = vector.load %arg1[%get3A_9, %get3A_10] : memref<10112x128xf32, #tpu.memory_space<vmem>>, vector<10112x128xf32>
    %mul3A = arith.mulf %add3A, %get3A_11 : vector<10112x128xf32>
    %get3A_12 = arith.constant 0 : index
    %get3A_13 = arith.constant 0 : index
    %get3A_14 = vector.load %arg2[%get3A_12, %get3A_13] : memref<1x128xf32, #tpu.memory_space<vmem>>, vector<1x128xf32>
    %add3A_15 = vector.broadcast %get3A_14 : vector<1x128xf32> to vector<10112x128xf32>
    %add3A_16 = arith.addf %mul3A, %add3A_15 : vector<10112x128xf32>
    %swap3A = arith.constant 0 : index
    %swap3A_17 = arith.constant 0 : index
    %swap3A_18 = vector.load %arg3[%swap3A, %swap3A_17] : memref<10112x128xf32, #tpu.memory_space<vmem>>, vector<10112x128xf32>
    tpu.vector_store %arg3[%swap3A, %swap3A_17], %add3A_16 {strides = array<i32>} : memref<10112x128xf32, #tpu.memory_space<vmem>>, vector<10112x128xf32>,
    return
  }
}

</mosaic_0001>

<sc_bundles>
// kernel: kernel.11.cloned.1.call-start
scs
__scs_entry_jumppad:
0x0: {  	(pc) =	sbr.rel $0x88, $3  }
0x1: {  	(tag) =	ssettag $0x0;
	lr =	simm.s32 $0x1  }
0x2: {  	[smem:$0x3F99] =	sst lr;
	_ =	strace $0xD0000000  }
0x3: {  	_ = 	snop  }
0x4: {  	_ = 	snop  }
0x5: {  	_ = 	snop  }
0x6: {  	_ = 	snop  }
0x7: {  	_ = 	snop  }
__scs_overlays_trampoline_lowered:
0x8: {  	[smem:$0x3FA8] =	sst s0  }
0x9: {  	[smem:$0x3FA9] =	sst s1  }
0xa: {  	[smem:$0x3FAA] =	sst s2  }
0xb: {  	[smem:$0x3FAB] =	sst s3  }
0xc: {  	[smem:$0x3FAC] =	sst s4  }
0xd: {  	[smem:$0x3FAD] =	sst s5  }
0xe: {  	[smem:$0x3FAE] =	sst s6  }
0xf: {  	[smem:$0x3FAF] =	sst s7  }
0x10: {  	[smem:$0x3FB0] =	sst s8  }
0x11: {  	[smem:$0x3FB1] =	sst s9;
	s0 =	simm.s32 @!p0 $0x0  }
0x12: {  	s1 =	sld [smem:$0x3F97];
	s0 =	simm.s32 @p0 $0x1  }
0x13: {  	[smem:$0x3FB2] =	sst s0;
	s0 =	simm.s32 @!p1 $0x0  }
0x14: {  	s2 =	sld [smem:$0x3F96];
	s0 =	simm.s32 @p1 $0x1  }
0x15: {  	[smem:$0x3FB3] =	sst s0;
	s0 =	simm.s32 @!p2 $0x0  }
0x16: {  	s3 =	sld [smem:$0x3FDB];
	s0 =	simm.s32 @p2 $0x1  }
0x17: {  	s4 =	simm.s32 $0x1BF5;
	[smem:$0x3FB5] =	sst s0  }
0x18: {  	s0 =	sld [smem:$0x3F98];
	_ =	swait.ge [sflag:s4], $0x0  }
0x19: {  	s7 =	sld [smem:$0x3F99]  }
0x1a: {  	s8 =	sadd.s32 $0xFFFFE003, lr  }
0x1b: {  	s9 =	sadd.s32 $0xFFFFFEF7, lr;
	s5 =	simm.s32 $0xFFFFFFFF;
	p2 =	slt.u32 s8, $0xFFFFF086  }
0x1c: {  	p1 =	slt.u32 s9, $0xF7A;
	s5 =	simm.s32 @!p2 $0x0  }
0x1d: {  	s5 =	simm.s32 @p1 $0x1;
	p0 =	seq.s32 s7, s2  }
0x1e: {  	s7 =	smul.u32 @!p0 $0xF7A, s2;
	p2 =	seq.s32 @!p0 s5, $0x0  }
0x1f: {  	s9 =	smul.u32 $0xF7A, s1;
	s8 =	simm.s32 @!p0 $0x1BF5;
	p2 =	por !p2, p0  }
0x20: {  	[sflag:s8] =	ssyncset.s32 @!p0 $0xFFFFF086;
	s6 =	sadd.s32 @!p0 s3, s7;
	s7 =	simm.s32 @!p0 $0x108  }
0x21: {  	s3 =	sadd.s32 s3, s9;
	s6 =	sadd.s32 @!p0 $0x88, s6;
	s7 =	simm.s32 @p2 $0x1082  }
0x22: {  	[simem:s7], [sflag:s8] =	dma.local @!p0 [hbm:s6], $0xF7A  }
0x23: {  	s9 =	sor.u32 $0xD0000000, s2;
	s6 =	simm.s32 $0x108;
	_ =	swait.ge @!p0 [sflag:s8], $0x0  }
0x24: {  	s3 =	sadd.s32 $0x88, s3;
	s6 =	simm.s32 @!p1 $0x1082;
	[sflag:s4] =	ssyncset.s32 $0xFFFFF086  }
0x25: {  	[simem:s6], [sflag:s4] =	dma.local [hbm:s3], $0xF7A  }
0x26: {  	[smem:$0x3F99] =	sst s1;
	(tag) =	ssettag s2;
	_ =	strace s9  }
0x27: {  	s1 =	sld [smem:$0x3FA9]  }
0x28: {  	s2 =	sld [smem:$0x3FAA]  }
0x29: {  	s4 =	sld [smem:$0x3FAC]  }
0x2a: {  	p0 =	seq.s32 s5, $0x0;
	s5 =	sld [smem:$0x3FAD]  }
0x2b: {  	s6 =	sld [smem:$0x3FAE]  }
0x2c: {  	s7 =	sld [smem:$0x3FAF]  }
0x2d: {  	s3 =	simm.s32 $0x108;
	s8 =	sld [smem:$0x3FB0]  }
0x2e: {  	s3 =	simm.s32 @!p0 $0x1082;
	s9 =	sld [smem:$0x3FB1]  }
0x2f: {  	lr =	sadd.s32 s0, s3;
	s0 =	sld [smem:$0x3FA8]  }
0x30: {  	s3 =	sld [smem:$0x3FAB]  }
0x31: {  	[smem:$0x3FB4] =	sst s10  }
0x32: {  	s10 =	sld [smem:$0x3FB2];
	_ =	sdelay $0x3  }
0x33: {  	p0 =	seq.s32 s10, $0x1;
	s10 =	sld [smem:$0x3FB4];
	_ =	sdelay $0x3  }
0x34: {  	[smem:$0x3FB4] =	sst s10  }
0x35: {  	s10 =	sld [smem:$0x3FB3];
	_ =	sdelay $0x3  }
0x36: {  	p1 =	seq.s32 s10, $0x1;
	s10 =	sld [smem:$0x3FB4];
	_ =	sdelay $0x3  }
0x37: {  	[smem:$0x3FB4] =	sst s10  }
0x38: {  	s10 =	sld [smem:$0x3FB5]  }
0x39: {  	_ = 	snop;
	(pc) =	sbr.ind lr, $3  }
0x3a: {  	_ = 	snop  }
0x3b: {  	_ = 	snop  }
0x3c: {  	p2 =	seq.s32 s10, $0x1;
	s10 =	sld [smem:$0x3FB4]  }
0x3d: {  	_ =	shalt  }
0x3e: {  	_ =	shalt  }
0x3f: {  	_ =	shalt  }
0x40: {  	_ =	shalt  }
0x41: {  	_ =	shalt  }
0x42: {  	_ =	shalt  }
0x43: {  	_ =	shalt  }
0x44: {  	_ =	shalt  }
0x45: {  	_ =	shalt  }
0x46: {  	_ =	shalt  }
0x47: {  	_ =	shalt  }
0x48: {  	_ =	shalt  }
0x49: {  	_ =	shalt  }
0x4a: {  	_ =	shalt  }
0x4b: {  	_ =	shalt  }
0x4c: {  	_ =	shalt  }
0x4d: {  	_ =	shalt  }
0x4e: {  	_ =	shalt  }
0x4f: {  	_ =	shalt  }
0x50: {  	_ =	shalt  }
0x51: {  	_ =	shalt  }
0x52: {  	_ =	shalt  }
0x53: {  	_ =	shalt  }
0x54: {  	_ =	shalt  }
0x55: {  	_ =	shalt  }
0x56: {  	_ =	shalt  }
0x57: {  	_ =	shalt  }
0x58: {  	_ =	shalt  }
0x59: {  	_ =	shalt  }
0x5a: {  	_ =	shalt  }
0x5b: {  	_ =	shalt  }
0x5c: {  	_ =	shalt  }
0x5d: {  	_ =	shalt  }
0x5e: {  	_ =	shalt  }
0x5f: {  	_ =	shalt  }
0x60: {  	_ =	shalt  }
0x61: {  	_ =	shalt  }
0x62: {  	_ =	shalt  }
0x63: {  	_ =	shalt  }
0x64: {  	_ =	shalt  }
0x65: {  	_ =	shalt  }
0x66: {  	_ =	shalt  }
0x67: {  	_ =	shalt  }
0x68: {  	_ =	shalt  }
0x69: {  	_ =	shalt  }
0x6a: {  	_ =	shalt  }
0x6b: {  	_ =	shalt  }
0x6c: {  	_ =	shalt  }
0x6d: {  	_ =	shalt  }
0x6e: {  	_ =	shalt  }
0x6f: {  	_ =	shalt  }
0x70: {  	_ =	shalt  }
0x71: {  	_ =	shalt  }
0x72: {  	_ =	shalt  }
0x73: {  	_ =	shalt  }
0x74: {  	_ =	shalt  }
0x75: {  	_ =	shalt  }
0x76: {  	_ =	shalt  }
0x77: {  	_ =	shalt  }
0x78: {  	_ =	shalt  }
0x79: {  	_ =	shalt  }
0x7a: {  	_ =	shalt  }
0x7b: {  	_ =	shalt  }
0x7c: {  	_ =	shalt  }
0x7d: {  	_ =	shalt  }
0x7e: {  	_ =	shalt  }
0x7f: {  	_ =	shalt  }
0x80: {  	_ =	shalt  }
0x81: {  	_ =	shalt  }
0x82: {  	_ =	shalt  }
0x83: {  	_ =	shalt  }
0x84: {  	_ =	shalt  }
0x85: {  	_ =	shalt  }
0x86: {  	_ =	shalt  }
0x87: {  	_ =	shalt  }
.Lfunc_end0:
.L_simem_size_0:
called_computation_lowered:
.L_overlay_start_0:
0x88: {  	s2 =	sld [smem:$0x3FD9]  }
0x89: {  	s3 =	sld [smem:$0x3FFE];
	_ =	sdelay $0x1  }
0x8a: {  	s1 =	srdreg.scid  }
0x8b: {  	s0 =	sand.u32 $0x1, s1  }
0x8c: {  	s17 =	sshll.u32 s0, $0xA;
	s2 =	sadd.s32 s3, s2  }
0x8d: {  	s2 =	sadd.s32 s2, s17  }
0x8e: {  	[smem:$0x3FC0] =	sst s2  }
0x8f: {  	_ = 	snop  }
0x90: {  	s2 =	sld [smem:$0x3FD0];
	(tm) =	ssettm $0x1  }
0x91: {  	s18 =	sld [smem:$0x3FFB];
	_ =	sdelay $0x3  }
0x92: {  	_ =	strace s18  }
0x93: {  	s3 =	sld [smem:$0x3FFC];
	_ =	sdelay $0x3  }
0x94: {  	_ =	strace s3  }
0x95: {  	s3 =	sld [smem:$0x3FFD];
	_ =	sdelay $0x3  }
0x96: {  	_ =	strace s3  }
0x97: {  	_ =	strace $0x8FFFFFFF  }
0x98: {  	s19 =	sld [smem:$0x3FDB];
	_ =	sdelay $0x1  }
0x99: {  	s4 =	simm.s32 $_scs_section_size  }
0x9a: {  	s5 =	simm.s32 $_size__tile_overlayer_lowered;
	s6 =	simm.s32 $_tile_overlayer_lowered  }
0x9b: {  	s22 =	simm.s32 $0x1BFF;
	s21 =	sshll.u32 s6, $0x1;
	s3 =	sadd.s32 s4, s19  }
0x9c: {  	s7 =	simm.s32 $0x0;
	s20 =	sshll.u32 s5, $0x1;
	s5 =	sadd.s32 s21, s3  }
0x9d: {  	[timem:s7], [sflag:s22] =	dma.local [hbm:s5], s20  }
0x9e: {  	_ =	swait.ge [sflag:s22], s20  }
0x9f: {  	s4 =	ssub.s32 $0x0, s20;
	[sflag:s22] =	ssyncset.done $0x0  }
0xa0: {  	[sflag:s22] =	ssyncadd.s32 s4;
	_ =	sdelay $0x1  }
0xa1: {  	s23 =	simm.s32 $0x1B8B  }
0xa2: {  	_ =	swait.ge [sflag:s23], $0x1  }
0xa3: {  	[sflag:s23] =	ssyncset.done $0x0  }
0xa4: {  	s25 =	simm.s32 $0x1B8E;
	s24 =	sld [smem:$0x3FFE];
	[sflag:s23] =	ssyncadd.s32 $0xFFFFFFFF  }
0xa5: {  	s26 =	simm.s32 $execute0_lowered;
	[smem:$0x3FD2] =	sst s25  }
0xa6: {  	s5 =	sshll.u32 s26, $0x1;
	_ =	strace $0x80000046;
	[dreg:$0x1] =	wrdreg $0xFFFFFFFF  }
0xa7: {  	s28 =	simm.s32 $_size_execute0_lowered;
	s3 =	sadd.s32 s3, s5;
	[dreg:$0x0] =	wrdreg $0x0  }
0xa8: {  	s5 =	sshll.u32 s28, $0x1;
	[dreg:$0x2] =	wrdreg s3  }
0xa9: {  	[dreg:$0x3] =	wrdreg s5  }
0xaa: {  	[dreg:$0x4] =	wrdreg $0xC0  }
0xab: {  	_ =	task [dreg:s7], $0x5FFFF  }
0xac: {  	[dreg:$0x1] =	wrdreg $0xFFFFFFFF  }
0xad: {  	[dreg:$0x0] =	wrdreg $0x60  }
0xae: {  	[dreg:$0x2] =	wrdreg s24  }
0xaf: {  	[dreg:$0x3] =	wrdreg s2  }
0xb0: {  	[dreg:$0x4] =	wrdreg $0x88000  }
0xb1: {  	[dreg:$0x5] =	wrdreg $0x9  }
0xb2: {  	_ =	task.clear_ibuf [dreg:s7], $0x6FFFF;
	_ =	strace $0x90000046  }
0xb3: {  	s29 =	simm.s32 $0x9;
	_ =	strace $0x80000048  }
0xb4: {  	_ =	swait.ge [sflag:s29], $0x1  }
0xb5: {  	[sflag:s29] =	ssyncadd.s32 $0xFFFFFFFF  }
0xb6: {  	_ =	strace $0x90000048  }
0xb7: {  	_ =	sfence  }
0xb8: {  	s30 =	sld [smem:$0x0];
	_ =	sdelay $0x2  }
0xb9: {  	s31 =	sshll.u32 s1, $0xD;
	s1 =	sshrl.u32 s1, $0x2  }
0xba: {  	s3 =	sand.u32 $0x4000, s31;
	s1 =	sadd.s32 s1, s30  }
0xbb: {  	s0 =	sor.u32 s3, s0;
	s1 =	sshll.u32 s1, $0x11  }
0xbc: {  	s0 =	sor.u32 s1, s0  }
0xbd: {  	s0 =	sadd.s32 $0x8F2B, s0  }
0xbe: {  	[sflag:s0] =	ssyncadd.remote.s32 $0x1  }
0xbf: {  	_ =	sfence.sel $0xFFFF  }
0xc0: {  	[dreg:$0x0] =	wrdreg $0xFFFFFFFF;
	(pc) =	sbr.abs _section_cstart, $3  }
0xc1: {  	[dreg:$0x1] =	wrdreg $0xFFFFFFFF  }
0xc2: {  	_ =	task.clear_ibuf [dreg:s7], $0x2FFFF;
	_ =	strace $0x9FFFFFFF  }
0xc3: {  	(tm) =	ssettm $0x7FFFFFFF  }
tec
execute0_lowered:
.L_overlay_start_1:
0x0: {  	(tag) =	ssettag $0x1  }
0x1: {  	s0 =	rddreg [dreg:$0x0]  }
0x2: {  	s1 =	rddreg [dreg:$0x1]  }
0x3: {  	s2 =	rddreg [dreg:$0x2];
	s3 =	simm.s32 $0x0;
	s12 =	stileid.u32  }
0x4: {  	s5 =	srdreg.scid;
	s13 =	simm.s32 $0x400;
	s14 =	simm.s32 $0x80  }
0x5: {  	s15 =	simm.s32 $0x4800;
	s16 =	simm.s32 $0x480;
	s17 =	simm.s32 $0x100  }
0x6: {  	s28 =	simm.s32 $0x700;
	s29 =	simm.s32 $0x380;
	s30 =	simm.s32 $0x780  }
0x7: {  	s31 =	simm.s32 $0x0;
	[smem:$0x7FF] =	sst s3;
	s4 =	smul.u32 $0xA00, s12  }
0x8: {  	s24 =	smul.u32 $0x2780, s12;
	s5 =	sand.u32 $0x1, s5;
	s9 =	sadd.s32 $0x2A00, s0  }
0x9: {  	s10 =	smul.u32 $0x4F000, s12;
	s20 =	sshll.u32 s12, $0x6;
	s12 =	simm.s32 $0x800  }
0xa: {  	_ =	strace $0x80000047;
	s6 =	smul.u32 $0x27800, s5;
	s8 =	ssub.s32 $0x2, s5  }
0xb: {  	[dreg:$0x4] =	wrdreg s9;
	s21 =	smul.u32 $0x500, s5;
	s7 =	sadd.s32 s4, s0  }
0xc: {  	s18 =	sshrl.u32 s8, $0x1;
	s11 =	sadd.s32 s24, s0;
	s19 =	sshrl.u32 s10, $0x2  }
0xd: {  	s1 =	sadd.s32 s4, s1;
	s0 =	sadd.s32 s6, s0;
	s8 =	ssub.s32 s8, s18  }
0xe: {  	s22 =	sadd.s32 s19, s2;
	s23 =	sadd.s32 $0xDA00, s11;
	s6 =	sor.u32 $0x1C01, s20  }
0xf: {  	s25 =	sadd.s32 s21, s7;
	s11 =	simm.s32 $0x1;
	s18 =	simm.s32 $0x500  }
0x10: {  	s19 =	simm.s32 $0x180;
	s20 =	simm.s32 $0x580;
	[dreg:$0x5] =	wrdreg s23  }
0x11: {  	s0 =	sadd.s32 $0x35200, s0;
	s26 =	smax.u32 s8, $0x1;
	s8 =	sadd.s32 s21, s1  }
0x12: {  	s9 =	sadd.s32 $0x3A00, s25;
	s10 =	sshrl.u32 s22, $0x3;
	s21 =	simm.s32 $0x200  }
0x13: {  	s22 =	simm.s32 $0x600;
	s23 =	simm.s32 $0x280;
	s25 =	simm.s32 $0x680  }
0x14: {  	[dreg:$0x6] =	wrdreg s26;
	s24 =	sadd.s32 s24, s0;
	s26 =	simm.s32 $0x300  }
.LBB2_1:
0x15: {  	s0 =	rddreg [dreg:$0x5]  }
0x16: {  	[spmem:s10], [sflag:s6] =	dma.local [hbm:s0], $0x2780  }
0x17: {  	_ =	swait.ge [sflag:s11], $0x2780  }
0x18: {  	[sflag:s11] =	ssyncset.done $0x0  }
0x19: {  	s4 =	rddreg [dreg:$0x4];
	[sflag:s11] =	ssyncadd.s32 $0xFFFFD880  }
0x1a: {  	[tilespmem:s12], [sflag:$0x1] =	stream.linear.gather [hbm4b:s4+s3], $0x8000, $0x38;
	[tilespmem:$0x1C400] =	vst v63  }
0x1b: {  	_ =	swait.ge [sflag:s11], $0x8000  }
0x1c: {  	[sflag:s11] =	ssyncset.done $0x0  }
0x1d: {  	[sflag:s11] =	ssyncadd.s32 $0xFFFF8000  }
0x1e: {  	s5 =	sadd.s32 $0x0, s9;
	[bflag:$0x0] =	sbarrier.arrive $0xFFFF  }
0x1f: {  	[tilespmem:s3], [sflag:$0x1] =	stream.linear.gather [hbm4b:s5+s3], $0x400, $0x38;
	[tilespmem:$0x1C400] =	vst v63  }
0x20: {  	_ =	swait.ge [sflag:s11], $0x400  }
0x21: {  	[sflag:s11] =	ssyncset.done $0x0  }
0x22: {  	s7 =	sadd.s32 $0x0, s8;
	[sflag:s11] =	ssyncadd.s32 $0xFFFFFC00  }
0x23: {  	[tilespmem:s13], [sflag:$0x1] =	stream.linear.gather [hbm4b:s7+s3], $0x400, $0x38;
	[tilespmem:$0x1C400] =	vst v63  }
0x24: {  	_ =	swait.ge [sflag:s11], $0x400  }
0x25: {  	[sflag:s11] =	ssyncset.done $0x0  }
0x26: {  	[sflag:s11] =	ssyncadd.s32 $0xFFFFFC00  }
0x27: {  	[spmem:s2] =	stream.indirect.scatter.add.f32 [tilespmem:s12], [sflag:$0x1], $0x80, s3, s14, $0xb8;
	[tilespmem:$0x1C400] =	vst v63  }
0x28: {  	_ =	swait.ge [sflag:s11], $0x4000  }
0x29: {  	[sflag:s11] =	ssyncset.done $0x0  }
0x2a: {  	[sflag:s11] =	ssyncadd.s32 $0xFFFFC000  }
0x2b: {  	[spmem:s2] =	stream.indirect.scatter.add.f32 [tilespmem:s15], [sflag:$0x1], $0x80, s13, s14, $0xb8;
	[tilespmem:$0x1C400] =	vst v63  }
0x2c: {  	_ =	swait.ge [sflag:s11], $0x4000  }
0x2d: {  	[sflag:s11] =	ssyncset.done $0x0  }
0x2e: {  	[sflag:s11] =	ssyncadd.s32 $0xFFFFC000  }
0x2f: {  	[spmem:s2] =	stream.indirect.scatter.add.f32 [tilespmem:s12], [sflag:$0x1], $0x80, s14, s14, $0xb8;
	[tilespmem:$0x1C400] =	vst v63  }
0x30: {  	_ =	swait.ge [sflag:s11], $0x4000  }
0x31: {  	[sflag:s11] =	ssyncset.done $0x0  }
0x32: {  	[sflag:s11] =	ssyncadd.s32 $0xFFFFC000  }
0x33: {  	[spmem:s2] =	stream.indirect.scatter.add.f32 [tilespmem:s15], [sflag:$0x1], $0x80, s16, s14, $0xb8;
	[tilespmem:$0x1C400] =	vst v63  }
0x34: {  	_ =	swait.ge [sflag:s11], $0x4000  }
0x35: {  	[sflag:s11] =	ssyncset.done $0x0  }
0x36: {  	[sflag:s11] =	ssyncadd.s32 $0xFFFFC000  }
0x37: {  	[spmem:s2] =	stream.indirect.scatter.add.f32 [tilespmem:s12], [sflag:$0x1], $0x80, s17, s14, $0xb8;
	[tilespmem:$0x1C400] =	vst v63  }
0x38: {  	_ =	swait.ge [sflag:s11], $0x4000  }
0x39: {  	[sflag:s11] =	ssyncset.done $0x0  }
0x3a: {  	[sflag:s11] =	ssyncadd.s32 $0xFFFFC000  }
0x3b: {  	[spmem:s2] =	stream.indirect.scatter.add.f32 [tilespmem:s15], [sflag:$0x1], $0x80, s18, s14, $0xb8;
	[tilespmem:$0x1C400] =	vst v63  }
0x3c: {  	_ =	swait.ge [sflag:s11], $0x4000  }
0x3d: {  	[sflag:s11] =	ssyncset.done $0x0  }
0x3e: {  	[sflag:s11] =	ssyncadd.s32 $0xFFFFC000  }
0x3f: {  	[spmem:s2] =	stream.indirect.scatter.add.f32 [tilespmem:s12], [sflag:$0x1], $0x80, s19, s14, $0xb8;
	[tilespmem:$0x1C400] =	vst v63  }
0x40: {  	_ =	swait.ge [sflag:s11], $0x4000  }
0x41: {  	[sflag:s11] =	ssyncset.done $0x0  }
0x42: {  	[sflag:s11] =	ssyncadd.s32 $0xFFFFC000  }
0x43: {  	[spmem:s2] =	stream.indirect.scatter.add.f32 [tilespmem:s15], [sflag:$0x1], $0x80, s20, s14, $0xb8;
	[tilespmem:$0x1C400] =	vst v63  }
0x44: {  	_ =	swait.ge [sflag:s11], $0x4000  }
0x45: {  	[sflag:s11] =	ssyncset.done $0x0  }
0x46: {  	[sflag:s11] =	ssyncadd.s32 $0xFFFFC000  }
0x47: {  	[spmem:s2] =	stream.indirect.scatter.add.f32 [tilespmem:s12], [sflag:$0x1], $0x80, s21, s14, $0xb8;
	[tilespmem:$0x1C400] =	vst v63  }
0x48: {  	_ =	swait.ge [sflag:s11], $0x4000  }
0x49: {  	[sflag:s11] =	ssyncset.done $0x0  }
0x4a: {  	[sflag:s11] =	ssyncadd.s32 $0xFFFFC000  }
0x4b: {  	[spmem:s2] =	stream.indirect.scatter.add.f32 [tilespmem:s15], [sflag:$0x1], $0x80, s22, s14, $0xb8;
	[tilespmem:$0x1C400] =	vst v63  }
0x4c: {  	_ =	swait.ge [sflag:s11], $0x4000  }
0x4d: {  	[sflag:s11] =	ssyncset.done $0x0  }
0x4e: {  	[sflag:s11] =	ssyncadd.s32 $0xFFFFC000  }
0x4f: {  	[spmem:s2] =	stream.indirect.scatter.add.f32 [tilespmem:s12], [sflag:$0x1], $0x80, s23, s14, $0xb8;
	[tilespmem:$0x1C400] =	vst v63  }
0x50: {  	_ =	swait.ge [sflag:s11], $0x4000  }
0x51: {  	[sflag:s11] =	ssyncset.done $0x0  }
0x52: {  	[sflag:s11] =	ssyncadd.s32 $0xFFFFC000  }
0x53: {  	[spmem:s2] =	stream.indirect.scatter.add.f32 [tilespmem:s15], [sflag:$0x1], $0x80, s25, s14, $0xb8;
	[tilespmem:$0x1C400] =	vst v63  }
0x54: {  	_ =	swait.ge [sflag:s11], $0x4000  }
0x55: {  	[sflag:s11] =	ssyncset.done $0x0  }
0x56: {  	[sflag:s11] =	ssyncadd.s32 $0xFFFFC000  }
0x57: {  	[spmem:s2] =	stream.indirect.scatter.add.f32 [tilespmem:s12], [sflag:$0x1], $0x80, s26, s14, $0xb8;
	[tilespmem:$0x1C400] =	vst v63  }
0x58: {  	_ =	swait.ge [sflag:s11], $0x4000  }
0x59: {  	[sflag:s11] =	ssyncset.done $0x0  }
0x5a: {  	[sflag:s11] =	ssyncadd.s32 $0xFFFFC000  }
0x5b: {  	[spmem:s2] =	stream.indirect.scatter.add.f32 [tilespmem:s15], [sflag:$0x1], $0x80, s28, s14, $0xb8;
	[tilespmem:$0x1C400] =	vst v63  }
0x5c: {  	_ =	swait.ge [sflag:s11], $0x4000  }
0x5d: {  	[sflag:s11] =	ssyncset.done $0x0  }
0x5e: {  	[sflag:s11] =	ssyncadd.s32 $0xFFFFC000  }
0x5f: {  	[spmem:s2] =	stream.indirect.scatter.add.f32 [tilespmem:s12], [sflag:$0x1], $0x80, s29, s14, $0xb8;
	[tilespmem:$0x1C400] =	vst v63  }
0x60: {  	_ =	swait.ge [sflag:s11], $0x4000  }
0x61: {  	[sflag:s11] =	ssyncset.done $0x0  }
0x62: {  	[sflag:s11] =	ssyncadd.s32 $0xFFFFC000  }
0x63: {  	[spmem:s2] =	stream.indirect.scatter.add.f32 [tilespmem:s15], [sflag:$0x1], $0x80, s30, s14, $0xb8;
	[tilespmem:$0x1C400] =	vst v63  }
0x64: {  	_ =	swait.ge [sflag:s11], $0x4000  }
0x65: {  	s1 =	simm.s32 $0x100;
	s0 =	simm.s32 $0x80;
	[sflag:s11] =	ssyncset.done $0x0  }
.LBB2_2:
0x66: {  	s5 =	sadd.s32 s0, s9  }
0x67: {  	[sflag:s11] =	ssyncadd.s32 $0xFFFFC000;
	s7 =	smov.u32 s1;
	s4 =	sadd.s32 $0x80, s1  }
0x68: {  	[tilespmem:s3], [sflag:$0x1] =	stream.linear.gather [hbm4b:s5+s3], $0x400, $0x38;
	[tilespmem:$0x1C400] =	vst v63  }
0x69: {  	p0 =	sne.s32 s1, $0x480;
	_ =	swait.ge [sflag:s11], $0x400  }
0x6a: {  	[sflag:s11] =	ssyncset.done $0x0  }
0x6b: {  	s1 =	sadd.s32 s0, s8;
	s0 =	smov.u32 s7;
	[sflag:s11] =	ssyncadd.s32 $0xFFFFFC00  }
0x6c: {  	[tilespmem:s13], [sflag:$0x1] =	stream.linear.gather [hbm4b:s1+s3], $0x400, $0x38;
	[tilespmem:$0x1C400] =	vst v63  }
0x6d: {  	_ =	swait.ge [sflag:s11], $0x400  }
0x6e: {  	[sflag:s11] =	ssyncset.done $0x0  }
0x6f: {  	[sflag:s11] =	ssyncadd.s32 $0xFFFFFC00  }
0x70: {  	[spmem:s2] =	stream.indirect.scatter.add.f32 [tilespmem:s12], [sflag:$0x1], $0x80, s3, s14, $0xb8;
	[tilespmem:$0x1C400] =	vst v63  }
0x71: {  	_ =	swait.ge [sflag:s11], $0x4000  }
0x72: {  	[sflag:s11] =	ssyncset.done $0x0  }
0x73: {  	[sflag:s11] =	ssyncadd.s32 $0xFFFFC000  }
0x74: {  	[spmem:s2] =	stream.indirect.scatter.add.f32 [tilespmem:s15], [sflag:$0x1], $0x80, s13, s14, $0xb8;
	[tilespmem:$0x1C400] =	vst v63  }
0x75: {  	_ =	swait.ge [sflag:s11], $0x4000  }
0x76: {  	[sflag:s11] =	ssyncset.done $0x0  }
0x77: {  	[sflag:s11] =	ssyncadd.s32 $0xFFFFC000  }
0x78: {  	[spmem:s2] =	stream.indirect.scatter.add.f32 [tilespmem:s12], [sflag:$0x1], $0x80, s14, s14, $0xb8;
	[tilespmem:$0x1C400] =	vst v63  }
0x79: {  	_ =	swait.ge [sflag:s11], $0x4000  }
0x7a: {  	[sflag:s11] =	ssyncset.done $0x0  }
0x7b: {  	[sflag:s11] =	ssyncadd.s32 $0xFFFFC000  }
0x7c: {  	[spmem:s2] =	stream.indirect.scatter.add.f32 [tilespmem:s15], [sflag:$0x1], $0x80, s16, s14, $0xb8;
	[tilespmem:$0x1C400] =	vst v63  }
0x7d: {  	_ =	swait.ge [sflag:s11], $0x4000  }
0x7e: {  	[sflag:s11] =	ssyncset.done $0x0  }
0x7f: {  	[sflag:s11] =	ssyncadd.s32 $0xFFFFC000  }
0x80: {  	[spmem:s2] =	stream.indirect.scatter.add.f32 [tilespmem:s12], [sflag:$0x1], $0x80, s17, s14, $0xb8;
	[tilespmem:$0x1C400] =	vst v63  }
0x81: {  	_ =	swait.ge [sflag:s11], $0x4000  }
0x82: {  	[sflag:s11] =	ssyncset.done $0x0  }
0x83: {  	[sflag:s11] =	ssyncadd.s32 $0xFFFFC000  }
0x84: {  	[spmem:s2] =	stream.indirect.scatter.add.f32 [tilespmem:s15], [sflag:$0x1], $0x80, s18, s14, $0xb8;
	[tilespmem:$0x1C400] =	vst v63  }
0x85: {  	_ =	swait.ge [sflag:s11], $0x4000  }
0x86: {  	[sflag:s11] =	ssyncset.done $0x0  }
0x87: {  	[sflag:s11] =	ssyncadd.s32 $0xFFFFC000  }
0x88: {  	[spmem:s2] =	stream.indirect.scatter.add.f32 [tilespmem:s12], [sflag:$0x1], $0x80, s19, s14, $0xb8;
	[tilespmem:$0x1C400] =	vst v63  }
0x89: {  	_ =	swait.ge [sflag:s11], $0x4000  }
0x8a: {  	[sflag:s11] =	ssyncset.done $0x0  }
0x8b: {  	[sflag:s11] =	ssyncadd.s32 $0xFFFFC000  }
0x8c: {  	[spmem:s2] =	stream.indirect.scatter.add.f32 [tilespmem:s15], [sflag:$0x1], $0x80, s20, s14, $0xb8;
	[tilespmem:$0x1C400] =	vst v63  }
0x8d: {  	_ =	swait.ge [sflag:s11], $0x4000  }
0x8e: {  	[sflag:s11] =	ssyncset.done $0x0  }
0x8f: {  	[sflag:s11] =	ssyncadd.s32 $0xFFFFC000  }
0x90: {  	[spmem:s2] =	stream.indirect.scatter.add.f32 [tilespmem:s12], [sflag:$0x1], $0x80, s21, s14, $0xb8;
	[tilespmem:$0x1C400] =	vst v63  }
0x91: {  	_ =	swait.ge [sflag:s11], $0x4000  }
0x92: {  	[sflag:s11] =	ssyncset.done $0x0  }
0x93: {  	[sflag:s11] =	ssyncadd.s32 $0xFFFFC000  }
0x94: {  	[spmem:s2] =	stream.indirect.scatter.add.f32 [tilespmem:s15], [sflag:$0x1], $0x80, s22, s14, $0xb8;
	[tilespmem:$0x1C400] =	vst v63  }
0x95: {  	_ =	swait.ge [sflag:s11], $0x4000  }
0x96: {  	[sflag:s11] =	ssyncset.done $0x0  }
0x97: {  	[sflag:s11] =	ssyncadd.s32 $0xFFFFC000  }
0x98: {  	[spmem:s2] =	stream.indirect.scatter.add.f32 [tilespmem:s12], [sflag:$0x1], $0x80, s23, s14, $0xb8;
	[tilespmem:$0x1C400] =	vst v63  }
0x99: {  	_ =	swait.ge [sflag:s11], $0x4000  }
0x9a: {  	[sflag:s11] =	ssyncset.done $0x0  }
0x9b: {  	[sflag:s11] =	ssyncadd.s32 $0xFFFFC000  }
0x9c: {  	[spmem:s2] =	stream.indirect.scatter.add.f32 [tilespmem:s15], [sflag:$0x1], $0x80, s25, s14, $0xb8;
	[tilespmem:$0x1C400] =	vst v63  }
0x9d: {  	_ =	swait.ge [sflag:s11], $0x4000  }
0x9e: {  	[sflag:s11] =	ssyncset.done $0x0  }
0x9f: {  	[sflag:s11] =	ssyncadd.s32 $0xFFFFC000  }
0xa0: {  	[spmem:s2] =	stream.indirect.scatter.add.f32 [tilespmem:s12], [sflag:$0x1], $0x80, s26, s14, $0xb8;
	[tilespmem:$0x1C400] =	vst v63  }
0xa1: {  	_ =	swait.ge [sflag:s11], $0x4000  }
0xa2: {  	[sflag:s11] =	ssyncset.done $0x0  }
0xa3: {  	[sflag:s11] =	ssyncadd.s32 $0xFFFFC000  }
0xa4: {  	[spmem:s2] =	stream.indirect.scatter.add.f32 [tilespmem:s15], [sflag:$0x1], $0x80, s28, s14, $0xb8;
	[tilespmem:$0x1C400] =	vst v63  }
0xa5: {  	_ =	swait.ge [sflag:s11], $0x4000  }
0xa6: {  	[sflag:s11] =	ssyncset.done $0x0  }
0xa7: {  	[sflag:s11] =	ssyncadd.s32 $0xFFFFC000  }
0xa8: {  	[spmem:s2] =	stream.indirect.scatter.add.f32 [tilespmem:s12], [sflag:$0x1], $0x80, s29, s14, $0xb8;
	[tilespmem:$0x1C400] =	vst v63  }
0xa9: {  	_ =	swait.ge [sflag:s11], $0x4000  }
.Ltmp0:
0xaa: {  	[sflag:s11] =	ssyncset.done $0x0;
	(pc) =	sbr.rel @p0 .LBB2_2-.Ltmp0, $4  }
0xab: {  	[sflag:s11] =	ssyncadd.s32 $0xFFFFC000  }
0xac: {  	[spmem:s2] =	stream.indirect.scatter.add.f32 [tilespmem:s15], [sflag:$0x1], $0x80, s30, s14, $0xb8;
	[tilespmem:$0x1C400] =	vst v63  }
0xad: {  	_ =	swait.ge [sflag:s11], $0x4000  }
0xae: {  	s1 =	smov.u32 s4;
	[sflag:s11] =	ssyncset.done $0x0  }
0xaf: {  	s1 =	sadd.s32 s0, s9;
	[sflag:s11] =	ssyncadd.s32 $0xFFFFC000  }
0xb0: {  	[tilespmem:s3], [sflag:$0x1] =	stream.linear.gather [hbm4b:s1+s3], $0x400, $0x38;
	[tilespmem:$0x1C400] =	vst v63  }
0xb1: {  	_ =	swait.ge [sflag:s11], $0x400  }
0xb2: {  	[sflag:s11] =	ssyncset.done $0x0  }
0xb3: {  	s5 =	sadd.s32 s0, s8;
	[sflag:s11] =	ssyncadd.s32 $0xFFFFFC00  }
0xb4: {  	[tilespmem:s13], [sflag:$0x1] =	stream.linear.gather [hbm4b:s5+s3], $0x400, $0x38;
	[tilespmem:$0x1C400] =	vst v63  }
0xb5: {  	_ =	swait.ge [sflag:s11], $0x400  }
0xb6: {  	[sflag:s11] =	ssyncset.done $0x0  }
0xb7: {  	[sflag:s11] =	ssyncadd.s32 $0xFFFFFC00  }
0xb8: {  	[spmem:s2] =	stream.indirect.scatter.add.f32 [tilespmem:s12], [sflag:$0x1], $0x80, s3, s14, $0xb8;
	[tilespmem:$0x1C400] =	vst v63  }
0xb9: {  	_ =	swait.ge [sflag:s11], $0x4000  }
0xba: {  	[sflag:s11] =	ssyncset.done $0x0  }
0xbb: {  	[sflag:s11] =	ssyncadd.s32 $0xFFFFC000  }
0xbc: {  	[spmem:s2] =	stream.indirect.scatter.add.f32 [tilespmem:s15], [sflag:$0x1], $0x80, s13, s14, $0xb8;
	[tilespmem:$0x1C400] =	vst v63  }
0xbd: {  	_ =	swait.ge [sflag:s11], $0x4000  }
0xbe: {  	[sflag:s11] =	ssyncset.done $0x0  }
0xbf: {  	[sflag:s11] =	ssyncadd.s32 $0xFFFFC000  }
0xc0: {  	[spmem:s2] =	stream.indirect.scatter.add.f32 [tilespmem:s12], [sflag:$0x1], $0x80, s14, s14, $0xb8;
	[tilespmem:$0x1C400] =	vst v63  }
0xc1: {  	_ =	swait.ge [sflag:s11], $0x4000  }
0xc2: {  	[sflag:s11] =	ssyncset.done $0x0  }
0xc3: {  	[sflag:s11] =	ssyncadd.s32 $0xFFFFC000  }
0xc4: {  	[spmem:s2] =	stream.indirect.scatter.add.f32 [tilespmem:s15], [sflag:$0x1], $0x80, s16, s14, $0xb8;
	[tilespmem:$0x1C400] =	vst v63  }
0xc5: {  	_ =	swait.ge [sflag:s11], $0x4000  }
0xc6: {  	[sflag:s11] =	ssyncset.done $0x0  }
0xc7: {  	[sflag:s11] =	ssyncadd.s32 $0xFFFFC000  }
0xc8: {  	[spmem:s2] =	stream.indirect.scatter.add.f32 [tilespmem:s12], [sflag:$0x1], $0x80, s17, s14, $0xb8;
	[tilespmem:$0x1C400] =	vst v63  }
0xc9: {  	_ =	swait.ge [sflag:s11], $0x4000  }
0xca: {  	[sflag:s11] =	ssyncset.done $0x0  }
0xcb: {  	[sflag:s11] =	ssyncadd.s32 $0xFFFFC000  }
0xcc: {  	[spmem:s2] =	stream.indirect.scatter.add.f32 [tilespmem:s15], [sflag:$0x1], $0x80, s18, s14, $0xb8;
	[tilespmem:$0x1C400] =	vst v63  }
0xcd: {  	_ =	swait.ge [sflag:s11], $0x4000  }
0xce: {  	[sflag:s11] =	ssyncset.done $0x0  }
0xcf: {  	[sflag:s11] =	ssyncadd.s32 $0xFFFFC000  }
0xd0: {  	[spmem:s2] =	stream.indirect.scatter.add.f32 [tilespmem:s12], [sflag:$0x1], $0x80, s19, s14, $0xb8;
	[tilespmem:$0x1C400] =	vst v63  }
0xd1: {  	_ =	swait.ge [sflag:s11], $0x4000  }
0xd2: {  	[sflag:s11] =	ssyncset.done $0x0  }
0xd3: {  	[sflag:s11] =	ssyncadd.s32 $0xFFFFC000  }
0xd4: {  	[spmem:s2] =	stream.indirect.scatter.add.f32 [tilespmem:s15], [sflag:$0x1], $0x80, s20, s14, $0xb8;
	[tilespmem:$0x1C400] =	vst v63  }
0xd5: {  	_ =	swait.ge [sflag:s11], $0x4000  }
0xd6: {  	[sflag:s11] =	ssyncset.done $0x0  }
0xd7: {  	[sflag:s11] =	ssyncadd.s32 $0xFFFFC000  }
0xd8: {  	[spmem:s2] =	stream.indirect.scatter.add.f32 [tilespmem:s12], [sflag:$0x1], $0x80, s21, s14, $0xb8;
	[tilespmem:$0x1C400] =	vst v63  }
0xd9: {  	_ =	swait.ge [sflag:s11], $0x4000  }
0xda: {  	[sflag:s11] =	ssyncset.done $0x0  }
0xdb: {  	[sflag:s11] =	ssyncadd.s32 $0xFFFFC000  }
0xdc: {  	[spmem:s2] =	stream.indirect.scatter.add.f32 [tilespmem:s15], [sflag:$0x1], $0x80, s22, s14, $0xb8;
	[tilespmem:$0x1C400] =	vst v63  }
0xdd: {  	_ =	swait.ge [sflag:s11], $0x4000  }
0xde: {  	[sflag:s11] =	ssyncset.done $0x0  }
0xdf: {  	[sflag:s11] =	ssyncadd.s32 $0xFFFFC000  }
0xe0: {  	[spmem:s2] =	stream.indirect.scatter.add.f32 [tilespmem:s12], [sflag:$0x1], $0x80, s23, s14, $0xb8;
	[tilespmem:$0x1C400] =	vst v63  }
0xe1: {  	_ =	swait.ge [sflag:s11], $0x4000  }
0xe2: {  	[sflag:s11] =	ssyncset.done $0x0  }
0xe3: {  	[sflag:s11] =	ssyncadd.s32 $0xFFFFC000  }
0xe4: {  	[spmem:s2] =	stream.indirect.scatter.add.f32 [tilespmem:s15], [sflag:$0x1], $0x80, s25, s14, $0xb8;
	[tilespmem:$0x1C400] =	vst v63  }
0xe5: {  	_ =	swait.ge [sflag:s11], $0x4000  }
0xe6: {  	[sflag:s11] =	ssyncset.done $0x0  }
0xe7: {  	[sflag:s11] =	ssyncadd.s32 $0xFFFFC000  }
0xe8: {  	[spmem:s2] =	stream.indirect.scatter.add.f32 [tilespmem:s12], [sflag:$0x1], $0x80, s26, s14, $0xb8;
	[tilespmem:$0x1C400] =	vst v63  }
0xe9: {  	_ =	swait.ge [sflag:s11], $0x4000  }
0xea: {  	[sflag:s11] =	ssyncset.done $0x0  }
0xeb: {  	[sflag:s11] =	ssyncadd.s32 $0xFFFFC000  }
0xec: {  	[spmem:s2] =	stream.indirect.scatter.add.f32 [tilespmem:s15], [sflag:$0x1], $0x80, s28, s14, $0xb8;
	[tilespmem:$0x1C400] =	vst v63  }
0xed: {  	_ =	swait.ge [sflag:s11], $0x4000  }
0xee: {  	[sflag:s11] =	ssyncset.done $0x0  }
0xef: {  	[sflag:s11] =	ssyncadd.s32 $0xFFFFC000  }
0xf0: {  	[spmem:s2] =	stream.indirect.scatter.add.f32 [tilespmem:s12], [sflag:$0x1], $0x80, s29, s14, $0xb8;
	[tilespmem:$0x1C400] =	vst v63  }
0xf1: {  	_ =	swait.ge [sflag:s11], $0x4000  }
0xf2: {  	[sflag:s11] =	ssyncset.done $0x0  }
0xf3: {  	[sflag:s11] =	ssyncadd.s32 $0xFFFFC000  }
0xf4: {  	[spmem:s2] =	stream.indirect.scatter.add.f32 [tilespmem:s15], [sflag:$0x1], $0x80, s30, s14, $0xb8;
	[tilespmem:$0x1C400] =	vst v63  }
0xf5: {  	_ =	swait.ge [sflag:s11], $0x4000  }
0xf6: {  	[sflag:s11] =	ssyncset.done $0x0  }
0xf7: {  	[sflag:s11] =	ssyncadd.s32 $0xFFFFC000  }
0xf8: {  	[bflag:$0x0] =	sbarrier.arrive $0xFFFF  }
0xf9: {  	[hbm:s24], [sflag:s6] =	dma.local [spmem:s10], $0x2780  }
0xfa: {  	_ =	swait.ge [sflag:s11], $0x2780  }
0xfb: {  	s31 =	sadd.s32 $0x1, s31;
	s7 =	rddreg [dreg:$0x6]  }
0xfc: {  	p0 =	sne.s32 s31, s7  }
.Ltmp1:
0xfd: {  	_ = 	snop;
	(pc) =	sbr.rel @p0 .LBB2_1-.Ltmp1, $3  }
0xfe: {  	_ =	sdelay $0x1  }
0xff: {  	[sflag:s11] =	ssyncset.done $0x0  }
0x100: {  	[sflag:s11] =	ssyncadd.s32 $0xFFFFD880  }
0x101: {  	_ =	sfence.sel $0x180000  }
0x102: {  	[bflag:$0x0] =	sbarrier.arrive $0xFFFF  }
0x103: {  	_ =	strace $0x90000047  }
0x104: {  	s0 =	stileid.u32;
	[bflag:$0x2] =	sbarrier.arrive $0xFFFF  }
0x105: {  	p0 =	sne.s32 s0, $0x0;
	s0 =	rddreg [dreg:$0x3]  }
0x106: {  	s0 =	sadd.s32 @!p0 $0x100000, s0  }
0x107: {  	[sflag:s0] =	ssyncadd.tile.s32 @!p0 $0x1;
	_ =	shalt  }
.Lfunc_end2:
_tile_overlayer_lowered:
.L_overlay_start_2:
0x108: {  	(tag) =	ssettag $0x2  }
0x109: {  	s0 =	rddreg [dreg:$0x0];
	s2 =	stileid.u32  }
0x10a: {  	s1 =	rddreg [dreg:$0x1];
	p0 =	sne.s32 s2, $0x0  }
0x10b: {  	s3 =	rddreg [dreg:$0x2];
	[bflag:$0x3] =	sbarrier.arrive $0xFFFF;
	s2 =	simm.s32 @!p0 $0x1C01  }
0x10c: {  	[timem:s3], [sflag:s2] =	dma.local @!p0 [hbm:s0], s1  }
0x10d: {  	s0 =	simm.s32 @!p0 $0x1  }
0x10e: {  	_ =	swait.ge @!p0 [sflag:s0], s1  }
0x10f: {  	s1 =	ssub.s32 @!p0 $0x0, s1;
	[sflag:s0] =	ssyncset.done @!p0 $0x0  }
0x110: {  	[sflag:s0] =	ssyncadd.s32 @!p0 s1  }
0x111: {  	[bflag:$0x3] =	sbarrier.arrive $0xFFFF  }
0x112: {  	_ =	shalt  }

// kernel: kernel.14.cloned.1.call-start
scs
__scs_entry_jumppad:
0x0: {  	(pc) =	sbr.rel $0x88, $3  }
0x1: {  	(tag) =	ssettag $0x0;
	lr =	simm.s32 $0x1  }
0x2: {  	[smem:$0x3F99] =	sst lr;
	_ =	strace $0xD0000000  }
0x3: {  	_ = 	snop  }
0x4: {  	_ = 	snop  }
0x5: {  	_ = 	snop  }
0x6: {  	_ = 	snop  }
0x7: {  	_ = 	snop  }
__scs_overlays_trampoline_lowered:
0x8: {  	[smem:$0x3FA8] =	sst s0  }
0x9: {  	[smem:$0x3FA9] =	sst s1  }
0xa: {  	[smem:$0x3FAA] =	sst s2  }
0xb: {  	[smem:$0x3FAB] =	sst s3  }
0xc: {  	[smem:$0x3FAC] =	sst s4  }
0xd: {  	[smem:$0x3FAD] =	sst s5  }
0xe: {  	[smem:$0x3FAE] =	sst s6  }
0xf: {  	[smem:$0x3FAF] =	sst s7  }
0x10: {  	[smem:$0x3FB0] =	sst s8  }
0x11: {  	[smem:$0x3FB1] =	sst s9;
	s0 =	simm.s32 @!p0 $0x0  }
0x12: {  	s1 =	sld [smem:$0x3F97];
	s0 =	simm.s32 @p0 $0x1  }
0x13: {  	[smem:$0x3FB2] =	sst s0;
	s0 =	simm.s32 @!p1 $0x0  }
0x14: {  	s2 =	sld [smem:$0x3F96];
	s0 =	simm.s32 @p1 $0x1  }
0x15: {  	[smem:$0x3FB3] =	sst s0;
	s0 =	simm.s32 @!p2 $0x0  }
0x16: {  	s3 =	sld [smem:$0x3FDB];
	s0 =	simm.s32 @p2 $0x1  }
0x17: {  	s4 =	simm.s32 $0x1BF5;
	[smem:$0x3FB5] =	sst s0  }
0x18: {  	s0 =	sld [smem:$0x3F98];
	_ =	swait.ge [sflag:s4], $0x0  }
0x19: {  	s7 =	sld [smem:$0x3F99]  }
0x1a: {  	s8 =	sadd.s32 $0xFFFFE003, lr  }
0x1b: {  	s9 =	sadd.s32 $0xFFFFFEF7, lr;
	s5 =	simm.s32 $0xFFFFFFFF;
	p2 =	slt.u32 s8, $0xFFFFF086  }
0x1c: {  	p1 =	slt.u32 s9, $0xF7A;
	s5 =	simm.s32 @!p2 $0x0  }
0x1d: {  	s5 =	simm.s32 @p1 $0x1;
	p0 =	seq.s32 s7, s2  }
0x1e: {  	s7 =	smul.u32 @!p0 $0xF7A, s2;
	p2 =	seq.s32 @!p0 s5, $0x0  }
0x1f: {  	s9 =	smul.u32 $0xF7A, s1;
	s8 =	simm.s32 @!p0 $0x1BF5;
	p2 =	por !p2, p0  }
0x20: {  	[sflag:s8] =	ssyncset.s32 @!p0 $0xFFFFF086;
	s6 =	sadd.s32 @!p0 s3, s7;
	s7 =	simm.s32 @!p0 $0x108  }
0x21: {  	s3 =	sadd.s32 s3, s9;
	s6 =	sadd.s32 @!p0 $0x88, s6;
	s7 =	simm.s32 @p2 $0x1082  }
0x22: {  	[simem:s7], [sflag:s8] =	dma.local @!p0 [hbm:s6], $0xF7A  }
0x23: {  	s9 =	sor.u32 $0xD0000000, s2;
	s6 =	simm.s32 $0x108;
	_ =	swait.ge @!p0 [sflag:s8], $0x0  }
0x24: {  	s3 =	sadd.s32 $0x88, s3;
	s6 =	simm.s32 @!p1 $0x1082;
	[sflag:s4] =	ssyncset.s32 $0xFFFFF086  }
0x25: {  	[simem:s6], [sflag:s4] =	dma.local [hbm:s3], $0xF7A  }
0x26: {  	[smem:$0x3F99] =	sst s1;
	(tag) =	ssettag s2;
	_ =	strace s9  }
0x27: {  	s1 =	sld [smem:$0x3FA9]  }
0x28: {  	s2 =	sld [smem:$0x3FAA]  }
0x29: {  	s4 =	sld [smem:$0x3FAC]  }
0x2a: {  	p0 =	seq.s32 s5, $0x0;
	s5 =	sld [smem:$0x3FAD]  }
0x2b: {  	s6 =	sld [smem:$0x3FAE]  }
0x2c: {  	s7 =	sld [smem:$0x3FAF]  }
0x2d: {  	s3 =	simm.s32 $0x108;
	s8 =	sld [smem:$0x3FB0]  }
0x2e: {  	s3 =	simm.s32 @!p0 $0x1082;
	s9 =	sld [smem:$0x3FB1]  }
0x2f: {  	lr =	sadd.s32 s0, s3;
	s0 =	sld [smem:$0x3FA8]  }
0x30: {  	s3 =	sld [smem:$0x3FAB]  }
0x31: {  	[smem:$0x3FB4] =	sst s10  }
0x32: {  	s10 =	sld [smem:$0x3FB2];
	_ =	sdelay $0x3  }
0x33: {  	p0 =	seq.s32 s10, $0x1;
	s10 =	sld [smem:$0x3FB4];
	_ =	sdelay $0x3  }
0x34: {  	[smem:$0x3FB4] =	sst s10  }
0x35: {  	s10 =	sld [smem:$0x3FB3];
	_ =	sdelay $0x3  }
0x36: {  	p1 =	seq.s32 s10, $0x1;
	s10 =	sld [smem:$0x3FB4];
	_ =	sdelay $0x3  }
0x37: {  	[smem:$0x3FB4] =	sst s10  }
0x38: {  	s10 =	sld [smem:$0x3FB5]  }
0x39: {  	_ = 	snop;
	(pc) =	sbr.ind lr, $3  }
0x3a: {  	_ = 	snop  }
0x3b: {  	_ = 	snop  }
0x3c: {  	p2 =	seq.s32 s10, $0x1;
	s10 =	sld [smem:$0x3FB4]  }
0x3d: {  	_ =	shalt  }
0x3e: {  	_ =	shalt  }
0x3f: {  	_ =	shalt  }
0x40: {  	_ =	shalt  }
0x41: {  	_ =	shalt  }
0x42: {  	_ =	shalt  }
0x43: {  	_ =	shalt  }
0x44: {  	_ =	shalt  }
0x45: {  	_ =	shalt  }
0x46: {  	_ =	shalt  }
0x47: {  	_ =	shalt  }
0x48: {  	_ =	shalt  }
0x49: {  	_ =	shalt  }
0x4a: {  	_ =	shalt  }
0x4b: {  	_ =	shalt  }
0x4c: {  	_ =	shalt  }
0x4d: {  	_ =	shalt  }
0x4e: {  	_ =	shalt  }
0x4f: {  	_ =	shalt  }
0x50: {  	_ =	shalt  }
0x51: {  	_ =	shalt  }
0x52: {  	_ =	shalt  }
0x53: {  	_ =	shalt  }
0x54: {  	_ =	shalt  }
0x55: {  	_ =	shalt  }
0x56: {  	_ =	shalt  }
0x57: {  	_ =	shalt  }
0x58: {  	_ =	shalt  }
0x59: {  	_ =	shalt  }
0x5a: {  	_ =	shalt  }
0x5b: {  	_ =	shalt  }
0x5c: {  	_ =	shalt  }
0x5d: {  	_ =	shalt  }
0x5e: {  	_ =	shalt  }
0x5f: {  	_ =	shalt  }
0x60: {  	_ =	shalt  }
0x61: {  	_ =	shalt  }
0x62: {  	_ =	shalt  }
0x63: {  	_ =	shalt  }
0x64: {  	_ =	shalt  }
0x65: {  	_ =	shalt  }
0x66: {  	_ =	shalt  }
0x67: {  	_ =	shalt  }
0x68: {  	_ =	shalt  }
0x69: {  	_ =	shalt  }
0x6a: {  	_ =	shalt  }
0x6b: {  	_ =	shalt  }
0x6c: {  	_ =	shalt  }
0x6d: {  	_ =	shalt  }
0x6e: {  	_ =	shalt  }
0x6f: {  	_ =	shalt  }
0x70: {  	_ =	shalt  }
0x71: {  	_ =	shalt  }
0x72: {  	_ =	shalt  }
0x73: {  	_ =	shalt  }
0x74: {  	_ =	shalt  }
0x75: {  	_ =	shalt  }
0x76: {  	_ =	shalt  }
0x77: {  	_ =	shalt  }
0x78: {  	_ =	shalt  }
0x79: {  	_ =	shalt  }
0x7a: {  	_ =	shalt  }
0x7b: {  	_ =	shalt  }
0x7c: {  	_ =	shalt  }
0x7d: {  	_ =	shalt  }
0x7e: {  	_ =	shalt  }
0x7f: {  	_ =	shalt  }
0x80: {  	_ =	shalt  }
0x81: {  	_ =	shalt  }
0x82: {  	_ =	shalt  }
0x83: {  	_ =	shalt  }
0x84: {  	_ =	shalt  }
0x85: {  	_ =	shalt  }
0x86: {  	_ =	shalt  }
0x87: {  	_ =	shalt  }
.Lfunc_end0:
.L_simem_size_0:
called_computation.1_lowered:
.L_overlay_start_0:
0x88: {  	s2 =	sld [smem:$0x3FD9]  }
0x89: {  	s3 =	sld [smem:$0x3FFE];
	_ =	sdelay $0x1  }
0x8a: {  	s1 =	srdreg.scid  }
0x8b: {  	s0 =	sand.u32 $0x1, s1  }
0x8c: {  	s17 =	sshll.u32 s0, $0xA;
	s2 =	sadd.s32 s3, s2  }
0x8d: {  	s2 =	sadd.s32 s2, s17  }
0x8e: {  	[smem:$0x3FC0] =	sst s2  }
0x8f: {  	_ = 	snop  }
0x90: {  	s2 =	sld [smem:$0x3FD0];
	(tm) =	ssettm $0x1  }
0x91: {  	s18 =	sld [smem:$0x3FFB];
	_ =	sdelay $0x3  }
0x92: {  	_ =	strace s18  }
0x93: {  	s3 =	sld [smem:$0x3FFC];
	_ =	sdelay $0x3  }
0x94: {  	_ =	strace s3  }
0x95: {  	s3 =	sld [smem:$0x3FFD];
	_ =	sdelay $0x3  }
0x96: {  	_ =	strace s3  }
0x97: {  	_ =	strace $0x8FFFFFFF  }
0x98: {  	s19 =	sld [smem:$0x3FDB];
	_ =	sdelay $0x1  }
0x99: {  	s4 =	simm.s32 $_scs_section_size  }
0x9a: {  	s5 =	simm.s32 $_size__tile_overlayer_lowered;
	s6 =	simm.s32 $_tile_overlayer_lowered  }
0x9b: {  	s22 =	simm.s32 $0x1BFF;
	s21 =	sshll.u32 s6, $0x1;
	s3 =	sadd.s32 s4, s19  }
0x9c: {  	s7 =	simm.s32 $0x0;
	s20 =	sshll.u32 s5, $0x1;
	s5 =	sadd.s32 s21, s3  }
0x9d: {  	[timem:s7], [sflag:s22] =	dma.local [hbm:s5], s20  }
0x9e: {  	_ =	swait.ge [sflag:s22], s20  }
0x9f: {  	s4 =	ssub.s32 $0x0, s20;
	[sflag:s22] =	ssyncset.done $0x0  }
0xa0: {  	[sflag:s22] =	ssyncadd.s32 s4;
	_ =	sdelay $0x1  }
0xa1: {  	s23 =	simm.s32 $0x1B8B  }
0xa2: {  	_ =	swait.ge [sflag:s23], $0x1  }
0xa3: {  	[sflag:s23] =	ssyncset.done $0x0  }
0xa4: {  	s25 =	simm.s32 $0x1B8E;
	s24 =	sld [smem:$0x3FFE];
	[sflag:s23] =	ssyncadd.s32 $0xFFFFFFFF  }
0xa5: {  	s26 =	simm.s32 $execute0_lowered;
	[smem:$0x3FD2] =	sst s25  }
0xa6: {  	s5 =	sshll.u32 s26, $0x1;
	_ =	strace $0x80000049;
	[dreg:$0x1] =	wrdreg $0xFFFFFFFF  }
0xa7: {  	s28 =	simm.s32 $_size_execute0_lowered;
	s3 =	sadd.s32 s3, s5;
	[dreg:$0x0] =	wrdreg $0x0  }
0xa8: {  	s5 =	sshll.u32 s28, $0x1;
	[dreg:$0x2] =	wrdreg s3  }
0xa9: {  	[dreg:$0x3] =	wrdreg s5  }
0xaa: {  	[dreg:$0x4] =	wrdreg $0xC0  }
0xab: {  	_ =	task [dreg:s7], $0x5FFFF  }
0xac: {  	[dreg:$0x1] =	wrdreg $0xFFFFFFFF  }
0xad: {  	[dreg:$0x0] =	wrdreg $0x60  }
0xae: {  	[dreg:$0x2] =	wrdreg s24  }
0xaf: {  	[dreg:$0x3] =	wrdreg s2  }
0xb0: {  	[dreg:$0x4] =	wrdreg $0x88000  }
0xb1: {  	[dreg:$0x5] =	wrdreg $0x9  }
0xb2: {  	_ =	task.clear_ibuf [dreg:s7], $0x6FFFF;
	_ =	strace $0x90000049  }
0xb3: {  	s29 =	simm.s32 $0x9;
	_ =	strace $0x8000004B  }
0xb4: {  	_ =	swait.ge [sflag:s29], $0x1  }
0xb5: {  	[sflag:s29] =	ssyncadd.s32 $0xFFFFFFFF  }
0xb6: {  	_ =	strace $0x9000004B  }
0xb7: {  	_ =	sfence  }
0xb8: {  	s30 =	sld [smem:$0x0];
	_ =	sdelay $0x2  }
0xb9: {  	s31 =	sshll.u32 s1, $0xD;
	s1 =	sshrl.u32 s1, $0x2  }
0xba: {  	s3 =	sand.u32 $0x4000, s31;
	s1 =	sadd.s32 s1, s30  }
0xbb: {  	s0 =	sor.u32 s3, s0;
	s1 =	sshll.u32 s1, $0x11  }
0xbc: {  	s0 =	sor.u32 s1, s0  }
0xbd: {  	s0 =	sadd.s32 $0x8F2B, s0  }
0xbe: {  	[sflag:s0] =	ssyncadd.remote.s32 $0x1  }
0xbf: {  	_ =	sfence.sel $0xFFFF  }
0xc0: {  	[dreg:$0x0] =	wrdreg $0xFFFFFFFF;
	(pc) =	sbr.abs _section_cstart, $3  }
0xc1: {  	[dreg:$0x1] =	wrdreg $0xFFFFFFFF  }
0xc2: {  	_ =	task.clear_ibuf [dreg:s7], $0x2FFFF;
	_ =	strace $0x9FFFFFFF  }
0xc3: {  	(tm) =	ssettm $0x7FFFFFFF  }
tec
execute0_lowered:
.L_overlay_start_1:
0x0: {  	(tag) =	ssettag $0x1  }
0x1: {  	s0 =	rddreg [dreg:$0x0]  }
0x2: {  	s1 =	rddreg [dreg:$0x1]  }
0x3: {  	s2 =	rddreg [dreg:$0x2]  }
0x4: {  	s14 =	stileid.u32;
	s4 =	srdreg.scid  }
0x5: {  	s3 =	simm.s32 $0x0;
	s15 =	simm.s32 $0x4800;
	s16 =	simm.s32 $0x1  }
0x6: {  	s17 =	simm.s32 $0x100;
	s18 =	simm.s32 $0x2;
	s19 =	simm.s32 $0x480  }
0x7: {  	s20 =	simm.s32 $0x180;
	s21 =	simm.s32 $0x500;
	s22 =	simm.s32 $0x200  }
0x8: {  	s23 =	simm.s32 $0x580;
	s28 =	simm.s32 $0x300;
	s29 =	simm.s32 $0x680  }
0x9: {  	s30 =	simm.s32 $0x380;
	s31 =	simm.s32 $0x700;
	s5 =	smul.u32 $0xA00, s14  }
0xa: {  	s7 =	smul.u32 $0x2780, s14;
	s10 =	sand.u32 $0x1, s4;
	[smem:$0x7FF] =	sst s3  }
0xb: {  	s4 =	sadd.s32 $0x35200, s0;
	s8 =	smul.u32 $0x4F000, s14;
	s25 =	sshll.u32 s14, $0x6  }
0xc: {  	s14 =	simm.s32 $0x800;
	s6 =	smul.u32 $0x27800, s10;
	_ =	strace $0x8000004A  }
0xd: {  	s12 =	ssub.s32 $0x2, s10;
	p0 =	sne.s32 s10, $0x0;
	s9 =	sadd.s32 s5, s0  }
0xe: {  	s11 =	sadd.s32 s7, s0;
	s24 =	sshrl.u32 s12, $0x1;
	s8 =	sshrl.u32 s8, $0x2  }
0xf: {  	s0 =	sadd.s32 s6, s0;
	s12 =	ssub.s32 s12, s24;
	s13 =	sadd.s32 s8, s2  }
0x10: {  	s24 =	sadd.s32 $0xDA00, s11;
	s6 =	sor.u32 $0x1C03, s25;
	s8 =	sadd.s32 s5, s1  }
0x11: {  	s9 =	sadd.s32 $0x3A00, s9;
	s11 =	simm.s32 $0x3;
	s25 =	simm.s32 $0x280  }
.Ltmp0:
0x12: {  	s1 =	simm.s32 $0x0;
	[dreg:$0x4] =	wrdreg s24;
	(pc) =	sbr.rel .LBB2_1-.Ltmp0, $4  }
0x13: {  	s0 =	sadd.s32 $0x5CA00, s0;
	s26 =	smax.u32 s12, $0x1;
	[dreg:$0x5] =	wrdreg s6  }
0x14: {  	s10 =	sshrl.u32 s13, $0x3;
	s12 =	simm.s32 $0x400;
	[dreg:$0x6] =	wrdreg s26  }
0x15: {  	s13 =	simm.s32 $0x80;
	s7 =	sadd.s32 s7, s0;
	[dreg:$0x7] =	wrdreg s10  }
0x16: {  	s26 =	simm.s32 $0x600;
	s0 =	simm.s32 $0x780;
	[dreg:$0x8] =	wrdreg s7  }
.LBB2_4:
0x17: {  	s6 =	sadd.s32 s5, s9;
	[sflag:s11] =	ssyncadd.s32 $0xFFFFC000  }
0x18: {  	[tilespmem:s3], [sflag:$0x3] =	stream.linear.gather [hbm4b:s6+s3], $0x400, $0x38;
	[tilespmem:$0x1C400] =	vst v63  }
0x19: {  	_ =	swait.ge [sflag:s11], $0x400  }
0x1a: {  	[sflag:s11] =	ssyncset.done $0x0  }
0x1b: {  	s24 =	sadd.s32 s5, s8;
	[sflag:s11] =	ssyncadd.s32 $0xFFFFFC00  }
0x1c: {  	[tilespmem:s12], [sflag:$0x3] =	stream.linear.gather [hbm4b:s24+s3], $0x400, $0x38;
	[tilespmem:$0x1C400] =	vst v63  }
0x1d: {  	_ =	swait.ge [sflag:s11], $0x400  }
0x1e: {  	[sflag:s11] =	ssyncset.done $0x0  }
0x1f: {  	[sflag:s11] =	ssyncadd.s32 $0xFFFFFC00  }
0x20: {  	[tilespmem:s14], [sflag:$0x1] =	stream.indirect.gather [hbm4b:s4+s13], $0x80, s3, s13, $0xb8;
	[tilespmem:$0x1C400] =	vst v63  }
0x21: {  	_ = 	snop  }
0x22: {  	[tilespmem:s15], [sflag:$0x2] =	stream.indirect.gather [hbm4b:s4+s13], $0x80, s13, s13, $0xb8;
	[tilespmem:$0x1C400] =	vst v63  }
0x23: {  	_ =	swait.ge [sflag:s16], $0x4000  }
0x24: {  	[sflag:s16] =	ssyncset.done $0x0  }
0x25: {  	[sflag:s16] =	ssyncadd.s32 $0xFFFFC000  }
0x26: {  	[spmem:s2] =	stream.indirect.scatter.add.f32 [tilespmem:s14], [sflag:$0x3], $0x80, s12, s13, $0xb8;
	[tilespmem:$0x1C400] =	vst v63  }
0x27: {  	_ =	swait.ge [sflag:s11], $0x4000  }
0x28: {  	[sflag:s11] =	ssyncset.done $0x0  }
0x29: {  	[sflag:s11] =	ssyncadd.s32 $0xFFFFC000  }
0x2a: {  	[tilespmem:s14], [sflag:$0x1] =	stream.indirect.gather [hbm4b:s4+s13], $0x80, s17, s13, $0xb8;
	[tilespmem:$0x1C400] =	vst v63  }
0x2b: {  	_ =	swait.ge [sflag:s18], $0x4000  }
0x2c: {  	[sflag:s18] =	ssyncset.done $0x0  }
0x2d: {  	[sflag:s18] =	ssyncadd.s32 $0xFFFFC000  }
0x2e: {  	[spmem:s2] =	stream.indirect.scatter.add.f32 [tilespmem:s15], [sflag:$0x3], $0x80, s19, s13, $0xb8;
	[tilespmem:$0x1C400] =	vst v63  }
0x2f: {  	_ =	swait.ge [sflag:s11], $0x4000  }
0x30: {  	[sflag:s11] =	ssyncset.done $0x0  }
0x31: {  	[sflag:s11] =	ssyncadd.s32 $0xFFFFC000  }
0x32: {  	[tilespmem:s15], [sflag:$0x2] =	stream.indirect.gather [hbm4b:s4+s13], $0x80, s20, s13, $0xb8;
	[tilespmem:$0x1C400] =	vst v63  }
0x33: {  	_ =	swait.ge [sflag:s16], $0x4000  }
0x34: {  	[sflag:s16] =	ssyncset.done $0x0  }
0x35: {  	[sflag:s16] =	ssyncadd.s32 $0xFFFFC000  }
0x36: {  	[spmem:s2] =	stream.indirect.scatter.add.f32 [tilespmem:s14], [sflag:$0x3], $0x80, s21, s13, $0xb8;
	[tilespmem:$0x1C400] =	vst v63  }
0x37: {  	_ =	swait.ge [sflag:s11], $0x4000  }
0x38: {  	[sflag:s11] =	ssyncset.done $0x0  }
0x39: {  	[sflag:s11] =	ssyncadd.s32 $0xFFFFC000  }
0x3a: {  	[tilespmem:s14], [sflag:$0x1] =	stream.indirect.gather [hbm4b:s4+s13], $0x80, s22, s13, $0xb8;
	[tilespmem:$0x1C400] =	vst v63  }
0x3b: {  	_ =	swait.ge [sflag:s18], $0x4000  }
0x3c: {  	[sflag:s18] =	ssyncset.done $0x0  }
0x3d: {  	[sflag:s18] =	ssyncadd.s32 $0xFFFFC000  }
0x3e: {  	[spmem:s2] =	stream.indirect.scatter.add.f32 [tilespmem:s15], [sflag:$0x3], $0x80, s23, s13, $0xb8;
	[tilespmem:$0x1C400] =	vst v63  }
0x3f: {  	_ =	swait.ge [sflag:s11], $0x4000  }
0x40: {  	[sflag:s11] =	ssyncset.done $0x0  }
0x41: {  	[sflag:s11] =	ssyncadd.s32 $0xFFFFC000  }
0x42: {  	[tilespmem:s15], [sflag:$0x2] =	stream.indirect.gather [hbm4b:s4+s13], $0x80, s25, s13, $0xb8;
	[tilespmem:$0x1C400] =	vst v63  }
0x43: {  	_ =	swait.ge [sflag:s16], $0x4000  }
0x44: {  	[sflag:s16] =	ssyncset.done $0x0  }
0x45: {  	[sflag:s16] =	ssyncadd.s32 $0xFFFFC000  }
0x46: {  	[spmem:s2] =	stream.indirect.scatter.add.f32 [tilespmem:s14], [sflag:$0x3], $0x80, s26, s13, $0xb8;
	[tilespmem:$0x1C400] =	vst v63  }
0x47: {  	_ =	swait.ge [sflag:s11], $0x4000  }
0x48: {  	[sflag:s11] =	ssyncset.done $0x0  }
0x49: {  	[sflag:s11] =	ssyncadd.s32 $0xFFFFC000  }
0x4a: {  	[tilespmem:s14], [sflag:$0x1] =	stream.indirect.gather [hbm4b:s4+s13], $0x80, s28, s13, $0xb8;
	[tilespmem:$0x1C400] =	vst v63  }
0x4b: {  	_ =	swait.ge [sflag:s18], $0x4000  }
0x4c: {  	[sflag:s18] =	ssyncset.done $0x0  }
0x4d: {  	[sflag:s18] =	ssyncadd.s32 $0xFFFFC000  }
0x4e: {  	[spmem:s2] =	stream.indirect.scatter.add.f32 [tilespmem:s15], [sflag:$0x3], $0x80, s29, s13, $0xb8;
	[tilespmem:$0x1C400] =	vst v63  }
0x4f: {  	_ =	swait.ge [sflag:s11], $0x4000  }
0x50: {  	[sflag:s11] =	ssyncset.done $0x0  }
0x51: {  	[sflag:s11] =	ssyncadd.s32 $0xFFFFC000  }
0x52: {  	[tilespmem:s15], [sflag:$0x2] =	stream.indirect.gather [hbm4b:s4+s13], $0x80, s30, s13, $0xb8;
	[tilespmem:$0x1C400] =	vst v63  }
0x53: {  	_ =	swait.ge [sflag:s16], $0x4000  }
0x54: {  	[sflag:s16] =	ssyncset.done $0x0  }
0x55: {  	[sflag:s16] =	ssyncadd.s32 $0xFFFFC000  }
0x56: {  	[spmem:s2] =	stream.indirect.scatter.add.f32 [tilespmem:s14], [sflag:$0x3], $0x80, s31, s13, $0xb8;
	[tilespmem:$0x1C400] =	vst v63  }
0x57: {  	_ =	swait.ge [sflag:s11], $0x4000  }
0x58: {  	[sflag:s11] =	ssyncset.done $0x0  }
0x59: {  	[sflag:s11] =	ssyncadd.s32 $0xFFFFC000  }
0x5a: {  	_ =	swait.ge [sflag:s18], $0x4000  }
0x5b: {  	[sflag:s18] =	ssyncset.done $0x0  }
0x5c: {  	[sflag:s18] =	ssyncadd.s32 $0xFFFFC000  }
0x5d: {  	[spmem:s2] =	stream.indirect.scatter.add.f32 [tilespmem:s15], [sflag:$0x3], $0x80, s0, s13, $0xb8;
	[tilespmem:$0x1C400] =	vst v63  }
0x5e: {  	_ =	swait.ge [sflag:s11], $0x4000  }
0x5f: {  	s24 =	rddreg [dreg:$0x4]  }
0x60: {  	s6 =	rddreg [dreg:$0x5]  }
0x61: {  	[sflag:s11] =	ssyncset.done $0x0;
	s10 =	rddreg [dreg:$0x7]  }
0x62: {  	s7 =	rddreg [dreg:$0x8];
	[sflag:s11] =	ssyncadd.s32 $0xFFFFC000  }
.LBB2_5:
0x63: {  	[bflag:$0x0] =	sbarrier.arrive $0xFFFF  }
0x64: {  	[hbm:s7], [sflag:s6] =	dma.local [spmem:s10], $0x2780  }
0x65: {  	_ =	swait.ge [sflag:s11], $0x2780  }
0x66: {  	s1 =	sadd.s32 $0x1, s1;
	s5 =	rddreg [dreg:$0x6]  }
0x67: {  	p1 =	sne.s32 s1, s5  }
.Ltmp1:
0x68: {  	_ = 	snop;
	(pc) =	sbr.rel @!p1 .LBB2_6-.Ltmp1, $3  }
0x69: {  	_ =	sdelay $0x1  }
0x6a: {  	[sflag:s11] =	ssyncset.done $0x0  }
0x6b: {  	[sflag:s11] =	ssyncadd.s32 $0xFFFFD880  }
.LBB2_1:
0x6c: {  	[spmem:s10], [sflag:s6] =	dma.local [hbm:s24], $0x2780  }
.Ltmp2:
0x6d: {  	_ =	swait.ge [sflag:s11], $0x2780;
	(pc) =	sbr.rel @p0 .LBB2_5-.Ltmp2, $3  }
0x6e: {  	[sflag:s11] =	ssyncset.done $0x0  }
0x6f: {  	[sflag:s11] =	ssyncadd.s32 $0xFFFFD880  }
0x70: {  	[bflag:$0x0] =	sbarrier.arrive $0xFFFF;
	_ =	sdelay $0x1  }
0x71: {  	s5 =	sadd.s32 $0x0, s9  }
0x72: {  	[tilespmem:s3], [sflag:$0x3] =	stream.linear.gather [hbm4b:s5+s3], $0x400, $0x38;
	[tilespmem:$0x1C400] =	vst v63  }
0x73: {  	_ =	swait.ge [sflag:s11], $0x400  }
0x74: {  	[sflag:s11] =	ssyncset.done $0x0  }
0x75: {  	s24 =	sadd.s32 $0x0, s8;
	[sflag:s11] =	ssyncadd.s32 $0xFFFFFC00  }
0x76: {  	[tilespmem:s12], [sflag:$0x3] =	stream.linear.gather [hbm4b:s24+s3], $0x400, $0x38;
	[tilespmem:$0x1C400] =	vst v63  }
0x77: {  	_ =	swait.ge [sflag:s11], $0x400  }
0x78: {  	[sflag:s11] =	ssyncset.done $0x0  }
0x79: {  	[sflag:s11] =	ssyncadd.s32 $0xFFFFFC00  }
0x7a: {  	[tilespmem:s14], [sflag:$0x1] =	stream.indirect.gather [hbm4b:s4+s13], $0x80, s3, s13, $0xb8;
	[tilespmem:$0x1C400] =	vst v63  }
0x7b: {  	_ = 	snop  }
0x7c: {  	[tilespmem:s15], [sflag:$0x2] =	stream.indirect.gather [hbm4b:s4+s13], $0x80, s13, s13, $0xb8;
	[tilespmem:$0x1C400] =	vst v63  }
0x7d: {  	_ =	swait.ge [sflag:s16], $0x4000  }
0x7e: {  	[sflag:s16] =	ssyncset.done $0x0  }
0x7f: {  	[sflag:s16] =	ssyncadd.s32 $0xFFFFC000  }
0x80: {  	[spmem:s2] =	stream.indirect.scatter.add.f32 [tilespmem:s14], [sflag:$0x3], $0x80, s12, s13, $0xb8;
	[tilespmem:$0x1C400] =	vst v63  }
0x81: {  	_ =	swait.ge [sflag:s11], $0x4000  }
0x82: {  	[sflag:s11] =	ssyncset.done $0x0  }
0x83: {  	[sflag:s11] =	ssyncadd.s32 $0xFFFFC000  }
0x84: {  	[tilespmem:s14], [sflag:$0x1] =	stream.indirect.gather [hbm4b:s4+s13], $0x80, s17, s13, $0xb8;
	[tilespmem:$0x1C400] =	vst v63  }
0x85: {  	_ =	swait.ge [sflag:s18], $0x4000  }
0x86: {  	[sflag:s18] =	ssyncset.done $0x0  }
0x87: {  	[sflag:s18] =	ssyncadd.s32 $0xFFFFC000  }
0x88: {  	[spmem:s2] =	stream.indirect.scatter.add.f32 [tilespmem:s15], [sflag:$0x3], $0x80, s19, s13, $0xb8;
	[tilespmem:$0x1C400] =	vst v63  }
0x89: {  	_ =	swait.ge [sflag:s11], $0x4000  }
0x8a: {  	[sflag:s11] =	ssyncset.done $0x0  }
0x8b: {  	[sflag:s11] =	ssyncadd.s32 $0xFFFFC000  }
0x8c: {  	[tilespmem:s15], [sflag:$0x2] =	stream.indirect.gather [hbm4b:s4+s13], $0x80, s20, s13, $0xb8;
	[tilespmem:$0x1C400] =	vst v63  }
0x8d: {  	_ =	swait.ge [sflag:s16], $0x4000  }
0x8e: {  	[sflag:s16] =	ssyncset.done $0x0  }
0x8f: {  	[sflag:s16] =	ssyncadd.s32 $0xFFFFC000  }
0x90: {  	[spmem:s2] =	stream.indirect.scatter.add.f32 [tilespmem:s14], [sflag:$0x3], $0x80, s21, s13, $0xb8;
	[tilespmem:$0x1C400] =	vst v63  }
0x91: {  	_ =	swait.ge [sflag:s11], $0x4000  }
0x92: {  	[sflag:s11] =	ssyncset.done $0x0  }
0x93: {  	[sflag:s11] =	ssyncadd.s32 $0xFFFFC000  }
0x94: {  	[tilespmem:s14], [sflag:$0x1] =	stream.indirect.gather [hbm4b:s4+s13], $0x80, s22, s13, $0xb8;
	[tilespmem:$0x1C400] =	vst v63  }
0x95: {  	_ =	swait.ge [sflag:s18], $0x4000  }
0x96: {  	[sflag:s18] =	ssyncset.done $0x0  }
0x97: {  	[sflag:s18] =	ssyncadd.s32 $0xFFFFC000  }
0x98: {  	[spmem:s2] =	stream.indirect.scatter.add.f32 [tilespmem:s15], [sflag:$0x3], $0x80, s23, s13, $0xb8;
	[tilespmem:$0x1C400] =	vst v63  }
0x99: {  	_ =	swait.ge [sflag:s11], $0x4000  }
0x9a: {  	[sflag:s11] =	ssyncset.done $0x0  }
0x9b: {  	[sflag:s11] =	ssyncadd.s32 $0xFFFFC000  }
0x9c: {  	[tilespmem:s15], [sflag:$0x2] =	stream.indirect.gather [hbm4b:s4+s13], $0x80, s25, s13, $0xb8;
	[tilespmem:$0x1C400] =	vst v63  }
0x9d: {  	_ =	swait.ge [sflag:s16], $0x4000  }
0x9e: {  	[sflag:s16] =	ssyncset.done $0x0  }
0x9f: {  	[sflag:s16] =	ssyncadd.s32 $0xFFFFC000  }
0xa0: {  	[spmem:s2] =	stream.indirect.scatter.add.f32 [tilespmem:s14], [sflag:$0x3], $0x80, s26, s13, $0xb8;
	[tilespmem:$0x1C400] =	vst v63  }
0xa1: {  	_ =	swait.ge [sflag:s11], $0x4000  }
0xa2: {  	[sflag:s11] =	ssyncset.done $0x0  }
0xa3: {  	[sflag:s11] =	ssyncadd.s32 $0xFFFFC000  }
0xa4: {  	[tilespmem:s14], [sflag:$0x1] =	stream.indirect.gather [hbm4b:s4+s13], $0x80, s28, s13, $0xb8;
	[tilespmem:$0x1C400] =	vst v63  }
0xa5: {  	_ =	swait.ge [sflag:s18], $0x4000  }
0xa6: {  	[sflag:s18] =	ssyncset.done $0x0  }
0xa7: {  	[sflag:s18] =	ssyncadd.s32 $0xFFFFC000  }
0xa8: {  	[spmem:s2] =	stream.indirect.scatter.add.f32 [tilespmem:s15], [sflag:$0x3], $0x80, s29, s13, $0xb8;
	[tilespmem:$0x1C400] =	vst v63  }
0xa9: {  	_ =	swait.ge [sflag:s11], $0x4000  }
0xaa: {  	[sflag:s11] =	ssyncset.done $0x0  }
0xab: {  	[sflag:s11] =	ssyncadd.s32 $0xFFFFC000  }
0xac: {  	[tilespmem:s15], [sflag:$0x2] =	stream.indirect.gather [hbm4b:s4+s13], $0x80, s30, s13, $0xb8;
	[tilespmem:$0x1C400] =	vst v63  }
0xad: {  	_ =	swait.ge [sflag:s16], $0x4000  }
0xae: {  	[sflag:s16] =	ssyncset.done $0x0  }
0xaf: {  	[sflag:s16] =	ssyncadd.s32 $0xFFFFC000  }
0xb0: {  	[spmem:s2] =	stream.indirect.scatter.add.f32 [tilespmem:s14], [sflag:$0x3], $0x80, s31, s13, $0xb8;
	[tilespmem:$0x1C400] =	vst v63  }
0xb1: {  	_ =	swait.ge [sflag:s11], $0x4000  }
0xb2: {  	[sflag:s11] =	ssyncset.done $0x0  }
0xb3: {  	[sflag:s11] =	ssyncadd.s32 $0xFFFFC000  }
0xb4: {  	_ =	swait.ge [sflag:s18], $0x4000  }
0xb5: {  	[sflag:s18] =	ssyncset.done $0x0  }
0xb6: {  	[sflag:s18] =	ssyncadd.s32 $0xFFFFC000  }
0xb7: {  	[spmem:s2] =	stream.indirect.scatter.add.f32 [tilespmem:s15], [sflag:$0x3], $0x80, s0, s13, $0xb8;
	[tilespmem:$0x1C400] =	vst v63  }
0xb8: {  	_ =	swait.ge [sflag:s11], $0x4000  }
0xb9: {  	s7 =	simm.s32 $0x100;
	s5 =	simm.s32 $0x80;
	[sflag:s11] =	ssyncset.done $0x0  }
.LBB2_3:
0xba: {  	s6 =	sadd.s32 s5, s9  }
0xbb: {  	[sflag:s11] =	ssyncadd.s32 $0xFFFFC000;
	s10 =	smov.u32 s7;
	s24 =	sadd.s32 $0x80, s7  }
0xbc: {  	[tilespmem:s3], [sflag:$0x3] =	stream.linear.gather [hbm4b:s6+s3], $0x400, $0x38;
	[tilespmem:$0x1C400] =	vst v63  }
0xbd: {  	p1 =	sne.s32 s7, $0x980;
	_ =	swait.ge [sflag:s11], $0x400  }
0xbe: {  	[sflag:s11] =	ssyncset.done $0x0  }
0xbf: {  	s6 =	sadd.s32 s5, s8;
	s5 =	smov.u32 s10;
	[sflag:s11] =	ssyncadd.s32 $0xFFFFFC00  }
0xc0: {  	[tilespmem:s12], [sflag:$0x3] =	stream.linear.gather [hbm4b:s6+s3], $0x400, $0x38;
	[tilespmem:$0x1C400] =	vst v63  }
0xc1: {  	_ =	swait.ge [sflag:s11], $0x400  }
0xc2: {  	[sflag:s11] =	ssyncset.done $0x0  }
0xc3: {  	[sflag:s11] =	ssyncadd.s32 $0xFFFFFC00  }
0xc4: {  	[tilespmem:s14], [sflag:$0x1] =	stream.indirect.gather [hbm4b:s4+s13], $0x80, s3, s13, $0xb8;
	[tilespmem:$0x1C400] =	vst v63  }
0xc5: {  	_ = 	snop  }
0xc6: {  	[tilespmem:s15], [sflag:$0x2] =	stream.indirect.gather [hbm4b:s4+s13], $0x80, s13, s13, $0xb8;
	[tilespmem:$0x1C400] =	vst v63  }
0xc7: {  	_ =	swait.ge [sflag:s16], $0x4000  }
0xc8: {  	[sflag:s16] =	ssyncset.done $0x0  }
0xc9: {  	[sflag:s16] =	ssyncadd.s32 $0xFFFFC000  }
0xca: {  	[spmem:s2] =	stream.indirect.scatter.add.f32 [tilespmem:s14], [sflag:$0x3], $0x80, s12, s13, $0xb8;
	[tilespmem:$0x1C400] =	vst v63  }
0xcb: {  	_ =	swait.ge [sflag:s11], $0x4000  }
0xcc: {  	[sflag:s11] =	ssyncset.done $0x0  }
0xcd: {  	[sflag:s11] =	ssyncadd.s32 $0xFFFFC000  }
0xce: {  	[tilespmem:s14], [sflag:$0x1] =	stream.indirect.gather [hbm4b:s4+s13], $0x80, s17, s13, $0xb8;
	[tilespmem:$0x1C400] =	vst v63  }
0xcf: {  	_ =	swait.ge [sflag:s18], $0x4000  }
0xd0: {  	[sflag:s18] =	ssyncset.done $0x0  }
0xd1: {  	[sflag:s18] =	ssyncadd.s32 $0xFFFFC000  }
0xd2: {  	[spmem:s2] =	stream.indirect.scatter.add.f32 [tilespmem:s15], [sflag:$0x3], $0x80, s19, s13, $0xb8;
	[tilespmem:$0x1C400] =	vst v63  }
0xd3: {  	_ =	swait.ge [sflag:s11], $0x4000  }
0xd4: {  	[sflag:s11] =	ssyncset.done $0x0  }
0xd5: {  	[sflag:s11] =	ssyncadd.s32 $0xFFFFC000  }
0xd6: {  	[tilespmem:s15], [sflag:$0x2] =	stream.indirect.gather [hbm4b:s4+s13], $0x80, s20, s13, $0xb8;
	[tilespmem:$0x1C400] =	vst v63  }
0xd7: {  	_ =	swait.ge [sflag:s16], $0x4000  }
0xd8: {  	[sflag:s16] =	ssyncset.done $0x0  }
0xd9: {  	[sflag:s16] =	ssyncadd.s32 $0xFFFFC000  }
0xda: {  	[spmem:s2] =	stream.indirect.scatter.add.f32 [tilespmem:s14], [sflag:$0x3], $0x80, s21, s13, $0xb8;
	[tilespmem:$0x1C400] =	vst v63  }
0xdb: {  	_ =	swait.ge [sflag:s11], $0x4000  }
0xdc: {  	[sflag:s11] =	ssyncset.done $0x0  }
0xdd: {  	[sflag:s11] =	ssyncadd.s32 $0xFFFFC000  }
0xde: {  	[tilespmem:s14], [sflag:$0x1] =	stream.indirect.gather [hbm4b:s4+s13], $0x80, s22, s13, $0xb8;
	[tilespmem:$0x1C400] =	vst v63  }
0xdf: {  	_ =	swait.ge [sflag:s18], $0x4000  }
0xe0: {  	[sflag:s18] =	ssyncset.done $0x0  }
0xe1: {  	[sflag:s18] =	ssyncadd.s32 $0xFFFFC000  }
0xe2: {  	[spmem:s2] =	stream.indirect.scatter.add.f32 [tilespmem:s15], [sflag:$0x3], $0x80, s23, s13, $0xb8;
	[tilespmem:$0x1C400] =	vst v63  }
0xe3: {  	_ =	swait.ge [sflag:s11], $0x4000  }
0xe4: {  	[sflag:s11] =	ssyncset.done $0x0  }
0xe5: {  	[sflag:s11] =	ssyncadd.s32 $0xFFFFC000  }
0xe6: {  	[tilespmem:s15], [sflag:$0x2] =	stream.indirect.gather [hbm4b:s4+s13], $0x80, s25, s13, $0xb8;
	[tilespmem:$0x1C400] =	vst v63  }
0xe7: {  	_ =	swait.ge [sflag:s16], $0x4000  }
0xe8: {  	[sflag:s16] =	ssyncset.done $0x0  }
0xe9: {  	[sflag:s16] =	ssyncadd.s32 $0xFFFFC000  }
0xea: {  	[spmem:s2] =	stream.indirect.scatter.add.f32 [tilespmem:s14], [sflag:$0x3], $0x80, s26, s13, $0xb8;
	[tilespmem:$0x1C400] =	vst v63  }
0xeb: {  	_ =	swait.ge [sflag:s11], $0x4000  }
0xec: {  	[sflag:s11] =	ssyncset.done $0x0  }
0xed: {  	[sflag:s11] =	ssyncadd.s32 $0xFFFFC000  }
0xee: {  	[tilespmem:s14], [sflag:$0x1] =	stream.indirect.gather [hbm4b:s4+s13], $0x80, s28, s13, $0xb8;
	[tilespmem:$0x1C400] =	vst v63  }
0xef: {  	_ =	swait.ge [sflag:s18], $0x4000  }
0xf0: {  	[sflag:s18] =	ssyncset.done $0x0  }
0xf1: {  	[sflag:s18] =	ssyncadd.s32 $0xFFFFC000  }
0xf2: {  	[spmem:s2] =	stream.indirect.scatter.add.f32 [tilespmem:s15], [sflag:$0x3], $0x80, s29, s13, $0xb8;
	[tilespmem:$0x1C400] =	vst v63  }
0xf3: {  	_ =	swait.ge [sflag:s11], $0x4000  }
0xf4: {  	[sflag:s11] =	ssyncset.done $0x0  }
0xf5: {  	[sflag:s11] =	ssyncadd.s32 $0xFFFFC000  }
0xf6: {  	[tilespmem:s15], [sflag:$0x2] =	stream.indirect.gather [hbm4b:s4+s13], $0x80, s30, s13, $0xb8;
	[tilespmem:$0x1C400] =	vst v63  }
0xf7: {  	_ =	swait.ge [sflag:s16], $0x4000  }
0xf8: {  	[sflag:s16] =	ssyncset.done $0x0  }
0xf9: {  	[sflag:s16] =	ssyncadd.s32 $0xFFFFC000  }
0xfa: {  	[spmem:s2] =	stream.indirect.scatter.add.f32 [tilespmem:s14], [sflag:$0x3], $0x80, s31, s13, $0xb8;
	[tilespmem:$0x1C400] =	vst v63  }
0xfb: {  	_ =	swait.ge [sflag:s11], $0x4000  }
0xfc: {  	[sflag:s11] =	ssyncset.done $0x0  }
0xfd: {  	[sflag:s11] =	ssyncadd.s32 $0xFFFFC000  }
0xfe: {  	_ =	swait.ge [sflag:s18], $0x4000  }
.Ltmp3:
0xff: {  	[sflag:s18] =	ssyncset.done $0x0;
	(pc) =	sbr.rel @p1 .LBB2_3-.Ltmp3, $4  }
0x100: {  	[sflag:s18] =	ssyncadd.s32 $0xFFFFC000  }
0x101: {  	[spmem:s2] =	stream.indirect.scatter.add.f32 [tilespmem:s15], [sflag:$0x3], $0x80, s0, s13, $0xb8;
	[tilespmem:$0x1C400] =	vst v63  }
0x102: {  	_ =	swait.ge [sflag:s11], $0x4000  }
0x103: {  	s7 =	smov.u32 s24;
	[sflag:s11] =	ssyncset.done $0x0  }
.Ltmp4:
0x104: {  	_ = 	snop;
	(pc) =	sbr.rel .LBB2_4-.Ltmp4, $1  }
0x105: {  	_ =	sdelay $0x3  }
.LBB2_6:
0x106: {  	_ =	sfence.sel $0x180000  }
0x107: {  	[bflag:$0x0] =	sbarrier.arrive $0xFFFF  }
0x108: {  	_ =	strace $0x9000004A  }
0x109: {  	s0 =	stileid.u32;
	[bflag:$0x2] =	sbarrier.arrive $0xFFFF  }
0x10a: {  	p0 =	sne.s32 s0, $0x0;
	s0 =	rddreg [dreg:$0x3]  }
0x10b: {  	s0 =	sadd.s32 @!p0 $0x100000, s0  }
0x10c: {  	[sflag:s0] =	ssyncadd.tile.s32 @!p0 $0x1;
	_ =	shalt  }
.Lfunc_end2:
_tile_overlayer_lowered:
.L_overlay_start_2:
0x10d: {  	(tag) =	ssettag $0x2  }
0x10e: {  	s0 =	rddreg [dreg:$0x0];
	s2 =	stileid.u32  }
0x10f: {  	s1 =	rddreg [dreg:$0x1];
	p0 =	sne.s32 s2, $0x0  }
0x110: {  	s3 =	rddreg [dreg:$0x2];
	[bflag:$0x3] =	sbarrier.arrive $0xFFFF;
	s2 =	simm.s32 @!p0 $0x1C03  }
0x111: {  	[timem:s3], [sflag:s2] =	dma.local @!p0 [hbm:s0], s1  }
0x112: {  	s0 =	simm.s32 @!p0 $0x3  }
0x113: {  	_ =	swait.ge @!p0 [sflag:s0], s1  }
0x114: {  	s1 =	ssub.s32 @!p0 $0x0, s1;
	[sflag:s0] =	ssyncset.done @!p0 $0x0  }
0x115: {  	[sflag:s0] =	ssyncadd.s32 @!p0 s1  }
0x116: {  	[bflag:$0x3] =	sbarrier.arrive $0xFFFF  }
0x117: {  	_ =	shalt  }

// kernel: kernel.17.cloned.1.call-start
scs
__scs_entry_jumppad:
0x0: {  	(pc) =	sbr.rel $0x88, $3  }
0x1: {  	(tag) =	ssettag $0x0;
	lr =	simm.s32 $0x1  }
0x2: {  	[smem:$0x3F99] =	sst lr;
	_ =	strace $0xD0000000  }
0x3: {  	_ = 	snop  }
0x4: {  	_ = 	snop  }
0x5: {  	_ = 	snop  }
0x6: {  	_ = 	snop  }
0x7: {  	_ = 	snop  }
__scs_overlays_trampoline_lowered:
0x8: {  	[smem:$0x3FA8] =	sst s0  }
0x9: {  	[smem:$0x3FA9] =	sst s1  }
0xa: {  	[smem:$0x3FAA] =	sst s2  }
0xb: {  	[smem:$0x3FAB] =	sst s3  }
0xc: {  	[smem:$0x3FAC] =	sst s4  }
0xd: {  	[smem:$0x3FAD] =	sst s5  }
0xe: {  	[smem:$0x3FAE] =	sst s6  }
0xf: {  	[smem:$0x3FAF] =	sst s7  }
0x10: {  	[smem:$0x3FB0] =	sst s8  }
0x11: {  	[smem:$0x3FB1] =	sst s9;
	s0 =	simm.s32 @!p0 $0x0  }
0x12: {  	s1 =	sld [smem:$0x3F97];
	s0 =	simm.s32 @p0 $0x1  }
0x13: {  	[smem:$0x3FB2] =	sst s0;
	s0 =	simm.s32 @!p1 $0x0  }
0x14: {  	s2 =	sld [smem:$0x3F96];
	s0 =	simm.s32 @p1 $0x1  }
0x15: {  	[smem:$0x3FB3] =	sst s0;
	s0 =	simm.s32 @!p2 $0x0  }
0x16: {  	s3 =	sld [smem:$0x3FDB];
	s0 =	simm.s32 @p2 $0x1  }
0x17: {  	s4 =	simm.s32 $0x1BF5;
	[smem:$0x3FB5] =	sst s0  }
0x18: {  	s0 =	sld [smem:$0x3F98];
	_ =	swait.ge [sflag:s4], $0x0  }
0x19: {  	s7 =	sld [smem:$0x3F99]  }
0x1a: {  	s8 =	sadd.s32 $0xFFFFE003, lr  }
0x1b: {  	s9 =	sadd.s32 $0xFFFFFEF7, lr;
	s5 =	simm.s32 $0xFFFFFFFF;
	p2 =	slt.u32 s8, $0xFFFFF086  }
0x1c: {  	p1 =	slt.u32 s9, $0xF7A;
	s5 =	simm.s32 @!p2 $0x0  }
0x1d: {  	s5 =	simm.s32 @p1 $0x1;
	p0 =	seq.s32 s7, s2  }
0x1e: {  	s7 =	smul.u32 @!p0 $0xF7A, s2;
	p2 =	seq.s32 @!p0 s5, $0x0  }
0x1f: {  	s9 =	smul.u32 $0xF7A, s1;
	s8 =	simm.s32 @!p0 $0x1BF5;
	p2 =	por !p2, p0  }
0x20: {  	[sflag:s8] =	ssyncset.s32 @!p0 $0xFFFFF086;
	s6 =	sadd.s32 @!p0 s3, s7;
	s7 =	simm.s32 @!p0 $0x108  }
0x21: {  	s3 =	sadd.s32 s3, s9;
	s6 =	sadd.s32 @!p0 $0x88, s6;
	s7 =	simm.s32 @p2 $0x1082  }
0x22: {  	[simem:s7], [sflag:s8] =	dma.local @!p0 [hbm:s6], $0xF7A  }
0x23: {  	s9 =	sor.u32 $0xD0000000, s2;
	s6 =	simm.s32 $0x108;
	_ =	swait.ge @!p0 [sflag:s8], $0x0  }
0x24: {  	s3 =	sadd.s32 $0x88, s3;
	s6 =	simm.s32 @!p1 $0x1082;
	[sflag:s4] =	ssyncset.s32 $0xFFFFF086  }
0x25: {  	[simem:s6], [sflag:s4] =	dma.local [hbm:s3], $0xF7A  }
0x26: {  	[smem:$0x3F99] =	sst s1;
	(tag) =	ssettag s2;
	_ =	strace s9  }
0x27: {  	s1 =	sld [smem:$0x3FA9]  }
0x28: {  	s2 =	sld [smem:$0x3FAA]  }
0x29: {  	s4 =	sld [smem:$0x3FAC]  }
0x2a: {  	p0 =	seq.s32 s5, $0x0;
	s5 =	sld [smem:$0x3FAD]  }
0x2b: {  	s6 =	sld [smem:$0x3FAE]  }
0x2c: {  	s7 =	sld [smem:$0x3FAF]  }
0x2d: {  	s3 =	simm.s32 $0x108;
	s8 =	sld [smem:$0x3FB0]  }
0x2e: {  	s3 =	simm.s32 @!p0 $0x1082;
	s9 =	sld [smem:$0x3FB1]  }
0x2f: {  	lr =	sadd.s32 s0, s3;
	s0 =	sld [smem:$0x3FA8]  }
0x30: {  	s3 =	sld [smem:$0x3FAB]  }
0x31: {  	[smem:$0x3FB4] =	sst s10  }
0x32: {  	s10 =	sld [smem:$0x3FB2];
	_ =	sdelay $0x3  }
0x33: {  	p0 =	seq.s32 s10, $0x1;
	s10 =	sld [smem:$0x3FB4];
	_ =	sdelay $0x3  }
0x34: {  	[smem:$0x3FB4] =	sst s10  }
0x35: {  	s10 =	sld [smem:$0x3FB3];
	_ =	sdelay $0x3  }
0x36: {  	p1 =	seq.s32 s10, $0x1;
	s10 =	sld [smem:$0x3FB4];
	_ =	sdelay $0x3  }
0x37: {  	[smem:$0x3FB4] =	sst s10  }
0x38: {  	s10 =	sld [smem:$0x3FB5]  }
0x39: {  	_ = 	snop;
	(pc) =	sbr.ind lr, $3  }
0x3a: {  	_ = 	snop  }
0x3b: {  	_ = 	snop  }
0x3c: {  	p2 =	seq.s32 s10, $0x1;
	s10 =	sld [smem:$0x3FB4]  }
0x3d: {  	_ =	shalt  }
0x3e: {  	_ =	shalt  }
0x3f: {  	_ =	shalt  }
0x40: {  	_ =	shalt  }
0x41: {  	_ =	shalt  }
0x42: {  	_ =	shalt  }
0x43: {  	_ =	shalt  }
0x44: {  	_ =	shalt  }
0x45: {  	_ =	shalt  }
0x46: {  	_ =	shalt  }
0x47: {  	_ =	shalt  }
0x48: {  	_ =	shalt  }
0x49: {  	_ =	shalt  }
0x4a: {  	_ =	shalt  }
0x4b: {  	_ =	shalt  }
0x4c: {  	_ =	shalt  }
0x4d: {  	_ =	shalt  }
0x4e: {  	_ =	shalt  }
0x4f: {  	_ =	shalt  }
0x50: {  	_ =	shalt  }
0x51: {  	_ =	shalt  }
0x52: {  	_ =	shalt  }
0x53: {  	_ =	shalt  }
0x54: {  	_ =	shalt  }
0x55: {  	_ =	shalt  }
0x56: {  	_ =	shalt  }
0x57: {  	_ =	shalt  }
0x58: {  	_ =	shalt  }
0x59: {  	_ =	shalt  }
0x5a: {  	_ =	shalt  }
0x5b: {  	_ =	shalt  }
0x5c: {  	_ =	shalt  }
0x5d: {  	_ =	shalt  }
0x5e: {  	_ =	shalt  }
0x5f: {  	_ =	shalt  }
0x60: {  	_ =	shalt  }
0x61: {  	_ =	shalt  }
0x62: {  	_ =	shalt  }
0x63: {  	_ =	shalt  }
0x64: {  	_ =	shalt  }
0x65: {  	_ =	shalt  }
0x66: {  	_ =	shalt  }
0x67: {  	_ =	shalt  }
0x68: {  	_ =	shalt  }
0x69: {  	_ =	shalt  }
0x6a: {  	_ =	shalt  }
0x6b: {  	_ =	shalt  }
0x6c: {  	_ =	shalt  }
0x6d: {  	_ =	shalt  }
0x6e: {  	_ =	shalt  }
0x6f: {  	_ =	shalt  }
0x70: {  	_ =	shalt  }
0x71: {  	_ =	shalt  }
0x72: {  	_ =	shalt  }
0x73: {  	_ =	shalt  }
0x74: {  	_ =	shalt  }
0x75: {  	_ =	shalt  }
0x76: {  	_ =	shalt  }
0x77: {  	_ =	shalt  }
0x78: {  	_ =	shalt  }
0x79: {  	_ =	shalt  }
0x7a: {  	_ =	shalt  }
0x7b: {  	_ =	shalt  }
0x7c: {  	_ =	shalt  }
0x7d: {  	_ =	shalt  }
0x7e: {  	_ =	shalt  }
0x7f: {  	_ =	shalt  }
0x80: {  	_ =	shalt  }
0x81: {  	_ =	shalt  }
0x82: {  	_ =	shalt  }
0x83: {  	_ =	shalt  }
0x84: {  	_ =	shalt  }
0x85: {  	_ =	shalt  }
0x86: {  	_ =	shalt  }
0x87: {  	_ =	shalt  }
.Lfunc_end0:
.L_simem_size_0:
called_computation.2_lowered:
.L_overlay_start_0:
0x88: {  	s2 =	sld [smem:$0x3FD9]  }
0x89: {  	s3 =	sld [smem:$0x3FFE];
	_ =	sdelay $0x1  }
0x8a: {  	s1 =	srdreg.scid  }
0x8b: {  	s0 =	sand.u32 $0x1, s1  }
0x8c: {  	s17 =	sshll.u32 s0, $0xA;
	s2 =	sadd.s32 s3, s2  }
0x8d: {  	s2 =	sadd.s32 s2, s17  }
0x8e: {  	[smem:$0x3FC0] =	sst s2  }
0x8f: {  	_ = 	snop  }
0x90: {  	s2 =	sld [smem:$0x3FD0];
	(tm) =	ssettm $0x1  }
0x91: {  	s18 =	sld [smem:$0x3FFB];
	_ =	sdelay $0x3  }
0x92: {  	_ =	strace s18  }
0x93: {  	s3 =	sld [smem:$0x3FFC];
	_ =	sdelay $0x3  }
0x94: {  	_ =	strace s3  }
0x95: {  	s3 =	sld [smem:$0x3FFD];
	_ =	sdelay $0x3  }
0x96: {  	_ =	strace s3  }
0x97: {  	_ =	strace $0x8FFFFFFF  }
0x98: {  	s19 =	sld [smem:$0x3FDB];
	_ =	sdelay $0x1  }
0x99: {  	s4 =	simm.s32 $_scs_section_size  }
0x9a: {  	s5 =	simm.s32 $_size__tile_overlayer_lowered;
	s6 =	simm.s32 $_tile_overlayer_lowered  }
0x9b: {  	s22 =	simm.s32 $0x1BFF;
	s21 =	sshll.u32 s6, $0x1;
	s3 =	sadd.s32 s4, s19  }
0x9c: {  	s7 =	simm.s32 $0x0;
	s20 =	sshll.u32 s5, $0x1;
	s5 =	sadd.s32 s21, s3  }
0x9d: {  	[timem:s7], [sflag:s22] =	dma.local [hbm:s5], s20  }
0x9e: {  	_ =	swait.ge [sflag:s22], s20  }
0x9f: {  	s4 =	ssub.s32 $0x0, s20;
	[sflag:s22] =	ssyncset.done $0x0  }
0xa0: {  	[sflag:s22] =	ssyncadd.s32 s4;
	_ =	sdelay $0x1  }
0xa1: {  	s23 =	simm.s32 $0x1B8B  }
0xa2: {  	_ =	swait.ge [sflag:s23], $0x1  }
0xa3: {  	[sflag:s23] =	ssyncset.done $0x0  }
0xa4: {  	s25 =	simm.s32 $0x1B8E;
	s24 =	sld [smem:$0x3FFE];
	[sflag:s23] =	ssyncadd.s32 $0xFFFFFFFF  }
0xa5: {  	s26 =	simm.s32 $execute0_lowered;
	[smem:$0x3FD2] =	sst s25  }
0xa6: {  	s5 =	sshll.u32 s26, $0x1;
	_ =	strace $0x8000004C;
	[dreg:$0x1] =	wrdreg $0xFFFFFFFF  }
0xa7: {  	s28 =	simm.s32 $_size_execute0_lowered;
	s3 =	sadd.s32 s3, s5;
	[dreg:$0x0] =	wrdreg $0x0  }
0xa8: {  	s5 =	sshll.u32 s28, $0x1;
	[dreg:$0x2] =	wrdreg s3  }
0xa9: {  	[dreg:$0x3] =	wrdreg s5  }
0xaa: {  	[dreg:$0x4] =	wrdreg $0xC0  }
0xab: {  	_ =	task [dreg:s7], $0x5FFFF  }
0xac: {  	[dreg:$0x1] =	wrdreg $0xFFFFFFFF  }
0xad: {  	[dreg:$0x0] =	wrdreg $0x60  }
0xae: {  	[dreg:$0x2] =	wrdreg s24  }
0xaf: {  	[dreg:$0x3] =	wrdreg s2  }
0xb0: {  	[dreg:$0x4] =	wrdreg $0x88000  }
0xb1: {  	[dreg:$0x5] =	wrdreg $0x9  }
0xb2: {  	_ =	task.clear_ibuf [dreg:s7], $0x6FFFF;
	_ =	strace $0x9000004C  }
0xb3: {  	s29 =	simm.s32 $0x9;
	_ =	strace $0x8000004E  }
0xb4: {  	_ =	swait.ge [sflag:s29], $0x1  }
0xb5: {  	[sflag:s29] =	ssyncadd.s32 $0xFFFFFFFF  }
0xb6: {  	_ =	strace $0x9000004E  }
0xb7: {  	_ =	sfence  }
0xb8: {  	s30 =	sld [smem:$0x0];
	_ =	sdelay $0x2  }
0xb9: {  	s31 =	sshll.u32 s1, $0xD;
	s1 =	sshrl.u32 s1, $0x2  }
0xba: {  	s3 =	sand.u32 $0x4000, s31;
	s1 =	sadd.s32 s1, s30  }
0xbb: {  	s0 =	sor.u32 s3, s0;
	s1 =	sshll.u32 s1, $0x11  }
0xbc: {  	s0 =	sor.u32 s1, s0  }
0xbd: {  	s0 =	sadd.s32 $0x8F2B, s0  }
0xbe: {  	[sflag:s0] =	ssyncadd.remote.s32 $0x1  }
0xbf: {  	_ =	sfence.sel $0xFFFF  }
0xc0: {  	[dreg:$0x0] =	wrdreg $0xFFFFFFFF;
	(pc) =	sbr.abs _section_cstart, $3  }
0xc1: {  	[dreg:$0x1] =	wrdreg $0xFFFFFFFF  }
0xc2: {  	_ =	task.clear_ibuf [dreg:s7], $0x2FFFF;
	_ =	strace $0x9FFFFFFF  }
0xc3: {  	(tm) =	ssettm $0x7FFFFFFF  }
tec
execute0_lowered:
.L_overlay_start_1:
0x0: {  	(tag) =	ssettag $0x1  }
0x1: {  	s0 =	rddreg [dreg:$0x0]  }
0x2: {  	s1 =	rddreg [dreg:$0x1]  }
0x3: {  	s2 =	rddreg [dreg:$0x2]  }
0x4: {  	s14 =	stileid.u32;
	s4 =	srdreg.scid  }
0x5: {  	s3 =	simm.s32 $0x0;
	s15 =	simm.s32 $0x4800;
	s16 =	simm.s32 $0x1  }
0x6: {  	s17 =	simm.s32 $0x100;
	s18 =	simm.s32 $0x2;
	s19 =	simm.s32 $0x480  }
0x7: {  	s20 =	simm.s32 $0x180;
	s21 =	simm.s32 $0x500;
	s22 =	simm.s32 $0x200  }
0x8: {  	s23 =	simm.s32 $0x580;
	s28 =	simm.s32 $0x300;
	s29 =	simm.s32 $0x680  }
0x9: {  	s30 =	simm.s32 $0x380;
	s31 =	simm.s32 $0x700;
	s5 =	smul.u32 $0xA00, s14  }
0xa: {  	s7 =	smul.u32 $0x2780, s14;
	s10 =	sand.u32 $0x1, s4;
	[smem:$0x7FF] =	sst s3  }
0xb: {  	s4 =	sadd.s32 $0x35200, s0;
	s8 =	smul.u32 $0x4F000, s14;
	s25 =	sshll.u32 s14, $0x6  }
0xc: {  	s14 =	simm.s32 $0x800;
	s6 =	smul.u32 $0x27800, s10;
	_ =	strace $0x8000004D  }
0xd: {  	s12 =	ssub.s32 $0x2, s10;
	p0 =	sne.s32 s10, $0x0;
	s9 =	sadd.s32 s5, s0  }
0xe: {  	s11 =	sadd.s32 s7, s0;
	s24 =	sshrl.u32 s12, $0x1;
	s8 =	sshrl.u32 s8, $0x2  }
0xf: {  	s0 =	sadd.s32 s6, s0;
	s12 =	ssub.s32 s12, s24;
	s13 =	sadd.s32 s8, s2  }
0x10: {  	s24 =	sadd.s32 $0xDA00, s11;
	s6 =	sor.u32 $0x1C03, s25;
	s8 =	sadd.s32 s5, s1  }
0x11: {  	s9 =	sadd.s32 $0x3A00, s9;
	s11 =	simm.s32 $0x3;
	s25 =	simm.s32 $0x280  }
.Ltmp0:
0x12: {  	s1 =	simm.s32 $0x0;
	[dreg:$0x4] =	wrdreg s24;
	(pc) =	sbr.rel .LBB2_1-.Ltmp0, $4  }
0x13: {  	s0 =	sadd.s32 $0x5CA00, s0;
	s26 =	smax.u32 s12, $0x1;
	[dreg:$0x5] =	wrdreg s6  }
0x14: {  	s10 =	sshrl.u32 s13, $0x3;
	s12 =	simm.s32 $0x400;
	[dreg:$0x6] =	wrdreg s26  }
0x15: {  	s13 =	simm.s32 $0x80;
	s7 =	sadd.s32 s7, s0;
	[dreg:$0x7] =	wrdreg s10  }
0x16: {  	s26 =	simm.s32 $0x600;
	s0 =	simm.s32 $0x780;
	[dreg:$0x8] =	wrdreg s7  }
.LBB2_4:
0x17: {  	s6 =	sadd.s32 s5, s9;
	[sflag:s11] =	ssyncadd.s32 $0xFFFFC000  }
0x18: {  	[tilespmem:s3], [sflag:$0x3] =	stream.linear.gather [hbm4b:s6+s3], $0x400, $0x38;
	[tilespmem:$0x1C400] =	vst v63  }
0x19: {  	_ =	swait.ge [sflag:s11], $0x400  }
0x1a: {  	[sflag:s11] =	ssyncset.done $0x0  }
0x1b: {  	s24 =	sadd.s32 s5, s8;
	[sflag:s11] =	ssyncadd.s32 $0xFFFFFC00  }
0x1c: {  	[tilespmem:s12], [sflag:$0x3] =	stream.linear.gather [hbm4b:s24+s3], $0x400, $0x38;
	[tilespmem:$0x1C400] =	vst v63  }
0x1d: {  	_ =	swait.ge [sflag:s11], $0x400  }
0x1e: {  	[sflag:s11] =	ssyncset.done $0x0  }
0x1f: {  	[sflag:s11] =	ssyncadd.s32 $0xFFFFFC00  }
0x20: {  	[tilespmem:s14], [sflag:$0x1] =	stream.indirect.gather [hbm4b:s4+s13], $0x80, s3, s13, $0xb8;
	[tilespmem:$0x1C400] =	vst v63  }
0x21: {  	_ = 	snop  }
0x22: {  	[tilespmem:s15], [sflag:$0x2] =	stream.indirect.gather [hbm4b:s4+s13], $0x80, s13, s13, $0xb8;
	[tilespmem:$0x1C400] =	vst v63  }
0x23: {  	_ =	swait.ge [sflag:s16], $0x4000  }
0x24: {  	[sflag:s16] =	ssyncset.done $0x0  }
0x25: {  	[sflag:s16] =	ssyncadd.s32 $0xFFFFC000  }
0x26: {  	[spmem:s2] =	stream.indirect.scatter.add.f32 [tilespmem:s14], [sflag:$0x3], $0x80, s12, s13, $0xb8;
	[tilespmem:$0x1C400] =	vst v63  }
0x27: {  	_ =	swait.ge [sflag:s11], $0x4000  }
0x28: {  	[sflag:s11] =	ssyncset.done $0x0  }
0x29: {  	[sflag:s11] =	ssyncadd.s32 $0xFFFFC000  }
0x2a: {  	[tilespmem:s14], [sflag:$0x1] =	stream.indirect.gather [hbm4b:s4+s13], $0x80, s17, s13, $0xb8;
	[tilespmem:$0x1C400] =	vst v63  }
0x2b: {  	_ =	swait.ge [sflag:s18], $0x4000  }
0x2c: {  	[sflag:s18] =	ssyncset.done $0x0  }
0x2d: {  	[sflag:s18] =	ssyncadd.s32 $0xFFFFC000  }
0x2e: {  	[spmem:s2] =	stream.indirect.scatter.add.f32 [tilespmem:s15], [sflag:$0x3], $0x80, s19, s13, $0xb8;
	[tilespmem:$0x1C400] =	vst v63  }
0x2f: {  	_ =	swait.ge [sflag:s11], $0x4000  }
0x30: {  	[sflag:s11] =	ssyncset.done $0x0  }
0x31: {  	[sflag:s11] =	ssyncadd.s32 $0xFFFFC000  }
0x32: {  	[tilespmem:s15], [sflag:$0x2] =	stream.indirect.gather [hbm4b:s4+s13], $0x80, s20, s13, $0xb8;
	[tilespmem:$0x1C400] =	vst v63  }
0x33: {  	_ =	swait.ge [sflag:s16], $0x4000  }
0x34: {  	[sflag:s16] =	ssyncset.done $0x0  }
0x35: {  	[sflag:s16] =	ssyncadd.s32 $0xFFFFC000  }
0x36: {  	[spmem:s2] =	stream.indirect.scatter.add.f32 [tilespmem:s14], [sflag:$0x3], $0x80, s21, s13, $0xb8;
	[tilespmem:$0x1C400] =	vst v63  }
0x37: {  	_ =	swait.ge [sflag:s11], $0x4000  }
0x38: {  	[sflag:s11] =	ssyncset.done $0x0  }
0x39: {  	[sflag:s11] =	ssyncadd.s32 $0xFFFFC000  }
0x3a: {  	[tilespmem:s14], [sflag:$0x1] =	stream.indirect.gather [hbm4b:s4+s13], $0x80, s22, s13, $0xb8;
	[tilespmem:$0x1C400] =	vst v63  }
0x3b: {  	_ =	swait.ge [sflag:s18], $0x4000  }
0x3c: {  	[sflag:s18] =	ssyncset.done $0x0  }
0x3d: {  	[sflag:s18] =	ssyncadd.s32 $0xFFFFC000  }
0x3e: {  	[spmem:s2] =	stream.indirect.scatter.add.f32 [tilespmem:s15], [sflag:$0x3], $0x80, s23, s13, $0xb8;
	[tilespmem:$0x1C400] =	vst v63  }
0x3f: {  	_ =	swait.ge [sflag:s11], $0x4000  }
0x40: {  	[sflag:s11] =	ssyncset.done $0x0  }
0x41: {  	[sflag:s11] =	ssyncadd.s32 $0xFFFFC000  }
0x42: {  	[tilespmem:s15], [sflag:$0x2] =	stream.indirect.gather [hbm4b:s4+s13], $0x80, s25, s13, $0xb8;
	[tilespmem:$0x1C400] =	vst v63  }
0x43: {  	_ =	swait.ge [sflag:s16], $0x4000  }
0x44: {  	[sflag:s16] =	ssyncset.done $0x0  }
0x45: {  	[sflag:s16] =	ssyncadd.s32 $0xFFFFC000  }
0x46: {  	[spmem:s2] =	stream.indirect.scatter.add.f32 [tilespmem:s14], [sflag:$0x3], $0x80, s26, s13, $0xb8;
	[tilespmem:$0x1C400] =	vst v63  }
0x47: {  	_ =	swait.ge [sflag:s11], $0x4000  }
0x48: {  	[sflag:s11] =	ssyncset.done $0x0  }
0x49: {  	[sflag:s11] =	ssyncadd.s32 $0xFFFFC000  }
0x4a: {  	[tilespmem:s14], [sflag:$0x1] =	stream.indirect.gather [hbm4b:s4+s13], $0x80, s28, s13, $0xb8;
	[tilespmem:$0x1C400] =	vst v63  }
0x4b: {  	_ =	swait.ge [sflag:s18], $0x4000  }
0x4c: {  	[sflag:s18] =	ssyncset.done $0x0  }
0x4d: {  	[sflag:s18] =	ssyncadd.s32 $0xFFFFC000  }
0x4e: {  	[spmem:s2] =	stream.indirect.scatter.add.f32 [tilespmem:s15], [sflag:$0x3], $0x80, s29, s13, $0xb8;
	[tilespmem:$0x1C400] =	vst v63  }
0x4f: {  	_ =	swait.ge [sflag:s11], $0x4000  }
0x50: {  	[sflag:s11] =	ssyncset.done $0x0  }
0x51: {  	[sflag:s11] =	ssyncadd.s32 $0xFFFFC000  }
0x52: {  	[tilespmem:s15], [sflag:$0x2] =	stream.indirect.gather [hbm4b:s4+s13], $0x80, s30, s13, $0xb8;
	[tilespmem:$0x1C400] =	vst v63  }
0x53: {  	_ =	swait.ge [sflag:s16], $0x4000  }
0x54: {  	[sflag:s16] =	ssyncset.done $0x0  }
0x55: {  	[sflag:s16] =	ssyncadd.s32 $0xFFFFC000  }
0x56: {  	[spmem:s2] =	stream.indirect.scatter.add.f32 [tilespmem:s14], [sflag:$0x3], $0x80, s31, s13, $0xb8;
	[tilespmem:$0x1C400] =	vst v63  }
0x57: {  	_ =	swait.ge [sflag:s11], $0x4000  }
0x58: {  	[sflag:s11] =	ssyncset.done $0x0  }
0x59: {  	[sflag:s11] =	ssyncadd.s32 $0xFFFFC000  }
0x5a: {  	_ =	swait.ge [sflag:s18], $0x4000  }
0x5b: {  	[sflag:s18] =	ssyncset.done $0x0  }
0x5c: {  	[sflag:s18] =	ssyncadd.s32 $0xFFFFC000  }
0x5d: {  	[spmem:s2] =	stream.indirect.scatter.add.f32 [tilespmem:s15], [sflag:$0x3], $0x80, s0, s13, $0xb8;
	[tilespmem:$0x1C400] =	vst v63  }
0x5e: {  	_ =	swait.ge [sflag:s11], $0x4000  }
0x5f: {  	s24 =	rddreg [dreg:$0x4]  }
0x60: {  	s6 =	rddreg [dreg:$0x5]  }
0x61: {  	[sflag:s11] =	ssyncset.done $0x0;
	s10 =	rddreg [dreg:$0x7]  }
0x62: {  	s7 =	rddreg [dreg:$0x8];
	[sflag:s11] =	ssyncadd.s32 $0xFFFFC000  }
.LBB2_5:
0x63: {  	[bflag:$0x0] =	sbarrier.arrive $0xFFFF  }
0x64: {  	[hbm:s7], [sflag:s6] =	dma.local [spmem:s10], $0x2780  }
0x65: {  	_ =	swait.ge [sflag:s11], $0x2780  }
0x66: {  	s1 =	sadd.s32 $0x1, s1;
	s5 =	rddreg [dreg:$0x6]  }
0x67: {  	p1 =	sne.s32 s1, s5  }
.Ltmp1:
0x68: {  	_ = 	snop;
	(pc) =	sbr.rel @!p1 .LBB2_6-.Ltmp1, $3  }
0x69: {  	_ =	sdelay $0x1  }
0x6a: {  	[sflag:s11] =	ssyncset.done $0x0  }
0x6b: {  	[sflag:s11] =	ssyncadd.s32 $0xFFFFD880  }
.LBB2_1:
0x6c: {  	[spmem:s10], [sflag:s6] =	dma.local [hbm:s24], $0x2780  }
.Ltmp2:
0x6d: {  	_ =	swait.ge [sflag:s11], $0x2780;
	(pc) =	sbr.rel @p0 .LBB2_5-.Ltmp2, $3  }
0x6e: {  	[sflag:s11] =	ssyncset.done $0x0  }
0x6f: {  	[sflag:s11] =	ssyncadd.s32 $0xFFFFD880  }
0x70: {  	[bflag:$0x0] =	sbarrier.arrive $0xFFFF;
	_ =	sdelay $0x1  }
0x71: {  	s5 =	sadd.s32 $0x0, s9  }
0x72: {  	[tilespmem:s3], [sflag:$0x3] =	stream.linear.gather [hbm4b:s5+s3], $0x400, $0x38;
	[tilespmem:$0x1C400] =	vst v63  }
0x73: {  	_ =	swait.ge [sflag:s11], $0x400  }
0x74: {  	[sflag:s11] =	ssyncset.done $0x0  }
0x75: {  	s24 =	sadd.s32 $0x0, s8;
	[sflag:s11] =	ssyncadd.s32 $0xFFFFFC00  }
0x76: {  	[tilespmem:s12], [sflag:$0x3] =	stream.linear.gather [hbm4b:s24+s3], $0x400, $0x38;
	[tilespmem:$0x1C400] =	vst v63  }
0x77: {  	_ =	swait.ge [sflag:s11], $0x400  }
0x78: {  	[sflag:s11] =	ssyncset.done $0x0  }
0x79: {  	[sflag:s11] =	ssyncadd.s32 $0xFFFFFC00  }
0x7a: {  	[tilespmem:s14], [sflag:$0x1] =	stream.indirect.gather [hbm4b:s4+s13], $0x80, s3, s13, $0xb8;
	[tilespmem:$0x1C400] =	vst v63  }
0x7b: {  	_ = 	snop  }
0x7c: {  	[tilespmem:s15], [sflag:$0x2] =	stream.indirect.gather [hbm4b:s4+s13], $0x80, s13, s13, $0xb8;
	[tilespmem:$0x1C400] =	vst v63  }
0x7d: {  	_ =	swait.ge [sflag:s16], $0x4000  }
0x7e: {  	[sflag:s16] =	ssyncset.done $0x0  }
0x7f: {  	[sflag:s16] =	ssyncadd.s32 $0xFFFFC000  }
0x80: {  	[spmem:s2] =	stream.indirect.scatter.add.f32 [tilespmem:s14], [sflag:$0x3], $0x80, s12, s13, $0xb8;
	[tilespmem:$0x1C400] =	vst v63  }
0x81: {  	_ =	swait.ge [sflag:s11], $0x4000  }
0x82: {  	[sflag:s11] =	ssyncset.done $0x0  }
0x83: {  	[sflag:s11] =	ssyncadd.s32 $0xFFFFC000  }
0x84: {  	[tilespmem:s14], [sflag:$0x1] =	stream.indirect.gather [hbm4b:s4+s13], $0x80, s17, s13, $0xb8;
	[tilespmem:$0x1C400] =	vst v63  }
0x85: {  	_ =	swait.ge [sflag:s18], $0x4000  }
0x86: {  	[sflag:s18] =	ssyncset.done $0x0  }
0x87: {  	[sflag:s18] =	ssyncadd.s32 $0xFFFFC000  }
0x88: {  	[spmem:s2] =	stream.indirect.scatter.add.f32 [tilespmem:s15], [sflag:$0x3], $0x80, s19, s13, $0xb8;
	[tilespmem:$0x1C400] =	vst v63  }
0x89: {  	_ =	swait.ge [sflag:s11], $0x4000  }
0x8a: {  	[sflag:s11] =	ssyncset.done $0x0  }
0x8b: {  	[sflag:s11] =	ssyncadd.s32 $0xFFFFC000  }
0x8c: {  	[tilespmem:s15], [sflag:$0x2] =	stream.indirect.gather [hbm4b:s4+s13], $0x80, s20, s13, $0xb8;
	[tilespmem:$0x1C400] =	vst v63  }
0x8d: {  	_ =	swait.ge [sflag:s16], $0x4000  }
0x8e: {  	[sflag:s16] =	ssyncset.done $0x0  }
0x8f: {  	[sflag:s16] =	ssyncadd.s32 $0xFFFFC000  }
0x90: {  	[spmem:s2] =	stream.indirect.scatter.add.f32 [tilespmem:s14], [sflag:$0x3], $0x80, s21, s13, $0xb8;
	[tilespmem:$0x1C400] =	vst v63  }
0x91: {  	_ =	swait.ge [sflag:s11], $0x4000  }
0x92: {  	[sflag:s11] =	ssyncset.done $0x0  }
0x93: {  	[sflag:s11] =	ssyncadd.s32 $0xFFFFC000  }
0x94: {  	[tilespmem:s14], [sflag:$0x1] =	stream.indirect.gather [hbm4b:s4+s13], $0x80, s22, s13, $0xb8;
	[tilespmem:$0x1C400] =	vst v63  }
0x95: {  	_ =	swait.ge [sflag:s18], $0x4000  }
0x96: {  	[sflag:s18] =	ssyncset.done $0x0  }
0x97: {  	[sflag:s18] =	ssyncadd.s32 $0xFFFFC000  }
0x98: {  	[spmem:s2] =	stream.indirect.scatter.add.f32 [tilespmem:s15], [sflag:$0x3], $0x80, s23, s13, $0xb8;
	[tilespmem:$0x1C400] =	vst v63  }
0x99: {  	_ =	swait.ge [sflag:s11], $0x4000  }
0x9a: {  	[sflag:s11] =	ssyncset.done $0x0  }
0x9b: {  	[sflag:s11] =	ssyncadd.s32 $0xFFFFC000  }
0x9c: {  	[tilespmem:s15], [sflag:$0x2] =	stream.indirect.gather [hbm4b:s4+s13], $0x80, s25, s13, $0xb8;
	[tilespmem:$0x1C400] =	vst v63  }
0x9d: {  	_ =	swait.ge [sflag:s16], $0x4000  }
0x9e: {  	[sflag:s16] =	ssyncset.done $0x0  }
0x9f: {  	[sflag:s16] =	ssyncadd.s32 $0xFFFFC000  }
0xa0: {  	[spmem:s2] =	stream.indirect.scatter.add.f32 [tilespmem:s14], [sflag:$0x3], $0x80, s26, s13, $0xb8;
	[tilespmem:$0x1C400] =	vst v63  }
0xa1: {  	_ =	swait.ge [sflag:s11], $0x4000  }
0xa2: {  	[sflag:s11] =	ssyncset.done $0x0  }
0xa3: {  	[sflag:s11] =	ssyncadd.s32 $0xFFFFC000  }
0xa4: {  	[tilespmem:s14], [sflag:$0x1] =	stream.indirect.gather [hbm4b:s4+s13], $0x80, s28, s13, $0xb8;
	[tilespmem:$0x1C400] =	vst v63  }
0xa5: {  	_ =	swait.ge [sflag:s18], $0x4000  }
0xa6: {  	[sflag:s18] =	ssyncset.done $0x0  }
0xa7: {  	[sflag:s18] =	ssyncadd.s32 $0xFFFFC000  }
0xa8: {  	[spmem:s2] =	stream.indirect.scatter.add.f32 [tilespmem:s15], [sflag:$0x3], $0x80, s29, s13, $0xb8;
	[tilespmem:$0x1C400] =	vst v63  }
0xa9: {  	_ =	swait.ge [sflag:s11], $0x4000  }
0xaa: {  	[sflag:s11] =	ssyncset.done $0x0  }
0xab: {  	[sflag:s11] =	ssyncadd.s32 $0xFFFFC000  }
0xac: {  	[tilespmem:s15], [sflag:$0x2] =	stream.indirect.gather [hbm4b:s4+s13], $0x80, s30, s13, $0xb8;
	[tilespmem:$0x1C400] =	vst v63  }
0xad: {  	_ =	swait.ge [sflag:s16], $0x4000  }
0xae: {  	[sflag:s16] =	ssyncset.done $0x0  }
0xaf: {  	[sflag:s16] =	ssyncadd.s32 $0xFFFFC000  }
0xb0: {  	[spmem:s2] =	stream.indirect.scatter.add.f32 [tilespmem:s14], [sflag:$0x3], $0x80, s31, s13, $0xb8;
	[tilespmem:$0x1C400] =	vst v63  }
0xb1: {  	_ =	swait.ge [sflag:s11], $0x4000  }
0xb2: {  	[sflag:s11] =	ssyncset.done $0x0  }
0xb3: {  	[sflag:s11] =	ssyncadd.s32 $0xFFFFC000  }
0xb4: {  	_ =	swait.ge [sflag:s18], $0x4000  }
0xb5: {  	[sflag:s18] =	ssyncset.done $0x0  }
0xb6: {  	[sflag:s18] =	ssyncadd.s32 $0xFFFFC000  }
0xb7: {  	[spmem:s2] =	stream.indirect.scatter.add.f32 [tilespmem:s15], [sflag:$0x3], $0x80, s0, s13, $0xb8;
	[tilespmem:$0x1C400] =	vst v63  }
0xb8: {  	_ =	swait.ge [sflag:s11], $0x4000  }
0xb9: {  	s7 =	simm.s32 $0x100;
	s5 =	simm.s32 $0x80;
	[sflag:s11] =	ssyncset.done $0x0  }
.LBB2_3:
0xba: {  	s6 =	sadd.s32 s5, s9  }
0xbb: {  	[sflag:s11] =	ssyncadd.s32 $0xFFFFC000;
	s10 =	smov.u32 s7;
	s24 =	sadd.s32 $0x80, s7  }
0xbc: {  	[tilespmem:s3], [sflag:$0x3] =	stream.linear.gather [hbm4b:s6+s3], $0x400, $0x38;
	[tilespmem:$0x1C400] =	vst v63  }
0xbd: {  	p1 =	sne.s32 s7, $0x980;
	_ =	swait.ge [sflag:s11], $0x400  }
0xbe: {  	[sflag:s11] =	ssyncset.done $0x0  }
0xbf: {  	s6 =	sadd.s32 s5, s8;
	s5 =	smov.u32 s10;
	[sflag:s11] =	ssyncadd.s32 $0xFFFFFC00  }
0xc0: {  	[tilespmem:s12], [sflag:$0x3] =	stream.linear.gather [hbm4b:s6+s3], $0x400, $0x38;
	[tilespmem:$0x1C400] =	vst v63  }
0xc1: {  	_ =	swait.ge [sflag:s11], $0x400  }
0xc2: {  	[sflag:s11] =	ssyncset.done $0x0  }
0xc3: {  	[sflag:s11] =	ssyncadd.s32 $0xFFFFFC00  }
0xc4: {  	[tilespmem:s14], [sflag:$0x1] =	stream.indirect.gather [hbm4b:s4+s13], $0x80, s3, s13, $0xb8;
	[tilespmem:$0x1C400] =	vst v63  }
0xc5: {  	_ = 	snop  }
0xc6: {  	[tilespmem:s15], [sflag:$0x2] =	stream.indirect.gather [hbm4b:s4+s13], $0x80, s13, s13, $0xb8;
	[tilespmem:$0x1C400] =	vst v63  }
0xc7: {  	_ =	swait.ge [sflag:s16], $0x4000  }
0xc8: {  	[sflag:s16] =	ssyncset.done $0x0  }
0xc9: {  	[sflag:s16] =	ssyncadd.s32 $0xFFFFC000  }
0xca: {  	[spmem:s2] =	stream.indirect.scatter.add.f32 [tilespmem:s14], [sflag:$0x3], $0x80, s12, s13, $0xb8;
	[tilespmem:$0x1C400] =	vst v63  }
0xcb: {  	_ =	swait.ge [sflag:s11], $0x4000  }
0xcc: {  	[sflag:s11] =	ssyncset.done $0x0  }
0xcd: {  	[sflag:s11] =	ssyncadd.s32 $0xFFFFC000  }
0xce: {  	[tilespmem:s14], [sflag:$0x1] =	stream.indirect.gather [hbm4b:s4+s13], $0x80, s17, s13, $0xb8;
	[tilespmem:$0x1C400] =	vst v63  }
0xcf: {  	_ =	swait.ge [sflag:s18], $0x4000  }
0xd0: {  	[sflag:s18] =	ssyncset.done $0x0  }
0xd1: {  	[sflag:s18] =	ssyncadd.s32 $0xFFFFC000  }
0xd2: {  	[spmem:s2] =	stream.indirect.scatter.add.f32 [tilespmem:s15], [sflag:$0x3], $0x80, s19, s13, $0xb8;
	[tilespmem:$0x1C400] =	vst v63  }
0xd3: {  	_ =	swait.ge [sflag:s11], $0x4000  }
0xd4: {  	[sflag:s11] =	ssyncset.done $0x0  }
0xd5: {  	[sflag:s11] =	ssyncadd.s32 $0xFFFFC000  }
0xd6: {  	[tilespmem:s15], [sflag:$0x2] =	stream.indirect.gather [hbm4b:s4+s13], $0x80, s20, s13, $0xb8;
	[tilespmem:$0x1C400] =	vst v63  }
0xd7: {  	_ =	swait.ge [sflag:s16], $0x4000  }
0xd8: {  	[sflag:s16] =	ssyncset.done $0x0  }
0xd9: {  	[sflag:s16] =	ssyncadd.s32 $0xFFFFC000  }
0xda: {  	[spmem:s2] =	stream.indirect.scatter.add.f32 [tilespmem:s14], [sflag:$0x3], $0x80, s21, s13, $0xb8;
	[tilespmem:$0x1C400] =	vst v63  }
0xdb: {  	_ =	swait.ge [sflag:s11], $0x4000  }
0xdc: {  	[sflag:s11] =	ssyncset.done $0x0  }
0xdd: {  	[sflag:s11] =	ssyncadd.s32 $0xFFFFC000  }
0xde: {  	[tilespmem:s14], [sflag:$0x1] =	stream.indirect.gather [hbm4b:s4+s13], $0x80, s22, s13, $0xb8;
	[tilespmem:$0x1C400] =	vst v63  }
0xdf: {  	_ =	swait.ge [sflag:s18], $0x4000  }
0xe0: {  	[sflag:s18] =	ssyncset.done $0x0  }
0xe1: {  	[sflag:s18] =	ssyncadd.s32 $0xFFFFC000  }
0xe2: {  	[spmem:s2] =	stream.indirect.scatter.add.f32 [tilespmem:s15], [sflag:$0x3], $0x80, s23, s13, $0xb8;
	[tilespmem:$0x1C400] =	vst v63  }
0xe3: {  	_ =	swait.ge [sflag:s11], $0x4000  }
0xe4: {  	[sflag:s11] =	ssyncset.done $0x0  }
0xe5: {  	[sflag:s11] =	ssyncadd.s32 $0xFFFFC000  }
0xe6: {  	[tilespmem:s15], [sflag:$0x2] =	stream.indirect.gather [hbm4b:s4+s13], $0x80, s25, s13, $0xb8;
	[tilespmem:$0x1C400] =	vst v63  }
0xe7: {  	_ =	swait.ge [sflag:s16], $0x4000  }
0xe8: {  	[sflag:s16] =	ssyncset.done $0x0  }
0xe9: {  	[sflag:s16] =	ssyncadd.s32 $0xFFFFC000  }
0xea: {  	[spmem:s2] =	stream.indirect.scatter.add.f32 [tilespmem:s14], [sflag:$0x3], $0x80, s26, s13, $0xb8;
	[tilespmem:$0x1C400] =	vst v63  }
0xeb: {  	_ =	swait.ge [sflag:s11], $0x4000  }
0xec: {  	[sflag:s11] =	ssyncset.done $0x0  }
0xed: {  	[sflag:s11] =	ssyncadd.s32 $0xFFFFC000  }
0xee: {  	[tilespmem:s14], [sflag:$0x1] =	stream.indirect.gather [hbm4b:s4+s13], $0x80, s28, s13, $0xb8;
	[tilespmem:$0x1C400] =	vst v63  }
0xef: {  	_ =	swait.ge [sflag:s18], $0x4000  }
0xf0: {  	[sflag:s18] =	ssyncset.done $0x0  }
0xf1: {  	[sflag:s18] =	ssyncadd.s32 $0xFFFFC000  }
0xf2: {  	[spmem:s2] =	stream.indirect.scatter.add.f32 [tilespmem:s15], [sflag:$0x3], $0x80, s29, s13, $0xb8;
	[tilespmem:$0x1C400] =	vst v63  }
0xf3: {  	_ =	swait.ge [sflag:s11], $0x4000  }
0xf4: {  	[sflag:s11] =	ssyncset.done $0x0  }
0xf5: {  	[sflag:s11] =	ssyncadd.s32 $0xFFFFC000  }
0xf6: {  	[tilespmem:s15], [sflag:$0x2] =	stream.indirect.gather [hbm4b:s4+s13], $0x80, s30, s13, $0xb8;
	[tilespmem:$0x1C400] =	vst v63  }
0xf7: {  	_ =	swait.ge [sflag:s16], $0x4000  }
0xf8: {  	[sflag:s16] =	ssyncset.done $0x0  }
0xf9: {  	[sflag:s16] =	ssyncadd.s32 $0xFFFFC000  }
0xfa: {  	[spmem:s2] =	stream.indirect.scatter.add.f32 [tilespmem:s14], [sflag:$0x3], $0x80, s31, s13, $0xb8;
	[tilespmem:$0x1C400] =	vst v63  }
0xfb: {  	_ =	swait.ge [sflag:s11], $0x4000  }
0xfc: {  	[sflag:s11] =	ssyncset.done $0x0  }
0xfd: {  	[sflag:s11] =	ssyncadd.s32 $0xFFFFC000  }
0xfe: {  	_ =	swait.ge [sflag:s18], $0x4000  }
.Ltmp3:
0xff: {  	[sflag:s18] =	ssyncset.done $0x0;
	(pc) =	sbr.rel @p1 .LBB2_3-.Ltmp3, $4  }
0x100: {  	[sflag:s18] =	ssyncadd.s32 $0xFFFFC000  }
0x101: {  	[spmem:s2] =	stream.indirect.scatter.add.f32 [tilespmem:s15], [sflag:$0x3], $0x80, s0, s13, $0xb8;
	[tilespmem:$0x1C400] =	vst v63  }
0x102: {  	_ =	swait.ge [sflag:s11], $0x4000  }
0x103: {  	s7 =	smov.u32 s24;
	[sflag:s11] =	ssyncset.done $0x0  }
.Ltmp4:
0x104: {  	_ = 	snop;
	(pc) =	sbr.rel .LBB2_4-.Ltmp4, $1  }
0x105: {  	_ =	sdelay $0x3  }
.LBB2_6:
0x106: {  	_ =	sfence.sel $0x180000  }
0x107: {  	[bflag:$0x0] =	sbarrier.arrive $0xFFFF  }
0x108: {  	_ =	strace $0x9000004D  }
0x109: {  	s0 =	stileid.u32;
	[bflag:$0x2] =	sbarrier.arrive $0xFFFF  }
0x10a: {  	p0 =	sne.s32 s0, $0x0;
	s0 =	rddreg [dreg:$0x3]  }
0x10b: {  	s0 =	sadd.s32 @!p0 $0x100000, s0  }
0x10c: {  	[sflag:s0] =	ssyncadd.tile.s32 @!p0 $0x1;
	_ =	shalt  }
.Lfunc_end2:
_tile_overlayer_lowered:
.L_overlay_start_2:
0x10d: {  	(tag) =	ssettag $0x2  }
0x10e: {  	s0 =	rddreg [dreg:$0x0];
	s2 =	stileid.u32  }
0x10f: {  	s1 =	rddreg [dreg:$0x1];
	p0 =	sne.s32 s2, $0x0  }
0x110: {  	s3 =	rddreg [dreg:$0x2];
	[bflag:$0x3] =	sbarrier.arrive $0xFFFF;
	s2 =	simm.s32 @!p0 $0x1C03  }
0x111: {  	[timem:s3], [sflag:s2] =	dma.local @!p0 [hbm:s0], s1  }
0x112: {  	s0 =	simm.s32 @!p0 $0x3  }
0x113: {  	_ =	swait.ge @!p0 [sflag:s0], s1  }
0x114: {  	s1 =	ssub.s32 @!p0 $0x0, s1;
	[sflag:s0] =	ssyncset.done @!p0 $0x0  }
0x115: {  	[sflag:s0] =	ssyncadd.s32 @!p0 s1  }
0x116: {  	[bflag:$0x3] =	sbarrier.arrive $0xFFFF  }
0x117: {  	_ =	shalt  }

// kernel: kernel.20.cloned.1.call-start
scs
__scs_entry_jumppad:
0x0: {  	(pc) =	sbr.rel $0x88, $3  }
0x1: {  	(tag) =	ssettag $0x0;
	lr =	simm.s32 $0x1  }
0x2: {  	[smem:$0x3F99] =	sst lr;
	_ =	strace $0xD0000000  }
0x3: {  	_ = 	snop  }
0x4: {  	_ = 	snop  }
0x5: {  	_ = 	snop  }
0x6: {  	_ = 	snop  }
0x7: {  	_ = 	snop  }
__scs_overlays_trampoline_lowered:
0x8: {  	[smem:$0x3FA8] =	sst s0  }
0x9: {  	[smem:$0x3FA9] =	sst s1  }
0xa: {  	[smem:$0x3FAA] =	sst s2  }
0xb: {  	[smem:$0x3FAB] =	sst s3  }
0xc: {  	[smem:$0x3FAC] =	sst s4  }
0xd: {  	[smem:$0x3FAD] =	sst s5  }
0xe: {  	[smem:$0x3FAE] =	sst s6  }
0xf: {  	[smem:$0x3FAF] =	sst s7  }
0x10: {  	[smem:$0x3FB0] =	sst s8  }
0x11: {  	[smem:$0x3FB1] =	sst s9;
	s0 =	simm.s32 @!p0 $0x0  }
0x12: {  	s1 =	sld [smem:$0x3F97];
	s0 =	simm.s32 @p0 $0x1  }
0x13: {  	[smem:$0x3FB2] =	sst s0;
	s0 =	simm.s32 @!p1 $0x0  }
0x14: {  	s2 =	sld [smem:$0x3F96];
	s0 =	simm.s32 @p1 $0x1  }
0x15: {  	[smem:$0x3FB3] =	sst s0;
	s0 =	simm.s32 @!p2 $0x0  }
0x16: {  	s3 =	sld [smem:$0x3FDB];
	s0 =	simm.s32 @p2 $0x1  }
0x17: {  	s4 =	simm.s32 $0x1BF5;
	[smem:$0x3FB5] =	sst s0  }
0x18: {  	s0 =	sld [smem:$0x3F98];
	_ =	swait.ge [sflag:s4], $0x0  }
0x19: {  	s7 =	sld [smem:$0x3F99]  }
0x1a: {  	s8 =	sadd.s32 $0xFFFFE003, lr  }
0x1b: {  	s9 =	sadd.s32 $0xFFFFFEF7, lr;
	s5 =	simm.s32 $0xFFFFFFFF;
	p2 =	slt.u32 s8, $0xFFFFF086  }
0x1c: {  	p1 =	slt.u32 s9, $0xF7A;
	s5 =	simm.s32 @!p2 $0x0  }
0x1d: {  	s5 =	simm.s32 @p1 $0x1;
	p0 =	seq.s32 s7, s2  }
0x1e: {  	s7 =	smul.u32 @!p0 $0xF7A, s2;
	p2 =	seq.s32 @!p0 s5, $0x0  }
0x1f: {  	s9 =	smul.u32 $0xF7A, s1;
	s8 =	simm.s32 @!p0 $0x1BF5;
	p2 =	por !p2, p0  }
0x20: {  	[sflag:s8] =	ssyncset.s32 @!p0 $0xFFFFF086;
	s6 =	sadd.s32 @!p0 s3, s7;
	s7 =	simm.s32 @!p0 $0x108  }
0x21: {  	s3 =	sadd.s32 s3, s9;
	s6 =	sadd.s32 @!p0 $0x88, s6;
	s7 =	simm.s32 @p2 $0x1082  }
0x22: {  	[simem:s7], [sflag:s8] =	dma.local @!p0 [hbm:s6], $0xF7A  }
0x23: {  	s9 =	sor.u32 $0xD0000000, s2;
	s6 =	simm.s32 $0x108;
	_ =	swait.ge @!p0 [sflag:s8], $0x0  }
0x24: {  	s3 =	sadd.s32 $0x88, s3;
	s6 =	simm.s32 @!p1 $0x1082;
	[sflag:s4] =	ssyncset.s32 $0xFFFFF086  }
0x25: {  	[simem:s6], [sflag:s4] =	dma.local [hbm:s3], $0xF7A  }
0x26: {  	[smem:$0x3F99] =	sst s1;
	(tag) =	ssettag s2;
	_ =	strace s9  }
0x27: {  	s1 =	sld [smem:$0x3FA9]  }
0x28: {  	s2 =	sld [smem:$0x3FAA]  }
0x29: {  	s4 =	sld [smem:$0x3FAC]  }
0x2a: {  	p0 =	seq.s32 s5, $0x0;
	s5 =	sld [smem:$0x3FAD]  }
0x2b: {  	s6 =	sld [smem:$0x3FAE]  }
0x2c: {  	s7 =	sld [smem:$0x3FAF]  }
0x2d: {  	s3 =	simm.s32 $0x108;
	s8 =	sld [smem:$0x3FB0]  }
0x2e: {  	s3 =	simm.s32 @!p0 $0x1082;
	s9 =	sld [smem:$0x3FB1]  }
0x2f: {  	lr =	sadd.s32 s0, s3;
	s0 =	sld [smem:$0x3FA8]  }
0x30: {  	s3 =	sld [smem:$0x3FAB]  }
0x31: {  	[smem:$0x3FB4] =	sst s10  }
0x32: {  	s10 =	sld [smem:$0x3FB2];
	_ =	sdelay $0x3  }
0x33: {  	p0 =	seq.s32 s10, $0x1;
	s10 =	sld [smem:$0x3FB4];
	_ =	sdelay $0x3  }
0x34: {  	[smem:$0x3FB4] =	sst s10  }
0x35: {  	s10 =	sld [smem:$0x3FB3];
	_ =	sdelay $0x3  }
0x36: {  	p1 =	seq.s32 s10, $0x1;
	s10 =	sld [smem:$0x3FB4];
	_ =	sdelay $0x3  }
0x37: {  	[smem:$0x3FB4] =	sst s10  }
0x38: {  	s10 =	sld [smem:$0x3FB5]  }
0x39: {  	_ = 	snop;
	(pc) =	sbr.ind lr, $3  }
0x3a: {  	_ = 	snop  }
0x3b: {  	_ = 	snop  }
0x3c: {  	p2 =	seq.s32 s10, $0x1;
	s10 =	sld [smem:$0x3FB4]  }
0x3d: {  	_ =	shalt  }
0x3e: {  	_ =	shalt  }
0x3f: {  	_ =	shalt  }
0x40: {  	_ =	shalt  }
0x41: {  	_ =	shalt  }
0x42: {  	_ =	shalt  }
0x43: {  	_ =	shalt  }
0x44: {  	_ =	shalt  }
0x45: {  	_ =	shalt  }
0x46: {  	_ =	shalt  }
0x47: {  	_ =	shalt  }
0x48: {  	_ =	shalt  }
0x49: {  	_ =	shalt  }
0x4a: {  	_ =	shalt  }
0x4b: {  	_ =	shalt  }
0x4c: {  	_ =	shalt  }
0x4d: {  	_ =	shalt  }
0x4e: {  	_ =	shalt  }
0x4f: {  	_ =	shalt  }
0x50: {  	_ =	shalt  }
0x51: {  	_ =	shalt  }
0x52: {  	_ =	shalt  }
0x53: {  	_ =	shalt  }
0x54: {  	_ =	shalt  }
0x55: {  	_ =	shalt  }
0x56: {  	_ =	shalt  }
0x57: {  	_ =	shalt  }
0x58: {  	_ =	shalt  }
0x59: {  	_ =	shalt  }
0x5a: {  	_ =	shalt  }
0x5b: {  	_ =	shalt  }
0x5c: {  	_ =	shalt  }
0x5d: {  	_ =	shalt  }
0x5e: {  	_ =	shalt  }
0x5f: {  	_ =	shalt  }
0x60: {  	_ =	shalt  }
0x61: {  	_ =	shalt  }
0x62: {  	_ =	shalt  }
0x63: {  	_ =	shalt  }
0x64: {  	_ =	shalt  }
0x65: {  	_ =	shalt  }
0x66: {  	_ =	shalt  }
0x67: {  	_ =	shalt  }
0x68: {  	_ =	shalt  }
0x69: {  	_ =	shalt  }
0x6a: {  	_ =	shalt  }
0x6b: {  	_ =	shalt  }
0x6c: {  	_ =	shalt  }
0x6d: {  	_ =	shalt  }
0x6e: {  	_ =	shalt  }
0x6f: {  	_ =	shalt  }
0x70: {  	_ =	shalt  }
0x71: {  	_ =	shalt  }
0x72: {  	_ =	shalt  }
0x73: {  	_ =	shalt  }
0x74: {  	_ =	shalt  }
0x75: {  	_ =	shalt  }
0x76: {  	_ =	shalt  }
0x77: {  	_ =	shalt  }
0x78: {  	_ =	shalt  }
0x79: {  	_ =	shalt  }
0x7a: {  	_ =	shalt  }
0x7b: {  	_ =	shalt  }
0x7c: {  	_ =	shalt  }
0x7d: {  	_ =	shalt  }
0x7e: {  	_ =	shalt  }
0x7f: {  	_ =	shalt  }
0x80: {  	_ =	shalt  }
0x81: {  	_ =	shalt  }
0x82: {  	_ =	shalt  }
0x83: {  	_ =	shalt  }
0x84: {  	_ =	shalt  }
0x85: {  	_ =	shalt  }
0x86: {  	_ =	shalt  }
0x87: {  	_ =	shalt  }
.Lfunc_end0:
.L_simem_size_0:
called_computation.3_lowered:
.L_overlay_start_0:
0x88: {  	s2 =	sld [smem:$0x3FD9]  }
0x89: {  	s3 =	sld [smem:$0x3FFE];
	_ =	sdelay $0x1  }
0x8a: {  	s1 =	srdreg.scid  }
0x8b: {  	s0 =	sand.u32 $0x1, s1  }
0x8c: {  	s17 =	sshll.u32 s0, $0xA;
	s2 =	sadd.s32 s3, s2  }
0x8d: {  	s2 =	sadd.s32 s2, s17  }
0x8e: {  	[smem:$0x3FC0] =	sst s2  }
0x8f: {  	_ = 	snop  }
0x90: {  	s2 =	sld [smem:$0x3FD0];
	(tm) =	ssettm $0x1  }
0x91: {  	s18 =	sld [smem:$0x3FFB];
	_ =	sdelay $0x3  }
0x92: {  	_ =	strace s18  }
0x93: {  	s3 =	sld [smem:$0x3FFC];
	_ =	sdelay $0x3  }
0x94: {  	_ =	strace s3  }
0x95: {  	s3 =	sld [smem:$0x3FFD];
	_ =	sdelay $0x3  }
0x96: {  	_ =	strace s3  }
0x97: {  	_ =	strace $0x8FFFFFFF  }
0x98: {  	s19 =	sld [smem:$0x3FDB];
	_ =	sdelay $0x1  }
0x99: {  	s4 =	simm.s32 $_scs_section_size  }
0x9a: {  	s5 =	simm.s32 $_size__tile_overlayer_lowered;
	s6 =	simm.s32 $_tile_overlayer_lowered  }
0x9b: {  	s22 =	simm.s32 $0x1BFF;
	s21 =	sshll.u32 s6, $0x1;
	s3 =	sadd.s32 s4, s19  }
0x9c: {  	s7 =	simm.s32 $0x0;
	s20 =	sshll.u32 s5, $0x1;
	s5 =	sadd.s32 s21, s3  }
0x9d: {  	[timem:s7], [sflag:s22] =	dma.local [hbm:s5], s20  }
0x9e: {  	_ =	swait.ge [sflag:s22], s20  }
0x9f: {  	s4 =	ssub.s32 $0x0, s20;
	[sflag:s22] =	ssyncset.done $0x0  }
0xa0: {  	[sflag:s22] =	ssyncadd.s32 s4;
	_ =	sdelay $0x1  }
0xa1: {  	s23 =	simm.s32 $0x1B8B  }
0xa2: {  	_ =	swait.ge [sflag:s23], $0x1  }
0xa3: {  	[sflag:s23] =	ssyncset.done $0x0  }
0xa4: {  	s25 =	simm.s32 $0x1B8E;
	s24 =	sld [smem:$0x3FFE];
	[sflag:s23] =	ssyncadd.s32 $0xFFFFFFFF  }
0xa5: {  	s26 =	simm.s32 $execute0_lowered;
	[smem:$0x3FD2] =	sst s25  }
0xa6: {  	s5 =	sshll.u32 s26, $0x1;
	_ =	strace $0x8000004F;
	[dreg:$0x1] =	wrdreg $0xFFFFFFFF  }
0xa7: {  	s28 =	simm.s32 $_size_execute0_lowered;
	s3 =	sadd.s32 s3, s5;
	[dreg:$0x0] =	wrdreg $0x0  }
0xa8: {  	s5 =	sshll.u32 s28, $0x1;
	[dreg:$0x2] =	wrdreg s3  }
0xa9: {  	[dreg:$0x3] =	wrdreg s5  }
0xaa: {  	[dreg:$0x4] =	wrdreg $0xC0  }
0xab: {  	_ =	task [dreg:s7], $0x5FFFF  }
0xac: {  	[dreg:$0x1] =	wrdreg $0xFFFFFFFF  }
0xad: {  	[dreg:$0x0] =	wrdreg $0x60  }
0xae: {  	[dreg:$0x2] =	wrdreg s24  }
0xaf: {  	[dreg:$0x3] =	wrdreg s2  }
0xb0: {  	[dreg:$0x4] =	wrdreg $0x88000  }
0xb1: {  	[dreg:$0x5] =	wrdreg $0x9  }
0xb2: {  	_ =	task.clear_ibuf [dreg:s7], $0x6FFFF;
	_ =	strace $0x9000004F  }
0xb3: {  	s29 =	simm.s32 $0x9;
	_ =	strace $0x80000051  }
0xb4: {  	_ =	swait.ge [sflag:s29], $0x1  }
0xb5: {  	[sflag:s29] =	ssyncadd.s32 $0xFFFFFFFF  }
0xb6: {  	_ =	strace $0x90000051  }
0xb7: {  	_ =	sfence  }
0xb8: {  	s30 =	sld [smem:$0x0];
	_ =	sdelay $0x2  }
0xb9: {  	s31 =	sshll.u32 s1, $0xD;
	s1 =	sshrl.u32 s1, $0x2  }
0xba: {  	s3 =	sand.u32 $0x4000, s31;
	s1 =	sadd.s32 s1, s30  }
0xbb: {  	s0 =	sor.u32 s3, s0;
	s1 =	sshll.u32 s1, $0x11  }
0xbc: {  	s0 =	sor.u32 s1, s0  }
0xbd: {  	s0 =	sadd.s32 $0x8F2B, s0  }
0xbe: {  	[sflag:s0] =	ssyncadd.remote.s32 $0x1  }
0xbf: {  	_ =	sfence.sel $0xFFFF  }
0xc0: {  	[dreg:$0x0] =	wrdreg $0xFFFFFFFF;
	(pc) =	sbr.abs _section_cstart, $3  }
0xc1: {  	[dreg:$0x1] =	wrdreg $0xFFFFFFFF  }
0xc2: {  	_ =	task.clear_ibuf [dreg:s7], $0x2FFFF;
	_ =	strace $0x9FFFFFFF  }
0xc3: {  	(tm) =	ssettm $0x7FFFFFFF  }
tec
execute0_lowered:
.L_overlay_start_1:
0x0: {  	(tag) =	ssettag $0x1  }
0x1: {  	s0 =	rddreg [dreg:$0x0]  }
0x2: {  	s1 =	rddreg [dreg:$0x1]  }
0x3: {  	s2 =	rddreg [dreg:$0x2]  }
0x4: {  	s14 =	stileid.u32;
	s4 =	srdreg.scid  }
0x5: {  	s3 =	simm.s32 $0x0;
	s15 =	simm.s32 $0x4800;
	s16 =	simm.s32 $0x1  }
0x6: {  	s17 =	simm.s32 $0x100;
	s18 =	simm.s32 $0x2;
	s19 =	simm.s32 $0x480  }
0x7: {  	s20 =	simm.s32 $0x180;
	s21 =	simm.s32 $0x500;
	s22 =	simm.s32 $0x200  }
0x8: {  	s23 =	simm.s32 $0x580;
	s28 =	simm.s32 $0x300;
	s29 =	simm.s32 $0x680  }
0x9: {  	s30 =	simm.s32 $0x380;
	s31 =	simm.s32 $0x700;
	s5 =	smul.u32 $0xA00, s14  }
0xa: {  	s7 =	smul.u32 $0x2780, s14;
	s10 =	sand.u32 $0x1, s4;
	[smem:$0x7FF] =	sst s3  }
0xb: {  	s4 =	sadd.s32 $0x35200, s0;
	s8 =	smul.u32 $0x4F000, s14;
	s25 =	sshll.u32 s14, $0x6  }
0xc: {  	s14 =	simm.s32 $0x800;
	s6 =	smul.u32 $0x27800, s10;
	_ =	strace $0x80000050  }
0xd: {  	s12 =	ssub.s32 $0x2, s10;
	p0 =	sne.s32 s10, $0x0;
	s9 =	sadd.s32 s5, s0  }
0xe: {  	s11 =	sadd.s32 s7, s0;
	s24 =	sshrl.u32 s12, $0x1;
	s8 =	sshrl.u32 s8, $0x2  }
0xf: {  	s0 =	sadd.s32 s6, s0;
	s12 =	ssub.s32 s12, s24;
	s13 =	sadd.s32 s8, s2  }
0x10: {  	s24 =	sadd.s32 $0xDA00, s11;
	s6 =	sor.u32 $0x1C03, s25;
	s8 =	sadd.s32 s5, s1  }
0x11: {  	s9 =	sadd.s32 $0x3A00, s9;
	s11 =	simm.s32 $0x3;
	s25 =	simm.s32 $0x280  }
.Ltmp0:
0x12: {  	s1 =	simm.s32 $0x0;
	[dreg:$0x4] =	wrdreg s24;
	(pc) =	sbr.rel .LBB2_1-.Ltmp0, $4  }
0x13: {  	s0 =	sadd.s32 $0x5CA00, s0;
	s26 =	smax.u32 s12, $0x1;
	[dreg:$0x5] =	wrdreg s6  }
0x14: {  	s10 =	sshrl.u32 s13, $0x3;
	s12 =	simm.s32 $0x400;
	[dreg:$0x6] =	wrdreg s26  }
0x15: {  	s13 =	simm.s32 $0x80;
	s7 =	sadd.s32 s7, s0;
	[dreg:$0x7] =	wrdreg s10  }
0x16: {  	s26 =	simm.s32 $0x600;
	s0 =	simm.s32 $0x780;
	[dreg:$0x8] =	wrdreg s7  }
.LBB2_4:
0x17: {  	s6 =	sadd.s32 s5, s9;
	[sflag:s11] =	ssyncadd.s32 $0xFFFFC000  }
0x18: {  	[tilespmem:s3], [sflag:$0x3] =	stream.linear.gather [hbm4b:s6+s3], $0x400, $0x38;
	[tilespmem:$0x1C400] =	vst v63  }
0x19: {  	_ =	swait.ge [sflag:s11], $0x400  }
0x1a: {  	[sflag:s11] =	ssyncset.done $0x0  }
0x1b: {  	s24 =	sadd.s32 s5, s8;
	[sflag:s11] =	ssyncadd.s32 $0xFFFFFC00  }
0x1c: {  	[tilespmem:s12], [sflag:$0x3] =	stream.linear.gather [hbm4b:s24+s3], $0x400, $0x38;
	[tilespmem:$0x1C400] =	vst v63  }
0x1d: {  	_ =	swait.ge [sflag:s11], $0x400  }
0x1e: {  	[sflag:s11] =	ssyncset.done $0x0  }
0x1f: {  	[sflag:s11] =	ssyncadd.s32 $0xFFFFFC00  }
0x20: {  	[tilespmem:s14], [sflag:$0x1] =	stream.indirect.gather [hbm4b:s4+s13], $0x80, s3, s13, $0xb8;
	[tilespmem:$0x1C400] =	vst v63  }
0x21: {  	_ = 	snop  }
0x22: {  	[tilespmem:s15], [sflag:$0x2] =	stream.indirect.gather [hbm4b:s4+s13], $0x80, s13, s13, $0xb8;
	[tilespmem:$0x1C400] =	vst v63  }
0x23: {  	_ =	swait.ge [sflag:s16], $0x4000  }
0x24: {  	[sflag:s16] =	ssyncset.done $0x0  }
0x25: {  	[sflag:s16] =	ssyncadd.s32 $0xFFFFC000  }
0x26: {  	[spmem:s2] =	stream.indirect.scatter.add.f32 [tilespmem:s14], [sflag:$0x3], $0x80, s12, s13, $0xb8;
	[tilespmem:$0x1C400] =	vst v63  }
0x27: {  	_ =	swait.ge [sflag:s11], $0x4000  }
0x28: {  	[sflag:s11] =	ssyncset.done $0x0  }
0x29: {  	[sflag:s11] =	ssyncadd.s32 $0xFFFFC000  }
0x2a: {  	[tilespmem:s14], [sflag:$0x1] =	stream.indirect.gather [hbm4b:s4+s13], $0x80, s17, s13, $0xb8;
	[tilespmem:$0x1C400] =	vst v63  }
0x2b: {  	_ =	swait.ge [sflag:s18], $0x4000  }
0x2c: {  	[sflag:s18] =	ssyncset.done $0x0  }
0x2d: {  	[sflag:s18] =	ssyncadd.s32 $0xFFFFC000  }
0x2e: {  	[spmem:s2] =	stream.indirect.scatter.add.f32 [tilespmem:s15], [sflag:$0x3], $0x80, s19, s13, $0xb8;
	[tilespmem:$0x1C400] =	vst v63  }
0x2f: {  	_ =	swait.ge [sflag:s11], $0x4000  }
0x30: {  	[sflag:s11] =	ssyncset.done $0x0  }
0x31: {  	[sflag:s11] =	ssyncadd.s32 $0xFFFFC000  }
0x32: {  	[tilespmem:s15], [sflag:$0x2] =	stream.indirect.gather [hbm4b:s4+s13], $0x80, s20, s13, $0xb8;
	[tilespmem:$0x1C400] =	vst v63  }
0x33: {  	_ =	swait.ge [sflag:s16], $0x4000  }
0x34: {  	[sflag:s16] =	ssyncset.done $0x0  }
0x35: {  	[sflag:s16] =	ssyncadd.s32 $0xFFFFC000  }
0x36: {  	[spmem:s2] =	stream.indirect.scatter.add.f32 [tilespmem:s14], [sflag:$0x3], $0x80, s21, s13, $0xb8;
	[tilespmem:$0x1C400] =	vst v63  }
0x37: {  	_ =	swait.ge [sflag:s11], $0x4000  }
0x38: {  	[sflag:s11] =	ssyncset.done $0x0  }
0x39: {  	[sflag:s11] =	ssyncadd.s32 $0xFFFFC000  }
0x3a: {  	[tilespmem:s14], [sflag:$0x1] =	stream.indirect.gather [hbm4b:s4+s13], $0x80, s22, s13, $0xb8;
	[tilespmem:$0x1C400] =	vst v63  }
0x3b: {  	_ =	swait.ge [sflag:s18], $0x4000  }
0x3c: {  	[sflag:s18] =	ssyncset.done $0x0  }
0x3d: {  	[sflag:s18] =	ssyncadd.s32 $0xFFFFC000  }
0x3e: {  	[spmem:s2] =	stream.indirect.scatter.add.f32 [tilespmem:s15], [sflag:$0x3], $0x80, s23, s13, $0xb8;
	[tilespmem:$0x1C400] =	vst v63  }
0x3f: {  	_ =	swait.ge [sflag:s11], $0x4000  }
0x40: {  	[sflag:s11] =	ssyncset.done $0x0  }
0x41: {  	[sflag:s11] =	ssyncadd.s32 $0xFFFFC000  }
0x42: {  	[tilespmem:s15], [sflag:$0x2] =	stream.indirect.gather [hbm4b:s4+s13], $0x80, s25, s13, $0xb8;
	[tilespmem:$0x1C400] =	vst v63  }
0x43: {  	_ =	swait.ge [sflag:s16], $0x4000  }
0x44: {  	[sflag:s16] =	ssyncset.done $0x0  }
0x45: {  	[sflag:s16] =	ssyncadd.s32 $0xFFFFC000  }
0x46: {  	[spmem:s2] =	stream.indirect.scatter.add.f32 [tilespmem:s14], [sflag:$0x3], $0x80, s26, s13, $0xb8;
	[tilespmem:$0x1C400] =	vst v63  }
0x47: {  	_ =	swait.ge [sflag:s11], $0x4000  }
0x48: {  	[sflag:s11] =	ssyncset.done $0x0  }
0x49: {  	[sflag:s11] =	ssyncadd.s32 $0xFFFFC000  }
0x4a: {  	[tilespmem:s14], [sflag:$0x1] =	stream.indirect.gather [hbm4b:s4+s13], $0x80, s28, s13, $0xb8;
	[tilespmem:$0x1C400] =	vst v63  }
0x4b: {  	_ =	swait.ge [sflag:s18], $0x4000  }
0x4c: {  	[sflag:s18] =	ssyncset.done $0x0  }
0x4d: {  	[sflag:s18] =	ssyncadd.s32 $0xFFFFC000  }
0x4e: {  	[spmem:s2] =	stream.indirect.scatter.add.f32 [tilespmem:s15], [sflag:$0x3], $0x80, s29, s13, $0xb8;
	[tilespmem:$0x1C400] =	vst v63  }
0x4f: {  	_ =	swait.ge [sflag:s11], $0x4000  }
0x50: {  	[sflag:s11] =	ssyncset.done $0x0  }
0x51: {  	[sflag:s11] =	ssyncadd.s32 $0xFFFFC000  }
0x52: {  	[tilespmem:s15], [sflag:$0x2] =	stream.indirect.gather [hbm4b:s4+s13], $0x80, s30, s13, $0xb8;
	[tilespmem:$0x1C400] =	vst v63  }
0x53: {  	_ =	swait.ge [sflag:s16], $0x4000  }
0x54: {  	[sflag:s16] =	ssyncset.done $0x0  }
0x55: {  	[sflag:s16] =	ssyncadd.s32 $0xFFFFC000  }
0x56: {  	[spmem:s2] =	stream.indirect.scatter.add.f32 [tilespmem:s14], [sflag:$0x3], $0x80, s31, s13, $0xb8;
	[tilespmem:$0x1C400] =	vst v63  }
0x57: {  	_ =	swait.ge [sflag:s11], $0x4000  }
0x58: {  	[sflag:s11] =	ssyncset.done $0x0  }
0x59: {  	[sflag:s11] =	ssyncadd.s32 $0xFFFFC000  }
0x5a: {  	_ =	swait.ge [sflag:s18], $0x4000  }
0x5b: {  	[sflag:s18] =	ssyncset.done $0x0  }
0x5c: {  	[sflag:s18] =	ssyncadd.s32 $0xFFFFC000  }
0x5d: {  	[spmem:s2] =	stream.indirect.scatter.add.f32 [tilespmem:s15], [sflag:$0x3], $0x80, s0, s13, $0xb8;
	[tilespmem:$0x1C400] =	vst v63  }
0x5e: {  	_ =	swait.ge [sflag:s11], $0x4000  }
0x5f: {  	s24 =	rddreg [dreg:$0x4]  }
0x60: {  	s6 =	rddreg [dreg:$0x5]  }
0x61: {  	[sflag:s11] =	ssyncset.done $0x0;
	s10 =	rddreg [dreg:$0x7]  }
0x62: {  	s7 =	rddreg [dreg:$0x8];
	[sflag:s11] =	ssyncadd.s32 $0xFFFFC000  }
.LBB2_5:
0x63: {  	[bflag:$0x0] =	sbarrier.arrive $0xFFFF  }
0x64: {  	[hbm:s7], [sflag:s6] =	dma.local [spmem:s10], $0x2780  }
0x65: {  	_ =	swait.ge [sflag:s11], $0x2780  }
0x66: {  	s1 =	sadd.s32 $0x1, s1;
	s5 =	rddreg [dreg:$0x6]  }
0x67: {  	p1 =	sne.s32 s1, s5  }
.Ltmp1:
0x68: {  	_ = 	snop;
	(pc) =	sbr.rel @!p1 .LBB2_6-.Ltmp1, $3  }
0x69: {  	_ =	sdelay $0x1  }
0x6a: {  	[sflag:s11] =	ssyncset.done $0x0  }
0x6b: {  	[sflag:s11] =	ssyncadd.s32 $0xFFFFD880  }
.LBB2_1:
0x6c: {  	[spmem:s10], [sflag:s6] =	dma.local [hbm:s24], $0x2780  }
.Ltmp2:
0x6d: {  	_ =	swait.ge [sflag:s11], $0x2780;
	(pc) =	sbr.rel @p0 .LBB2_5-.Ltmp2, $3  }
0x6e: {  	[sflag:s11] =	ssyncset.done $0x0  }
0x6f: {  	[sflag:s11] =	ssyncadd.s32 $0xFFFFD880  }
0x70: {  	[bflag:$0x0] =	sbarrier.arrive $0xFFFF;
	_ =	sdelay $0x1  }
0x71: {  	s5 =	sadd.s32 $0x0, s9  }
0x72: {  	[tilespmem:s3], [sflag:$0x3] =	stream.linear.gather [hbm4b:s5+s3], $0x400, $0x38;
	[tilespmem:$0x1C400] =	vst v63  }
0x73: {  	_ =	swait.ge [sflag:s11], $0x400  }
0x74: {  	[sflag:s11] =	ssyncset.done $0x0  }
0x75: {  	s24 =	sadd.s32 $0x0, s8;
	[sflag:s11] =	ssyncadd.s32 $0xFFFFFC00  }
0x76: {  	[tilespmem:s12], [sflag:$0x3] =	stream.linear.gather [hbm4b:s24+s3], $0x400, $0x38;
	[tilespmem:$0x1C400] =	vst v63  }
0x77: {  	_ =	swait.ge [sflag:s11], $0x400  }
0x78: {  	[sflag:s11] =	ssyncset.done $0x0  }
0x79: {  	[sflag:s11] =	ssyncadd.s32 $0xFFFFFC00  }
0x7a: {  	[tilespmem:s14], [sflag:$0x1] =	stream.indirect.gather [hbm4b:s4+s13], $0x80, s3, s13, $0xb8;
	[tilespmem:$0x1C400] =	vst v63  }
0x7b: {  	_ = 	snop  }
0x7c: {  	[tilespmem:s15], [sflag:$0x2] =	stream.indirect.gather [hbm4b:s4+s13], $0x80, s13, s13, $0xb8;
	[tilespmem:$0x1C400] =	vst v63  }
0x7d: {  	_ =	swait.ge [sflag:s16], $0x4000  }
0x7e: {  	[sflag:s16] =	ssyncset.done $0x0  }
0x7f: {  	[sflag:s16] =	ssyncadd.s32 $0xFFFFC000  }
0x80: {  	[spmem:s2] =	stream.indirect.scatter.add.f32 [tilespmem:s14], [sflag:$0x3], $0x80, s12, s13, $0xb8;
	[tilespmem:$0x1C400] =	vst v63  }
0x81: {  	_ =	swait.ge [sflag:s11], $0x4000  }
0x82: {  	[sflag:s11] =	ssyncset.done $0x0  }
0x83: {  	[sflag:s11] =	ssyncadd.s32 $0xFFFFC000  }
0x84: {  	[tilespmem:s14], [sflag:$0x1] =	stream.indirect.gather [hbm4b:s4+s13], $0x80, s17, s13, $0xb8;
	[tilespmem:$0x1C400] =	vst v63  }
0x85: {  	_ =	swait.ge [sflag:s18], $0x4000  }
0x86: {  	[sflag:s18] =	ssyncset.done $0x0  }
0x87: {  	[sflag:s18] =	ssyncadd.s32 $0xFFFFC000  }
0x88: {  	[spmem:s2] =	stream.indirect.scatter.add.f32 [tilespmem:s15], [sflag:$0x3], $0x80, s19, s13, $0xb8;
	[tilespmem:$0x1C400] =	vst v63  }
0x89: {  	_ =	swait.ge [sflag:s11], $0x4000  }
0x8a: {  	[sflag:s11] =	ssyncset.done $0x0  }
0x8b: {  	[sflag:s11] =	ssyncadd.s32 $0xFFFFC000  }
0x8c: {  	[tilespmem:s15], [sflag:$0x2] =	stream.indirect.gather [hbm4b:s4+s13], $0x80, s20, s13, $0xb8;
	[tilespmem:$0x1C400] =	vst v63  }
0x8d: {  	_ =	swait.ge [sflag:s16], $0x4000  }
0x8e: {  	[sflag:s16] =	ssyncset.done $0x0  }
0x8f: {  	[sflag:s16] =	ssyncadd.s32 $0xFFFFC000  }
0x90: {  	[spmem:s2] =	stream.indirect.scatter.add.f32 [tilespmem:s14], [sflag:$0x3], $0x80, s21, s13, $0xb8;
	[tilespmem:$0x1C400] =	vst v63  }
0x91: {  	_ =	swait.ge [sflag:s11], $0x4000  }
0x92: {  	[sflag:s11] =	ssyncset.done $0x0  }
0x93: {  	[sflag:s11] =	ssyncadd.s32 $0xFFFFC000  }
0x94: {  	[tilespmem:s14], [sflag:$0x1] =	stream.indirect.gather [hbm4b:s4+s13], $0x80, s22, s13, $0xb8;
	[tilespmem:$0x1C400] =	vst v63  }
0x95: {  	_ =	swait.ge [sflag:s18], $0x4000  }
0x96: {  	[sflag:s18] =	ssyncset.done $0x0  }
0x97: {  	[sflag:s18] =	ssyncadd.s32 $0xFFFFC000  }
0x98: {  	[spmem:s2] =	stream.indirect.scatter.add.f32 [tilespmem:s15], [sflag:$0x3], $0x80, s23, s13, $0xb8;
	[tilespmem:$0x1C400] =	vst v63  }
0x99: {  	_ =	swait.ge [sflag:s11], $0x4000  }
0x9a: {  	[sflag:s11] =	ssyncset.done $0x0  }
0x9b: {  	[sflag:s11] =	ssyncadd.s32 $0xFFFFC000  }
0x9c: {  	[tilespmem:s15], [sflag:$0x2] =	stream.indirect.gather [hbm4b:s4+s13], $0x80, s25, s13, $0xb8;
	[tilespmem:$0x1C400] =	vst v63  }
0x9d: {  	_ =	swait.ge [sflag:s16], $0x4000  }
0x9e: {  	[sflag:s16] =	ssyncset.done $0x0  }
0x9f: {  	[sflag:s16] =	ssyncadd.s32 $0xFFFFC000  }
0xa0: {  	[spmem:s2] =	stream.indirect.scatter.add.f32 [tilespmem:s14], [sflag:$0x3], $0x80, s26, s13, $0xb8;
	[tilespmem:$0x1C400] =	vst v63  }
0xa1: {  	_ =	swait.ge [sflag:s11], $0x4000  }
0xa2: {  	[sflag:s11] =	ssyncset.done $0x0  }
0xa3: {  	[sflag:s11] =	ssyncadd.s32 $0xFFFFC000  }
0xa4: {  	[tilespmem:s14], [sflag:$0x1] =	stream.indirect.gather [hbm4b:s4+s13], $0x80, s28, s13, $0xb8;
	[tilespmem:$0x1C400] =	vst v63  }
0xa5: {  	_ =	swait.ge [sflag:s18], $0x4000  }
0xa6: {  	[sflag:s18] =	ssyncset.done $0x0  }
0xa7: {  	[sflag:s18] =	ssyncadd.s32 $0xFFFFC000  }
0xa8: {  	[spmem:s2] =	stream.indirect.scatter.add.f32 [tilespmem:s15], [sflag:$0x3], $0x80, s29, s13, $0xb8;
	[tilespmem:$0x1C400] =	vst v63  }
0xa9: {  	_ =	swait.ge [sflag:s11], $0x4000  }
0xaa: {  	[sflag:s11] =	ssyncset.done $0x0  }
0xab: {  	[sflag:s11] =	ssyncadd.s32 $0xFFFFC000  }
0xac: {  	[tilespmem:s15], [sflag:$0x2] =	stream.indirect.gather [hbm4b:s4+s13], $0x80, s30, s13, $0xb8;
	[tilespmem:$0x1C400] =	vst v63  }
0xad: {  	_ =	swait.ge [sflag:s16], $0x4000  }
0xae: {  	[sflag:s16] =	ssyncset.done $0x0  }
0xaf: {  	[sflag:s16] =	ssyncadd.s32 $0xFFFFC000  }
0xb0: {  	[spmem:s2] =	stream.indirect.scatter.add.f32 [tilespmem:s14], [sflag:$0x3], $0x80, s31, s13, $0xb8;
	[tilespmem:$0x1C400] =	vst v63  }
0xb1: {  	_ =	swait.ge [sflag:s11], $0x4000  }
0xb2: {  	[sflag:s11] =	ssyncset.done $0x0  }
0xb3: {  	[sflag:s11] =	ssyncadd.s32 $0xFFFFC000  }
0xb4: {  	_ =	swait.ge [sflag:s18], $0x4000  }
0xb5: {  	[sflag:s18] =	ssyncset.done $0x0  }
0xb6: {  	[sflag:s18] =	ssyncadd.s32 $0xFFFFC000  }
0xb7: {  	[spmem:s2] =	stream.indirect.scatter.add.f32 [tilespmem:s15], [sflag:$0x3], $0x80, s0, s13, $0xb8;
	[tilespmem:$0x1C400] =	vst v63  }
0xb8: {  	_ =	swait.ge [sflag:s11], $0x4000  }
0xb9: {  	s7 =	simm.s32 $0x100;
	s5 =	simm.s32 $0x80;
	[sflag:s11] =	ssyncset.done $0x0  }
.LBB2_3:
0xba: {  	s6 =	sadd.s32 s5, s9  }
0xbb: {  	[sflag:s11] =	ssyncadd.s32 $0xFFFFC000;
	s10 =	smov.u32 s7;
	s24 =	sadd.s32 $0x80, s7  }
0xbc: {  	[tilespmem:s3], [sflag:$0x3] =	stream.linear.gather [hbm4b:s6+s3], $0x400, $0x38;
	[tilespmem:$0x1C400] =	vst v63  }
0xbd: {  	p1 =	sne.s32 s7, $0x980;
	_ =	swait.ge [sflag:s11], $0x400  }
0xbe: {  	[sflag:s11] =	ssyncset.done $0x0  }
0xbf: {  	s6 =	sadd.s32 s5, s8;
	s5 =	smov.u32 s10;
	[sflag:s11] =	ssyncadd.s32 $0xFFFFFC00  }
0xc0: {  	[tilespmem:s12], [sflag:$0x3] =	stream.linear.gather [hbm4b:s6+s3], $0x400, $0x38;
	[tilespmem:$0x1C400] =	vst v63  }
0xc1: {  	_ =	swait.ge [sflag:s11], $0x400  }
0xc2: {  	[sflag:s11] =	ssyncset.done $0x0  }
0xc3: {  	[sflag:s11] =	ssyncadd.s32 $0xFFFFFC00  }
0xc4: {  	[tilespmem:s14], [sflag:$0x1] =	stream.indirect.gather [hbm4b:s4+s13], $0x80, s3, s13, $0xb8;
	[tilespmem:$0x1C400] =	vst v63  }
0xc5: {  	_ = 	snop  }
0xc6: {  	[tilespmem:s15], [sflag:$0x2] =	stream.indirect.gather [hbm4b:s4+s13], $0x80, s13, s13, $0xb8;
	[tilespmem:$0x1C400] =	vst v63  }
0xc7: {  	_ =	swait.ge [sflag:s16], $0x4000  }
0xc8: {  	[sflag:s16] =	ssyncset.done $0x0  }
0xc9: {  	[sflag:s16] =	ssyncadd.s32 $0xFFFFC000  }
0xca: {  	[spmem:s2] =	stream.indirect.scatter.add.f32 [tilespmem:s14], [sflag:$0x3], $0x80, s12, s13, $0xb8;
	[tilespmem:$0x1C400] =	vst v63  }
0xcb: {  	_ =	swait.ge [sflag:s11], $0x4000  }
0xcc: {  	[sflag:s11] =	ssyncset.done $0x0  }
0xcd: {  	[sflag:s11] =	ssyncadd.s32 $0xFFFFC000  }
0xce: {  	[tilespmem:s14], [sflag:$0x1] =	stream.indirect.gather [hbm4b:s4+s13], $0x80, s17, s13, $0xb8;
	[tilespmem:$0x1C400] =	vst v63  }
0xcf: {  	_ =	swait.ge [sflag:s18], $0x4000  }
0xd0: {  	[sflag:s18] =	ssyncset.done $0x0  }
0xd1: {  	[sflag:s18] =	ssyncadd.s32 $0xFFFFC000  }
0xd2: {  	[spmem:s2] =	stream.indirect.scatter.add.f32 [tilespmem:s15], [sflag:$0x3], $0x80, s19, s13, $0xb8;
	[tilespmem:$0x1C400] =	vst v63  }
0xd3: {  	_ =	swait.ge [sflag:s11], $0x4000  }
0xd4: {  	[sflag:s11] =	ssyncset.done $0x0  }
0xd5: {  	[sflag:s11] =	ssyncadd.s32 $0xFFFFC000  }
0xd6: {  	[tilespmem:s15], [sflag:$0x2] =	stream.indirect.gather [hbm4b:s4+s13], $0x80, s20, s13, $0xb8;
	[tilespmem:$0x1C400] =	vst v63  }
0xd7: {  	_ =	swait.ge [sflag:s16], $0x4000  }
0xd8: {  	[sflag:s16] =	ssyncset.done $0x0  }
0xd9: {  	[sflag:s16] =	ssyncadd.s32 $0xFFFFC000  }
0xda: {  	[spmem:s2] =	stream.indirect.scatter.add.f32 [tilespmem:s14], [sflag:$0x3], $0x80, s21, s13, $0xb8;
	[tilespmem:$0x1C400] =	vst v63  }
0xdb: {  	_ =	swait.ge [sflag:s11], $0x4000  }
0xdc: {  	[sflag:s11] =	ssyncset.done $0x0  }
0xdd: {  	[sflag:s11] =	ssyncadd.s32 $0xFFFFC000  }
0xde: {  	[tilespmem:s14], [sflag:$0x1] =	stream.indirect.gather [hbm4b:s4+s13], $0x80, s22, s13, $0xb8;
	[tilespmem:$0x1C400] =	vst v63  }
0xdf: {  	_ =	swait.ge [sflag:s18], $0x4000  }
0xe0: {  	[sflag:s18] =	ssyncset.done $0x0  }
0xe1: {  	[sflag:s18] =	ssyncadd.s32 $0xFFFFC000  }
0xe2: {  	[spmem:s2] =	stream.indirect.scatter.add.f32 [tilespmem:s15], [sflag:$0x3], $0x80, s23, s13, $0xb8;
	[tilespmem:$0x1C400] =	vst v63  }
0xe3: {  	_ =	swait.ge [sflag:s11], $0x4000  }
0xe4: {  	[sflag:s11] =	ssyncset.done $0x0  }
0xe5: {  	[sflag:s11] =	ssyncadd.s32 $0xFFFFC000  }
0xe6: {  	[tilespmem:s15], [sflag:$0x2] =	stream.indirect.gather [hbm4b:s4+s13], $0x80, s25, s13, $0xb8;
	[tilespmem:$0x1C400] =	vst v63  }
0xe7: {  	_ =	swait.ge [sflag:s16], $0x4000  }
0xe8: {  	[sflag:s16] =	ssyncset.done $0x0  }
0xe9: {  	[sflag:s16] =	ssyncadd.s32 $0xFFFFC000  }
0xea: {  	[spmem:s2] =	stream.indirect.scatter.add.f32 [tilespmem:s14], [sflag:$0x3], $0x80, s26, s13, $0xb8;
	[tilespmem:$0x1C400] =	vst v63  }
0xeb: {  	_ =	swait.ge [sflag:s11], $0x4000  }
0xec: {  	[sflag:s11] =	ssyncset.done $0x0  }
0xed: {  	[sflag:s11] =	ssyncadd.s32 $0xFFFFC000  }
0xee: {  	[tilespmem:s14], [sflag:$0x1] =	stream.indirect.gather [hbm4b:s4+s13], $0x80, s28, s13, $0xb8;
	[tilespmem:$0x1C400] =	vst v63  }
0xef: {  	_ =	swait.ge [sflag:s18], $0x4000  }
0xf0: {  	[sflag:s18] =	ssyncset.done $0x0  }
0xf1: {  	[sflag:s18] =	ssyncadd.s32 $0xFFFFC000  }
0xf2: {  	[spmem:s2] =	stream.indirect.scatter.add.f32 [tilespmem:s15], [sflag:$0x3], $0x80, s29, s13, $0xb8;
	[tilespmem:$0x1C400] =	vst v63  }
0xf3: {  	_ =	swait.ge [sflag:s11], $0x4000  }
0xf4: {  	[sflag:s11] =	ssyncset.done $0x0  }
0xf5: {  	[sflag:s11] =	ssyncadd.s32 $0xFFFFC000  }
0xf6: {  	[tilespmem:s15], [sflag:$0x2] =	stream.indirect.gather [hbm4b:s4+s13], $0x80, s30, s13, $0xb8;
	[tilespmem:$0x1C400] =	vst v63  }
0xf7: {  	_ =	swait.ge [sflag:s16], $0x4000  }
0xf8: {  	[sflag:s16] =	ssyncset.done $0x0  }
0xf9: {  	[sflag:s16] =	ssyncadd.s32 $0xFFFFC000  }
0xfa: {  	[spmem:s2] =	stream.indirect.scatter.add.f32 [tilespmem:s14], [sflag:$0x3], $0x80, s31, s13, $0xb8;
	[tilespmem:$0x1C400] =	vst v63  }
0xfb: {  	_ =	swait.ge [sflag:s11], $0x4000  }
0xfc: {  	[sflag:s11] =	ssyncset.done $0x0  }
0xfd: {  	[sflag:s11] =	ssyncadd.s32 $0xFFFFC000  }
0xfe: {  	_ =	swait.ge [sflag:s18], $0x4000  }
.Ltmp3:
0xff: {  	[sflag:s18] =	ssyncset.done $0x0;
	(pc) =	sbr.rel @p1 .LBB2_3-.Ltmp3, $4  }
0x100: {  	[sflag:s18] =	ssyncadd.s32 $0xFFFFC000  }
0x101: {  	[spmem:s2] =	stream.indirect.scatter.add.f32 [tilespmem:s15], [sflag:$0x3], $0x80, s0, s13, $0xb8;
	[tilespmem:$0x1C400] =	vst v63  }
0x102: {  	_ =	swait.ge [sflag:s11], $0x4000  }
0x103: {  	s7 =	smov.u32 s24;
	[sflag:s11] =	ssyncset.done $0x0  }
.Ltmp4:
0x104: {  	_ = 	snop;
	(pc) =	sbr.rel .LBB2_4-.Ltmp4, $1  }
0x105: {  	_ =	sdelay $0x3  }
.LBB2_6:
0x106: {  	_ =	sfence.sel $0x180000  }
0x107: {  	[bflag:$0x0] =	sbarrier.arrive $0xFFFF  }
0x108: {  	_ =	strace $0x90000050  }
0x109: {  	s0 =	stileid.u32;
	[bflag:$0x2] =	sbarrier.arrive $0xFFFF  }
0x10a: {  	p0 =	sne.s32 s0, $0x0;
	s0 =	rddreg [dreg:$0x3]  }
0x10b: {  	s0 =	sadd.s32 @!p0 $0x100000, s0  }
0x10c: {  	[sflag:s0] =	ssyncadd.tile.s32 @!p0 $0x1;
	_ =	shalt  }
.Lfunc_end2:
_tile_overlayer_lowered:
.L_overlay_start_2:
0x10d: {  	(tag) =	ssettag $0x2  }
0x10e: {  	s0 =	rddreg [dreg:$0x0];
	s2 =	stileid.u32  }
0x10f: {  	s1 =	rddreg [dreg:$0x1];
	p0 =	sne.s32 s2, $0x0  }
0x110: {  	s3 =	rddreg [dreg:$0x2];
	[bflag:$0x3] =	sbarrier.arrive $0xFFFF;
	s2 =	simm.s32 @!p0 $0x1C03  }
0x111: {  	[timem:s3], [sflag:s2] =	dma.local @!p0 [hbm:s0], s1  }
0x112: {  	s0 =	simm.s32 @!p0 $0x3  }
0x113: {  	_ =	swait.ge @!p0 [sflag:s0], s1  }
0x114: {  	s1 =	ssub.s32 @!p0 $0x0, s1;
	[sflag:s0] =	ssyncset.done @!p0 $0x0  }
0x115: {  	[sflag:s0] =	ssyncadd.s32 @!p0 s1  }
0x116: {  	[bflag:$0x3] =	sbarrier.arrive $0xFFFF  }
0x117: {  	_ =	shalt  }

</sc_bundles>
